<compile_context>
chip_gen: v7x
topology: tpu7x:2x2x1
jax: 0.10.2.dev20260603
libtpu: 0.0.44.dev20260713+nightly
codegen_flags: <defaults>
</compile_context>

<pallas_src>
import jax
import jax.numpy as jnp
from jax import lax
from jax.experimental import pallas as pl
from jax.experimental.pallas import tpu as pltpu
from jax.experimental.pallas import tpu_sc as plsc

NUM_FEATURES = 768
HIDDEN = 512
MAX_ACTIVE = 32
BATCH = 4096

NUM_TILES = 32
CHUNK_ROWS = 64
WORDS = 512

BB = 512


def _make_sc_counts_body(batch, row_offset):
    rows_per_tile = batch // NUM_TILES
    num_chunks = max(1, rows_per_tile // CHUNK_ROWS)
    chunk_rows = rows_per_tile // num_chunks

    slab = max(rows_per_tile, 128)
    tiles_per_slab = slab // rows_per_tile

    def body(wf_hbm, bf_hbm, counts_hbm,
             featw_v, featb_v, counts_a, counts_b, sem_a, sem_b, sem_f):
        wid = lax.axis_index("s") * 2 + lax.axis_index("c")
        slab_base = row_offset + (wid // tiles_per_slab) * slab
        sub = (wid % tiles_per_slab) * rows_per_tile
        fcw = pltpu.make_async_copy(
            wf_hbm.at[:, pl.ds(slab_base, slab)], featw_v, sem_f)
        fcb = pltpu.make_async_copy(
            bf_hbm.at[:, pl.ds(slab_base, slab)], featb_v, sem_f)
        fcw.start()
        fcb.start()

        lane = lax.iota(jnp.int32, 16)
        izeros = jnp.zeros((16,), jnp.int32)
        ones = jnp.ones((16,), jnp.int32)
        eights = jnp.full((16,), 8, jnp.int32)

        bufs = (counts_a, counts_b)
        sems = (sem_a, sem_b)
        copies = [None] * num_chunks
        for chunk in range(num_chunks):
            counts_v = bufs[chunk % 2]
            if chunk >= 2:
                copies[chunk - 2].wait()

            def zero_row(r, carry):
                for c in range(WORDS // 16):
                    counts_v[r, pl.ds(c * 16, 16)] = izeros
                return carry
            lax.fori_loop(0, chunk_rows, zero_row, 0)

            if chunk == 0:
                fcw.wait()
                fcb.wait()

            def scatter_group(g, carry):
                crow = g * 16 + lane
                foff = sub + chunk * chunk_rows + g * 16
                for a in range(MAX_ACTIVE):
                    fw = featw_v[a, pl.ds(foff, 16)]
                    val_w = ones << ((fw >> 9) * eights)
                    plsc.addupdate_scatter(counts_v, [crow, fw & (WORDS - 1)], val_w)
                    gb = featb_v[a, pl.ds(foff, 16)] + 1024
                    val_b = ones << ((gb >> 9) * eights)
                    plsc.addupdate_scatter(counts_v, [crow, gb & (WORDS - 1)], val_b)
                return carry
            lax.fori_loop(0, chunk_rows // 16, scatter_group, 0)

            copies[chunk] = pltpu.make_async_copy(
                counts_v,
                counts_hbm.at[pl.ds(wid * rows_per_tile + chunk * chunk_rows,
                                    chunk_rows), :],
                sems[chunk % 2])
            copies[chunk].start()
        for chunk in range(max(0, num_chunks - 2), num_chunks):
            copies[chunk].wait()

    return body, rows_per_tile, chunk_rows


def _sc_counts(white_features, black_features, batch, row_offset):
    body, rows_per_tile, chunk_rows = _make_sc_counts_body(batch, row_offset)
    mesh = plsc.VectorSubcoreMesh(core_axis_name="c", subcore_axis_name="s")
    k = pl.kernel(
        body,
        out_type=jax.ShapeDtypeStruct((batch, WORDS), jnp.int32),
        mesh=mesh,
        compiler_params=pltpu.CompilerParams(needs_layout_passes=False),
        scratch_types=[
            pltpu.VMEM((MAX_ACTIVE, max(rows_per_tile, 128)), jnp.int32),
            pltpu.VMEM((MAX_ACTIVE, max(rows_per_tile, 128)), jnp.int32),
            pltpu.VMEM((chunk_rows, WORDS), jnp.int32),
            pltpu.VMEM((chunk_rows, WORDS), jnp.int32),
            pltpu.SemaphoreType.DMA,
            pltpu.SemaphoreType.DMA,
            pltpu.SemaphoreType.DMA,
        ],
    )
    return k(white_features, black_features)


def _tc_dense_body(counts_ref, stm_ref, table_ref, bias_ref, ow_ref, ob_ref, out_ref):
    w = counts_ref[...]
    t_lo = table_ref[:WORDS, :].astype(jnp.bfloat16)
    t_hi = table_ref[WORDS:, :].astype(jnp.bfloat16)
    bias = bias_ref[0, :][None, :]

    def acc_of(p_lo, p_hi):
        f_lo = (p_lo & 255).astype(jnp.bfloat16)
        f_hi = (p_hi & 255).astype(jnp.bfloat16)
        return (jnp.dot(f_lo, t_lo, preferred_element_type=jnp.float32)
                + jnp.dot(f_hi[:, :NUM_FEATURES - WORDS], t_hi,
                          preferred_element_type=jnp.float32) + bias)

    acc_w = acc_of(w, w >> 8)
    acc_b = acc_of(w >> 16, w >> 24)

    act_w = jnp.square(jnp.clip(acc_w, 0.0, 1.0))
    act_b = jnp.square(jnp.clip(acc_b, 0.0, 1.0))

    w_us = ow_ref[0, :HIDDEN][None, :]
    w_them = ow_ref[0, HIDDEN:][None, :]
    u = (w_us + w_them) * 0.5
    v = (w_us - w_them) * 0.5
    sp = act_w + act_b
    dv = (act_w - act_b) * v
    r_f = jnp.sum(dv, axis=1)
    r_e = jnp.sum(sp * u + dv, axis=1)
    s = stm_ref[...].astype(jnp.float32)
    out_ref[...] = r_e - 2.0 * s * r_f + ob_ref[0, 0]


def _tc_dense(counts, stm, ft_weight, ft_bias, out_weight, out_bias):
    batch = counts.shape[0]
    grid = (batch // BB,)
    return pl.pallas_call(
        _tc_dense_body,
        grid=grid,
        in_specs=[
            pl.BlockSpec((BB, WORDS), lambda i: (i, 0)),
            pl.BlockSpec((BB,), lambda i: (i,)),
            pl.BlockSpec((NUM_FEATURES, HIDDEN), lambda i: (0, 0)),
            pl.BlockSpec((1, HIDDEN), lambda i: (0, 0)),
            pl.BlockSpec((1, 2 * HIDDEN), lambda i: (0, 0)),
            pl.BlockSpec((1, 1), lambda i: (0, 0)),
        ],
        out_specs=pl.BlockSpec((BB,), lambda i: (i,)),
        out_shape=jax.ShapeDtypeStruct((batch,), jnp.float32),
    )(
        counts,
        stm,
        ft_weight,
        ft_bias[None, :],
        out_weight[None, :],
        out_bias[None, :],
    )


def kernel(white_features, black_features, stm, ft_weight, ft_bias, out_weight, out_bias):
    counts = _sc_counts(white_features.T, black_features.T, BATCH, 0)
    return _tc_dense(counts, stm, ft_weight, ft_bias, out_weight, out_bias)

# --- scband reference (transcript-rebuilt; emitter-appended) ---
"""Pipeline reference for scband-nnuemodel-52037823758706 (READ-ONLY COPY).

The authoritative reference and input builder live on the scoring server;
editing this copy changes nothing except your own understanding.
"""

import jax, jax.numpy as jnp
import numpy as np

NUM_FEATURES = 768
HIDDEN_SIZE = 512
BATCH = 4096
MAX_ACTIVE = 32


def setup_inputs(seed: int = 0) -> dict:
    key = jax.random.key(seed)
    k1, k2, k3, k4, k5 = jax.random.split(key, 5)
    white_features = jax.random.randint(k1, (BATCH, MAX_ACTIVE), 0, NUM_FEATURES, dtype=jnp.int64 if jax.config.jax_enable_x64 else jnp.int32).astype(jnp.int32)
    black_features = jax.random.randint(k2, (BATCH, MAX_ACTIVE), 0, NUM_FEATURES, dtype=jnp.int32)
    stm = jax.random.randint(k3, (BATCH,), 0, 2, dtype=jnp.int32)
    # parameters (kaiming normal for ft_weight: std = sqrt(2 / fan_in), fan_in = NUM_FEATURES)
    ft_weight = jax.random.normal(k4, (NUM_FEATURES, HIDDEN_SIZE), dtype=jnp.float32) * np.sqrt(2.0 / NUM_FEATURES)
    ft_bias = jnp.zeros((HIDDEN_SIZE,), dtype=jnp.float32)
    out_weight = jax.random.normal(k5, (2 * HIDDEN_SIZE,), dtype=jnp.float32) * 0.01
    out_bias = jnp.zeros((1,), dtype=jnp.float32)
    return {
        "white_features": white_features,
        "black_features": black_features,
        "stm": stm,
        "ft_weight": ft_weight,
        "ft_bias": ft_bias,
        "out_weight": out_weight,
        "out_bias": out_bias,
    }


def _screlu(x):
    return jnp.square(jnp.clip(x, 0.0, 1.0))


def _accumulate(features, ft_weight, ft_bias):
    valid_mask = features >= 0
    safe_indices = jnp.clip(features, 0)
    weights = jnp.take(ft_weight, safe_indices, axis=0)  # [B, A, H] gather
    weights = weights * valid_mask[..., None].astype(jnp.float32)
    return ft_bias[None, :] + weights.sum(axis=1)


def reference(white_features, black_features, stm, ft_weight, ft_bias, out_weight, out_bias):
    white_acc = _accumulate(white_features, ft_weight, ft_bias)
    black_acc = _accumulate(black_features, ft_weight, ft_bias)
    white_act = _screlu(white_acc)
    black_act = _screlu(black_acc)
    stm_mask = stm[:, None].astype(jnp.float32)
    us = white_act * (1.0 - stm_mask) + black_act * stm_mask
    them = black_act * (1.0 - stm_mask) + white_act * stm_mask
    combined = jnp.concatenate([us, them], axis=1)
    output = (combined * out_weight[None, :]).sum(axis=1) + jnp.squeeze(out_bias)
    return output

if __name__ == "__main__":
    import jax
    _d = setup_inputs()
    print(jax.jit(kernel)(*tuple(_d.values())))

</pallas_src>

<mosaic_0001>
#map = affine_map<(d0, d1) -> (0, 0)>
module attributes {stable_mosaic.version = 14 : i64} {
  func.func @body(%arg0: i32, %arg1: i32, %arg2: memref<32x4096xi32, #tpu.memory_space<hbm>>, %arg3: memref<32x4096xi32, #tpu.memory_space<hbm>>, %arg4: memref<4096x512xi32, #tpu.memory_space<hbm>>, %arg5: memref<32x128xi32, #tpu.memory_space<vmem>>, %arg6: memref<32x128xi32, #tpu.memory_space<vmem>>, %arg7: memref<64x512xi32, #tpu.memory_space<vmem>>, %arg8: memref<64x512xi32, #tpu.memory_space<vmem>>, %arg9: memref<!tpu.dma_semaphore, #tpu.memory_space<semaphore_mem>>, %arg10: memref<!tpu.dma_semaphore, #tpu.memory_space<semaphore_mem>>, %arg11: memref<!tpu.dma_semaphore, #tpu.memory_space<semaphore_mem>>) attributes {dimension_semantics = [#tpu.dimension_semantics<core_parallel>, #tpu.dimension_semantics<subcore_parallel>], iteration_bounds = array<i64: 2, 16>, scalar_prefetch = 0 : i64, scratch_operands = 7 : i64, tpu.core_type = #tpu.core_type<sc_vector_subcore>, window_params = [{transform_indices = #map}, {transform_indices = #map}, {transform_indices = #map}]} {
    %mul3A = arith.constant 2 : i32
    %mul3A_0 = arith.muli %arg1, %mul3A : i32
    %add3A = arith.addi %mul3A_0, %arg0 : i32
    %jit3A = arith.constant 1 : i32
    %div3A = arith.divsi %add3A, %jit3A : i32
    %sign3A = arith.constant 0 : i32
    %sign3A_1 = arith.cmpi sgt, %add3A, %sign3A : i32
    %sign3A_2 = arith.extui %sign3A_1 : i1 to i32
    %sign3A_3 = arith.constant 0 : i32
    %sign3A_4 = arith.cmpi slt, %add3A, %sign3A_3 : i32
    %sign3A_5 = arith.extui %sign3A_4 : i1 to i32
    %sign3A_6 = arith.subi %sign3A_2, %sign3A_5 : i32
    %sign3A_7 = arith.constant 0 : i32
    %sign3A_8 = arith.cmpi sgt, %jit3A, %sign3A_7 : i32
    %sign3A_9 = arith.extui %sign3A_8 : i1 to i32
    %sign3A_10 = arith.constant 0 : i32
    %sign3A_11 = arith.cmpi slt, %jit3A, %sign3A_10 : i32
    %sign3A_12 = arith.extui %sign3A_11 : i1 to i32
    %sign3A_13 = arith.subi %sign3A_9, %sign3A_12 : i32
    %ne3A = arith.cmpi ne, %sign3A_6, %sign3A_13 : i32
    %rem3A = arith.remsi %add3A, %jit3A : i32
    %ne3A_14 = arith.constant 0 : i32
    %ne3A_15 = arith.cmpi ne, %rem3A, %ne3A_14 : i32
    %and3A = arith.andi %ne3A, %ne3A_15 : i1
    %sub3A = arith.constant 1 : i32
    %sub3A_16 = arith.subi %div3A, %sub3A : i32
    %select_n3A = arith.select %and3A, %sub3A_16, %div3A : i32
    %mul3A_17 = arith.constant 128 : i32
    %mul3A_18 = arith.muli %select_n3A, %mul3A_17 : i32
    %add3A_19 = arith.constant 0 : i32
    %add3A_20 = arith.addi %add3A_19, %mul3A_18 : i32
    %jit3A_21 = arith.constant 1 : i32
    %eq3A = arith.constant 0 : i32
    %eq3A_22 = arith.cmpi eq, %jit3A_21, %eq3A : i32
    %jit3A_23 = arith.constant 1 : i32
    %select_n3A_24 = arith.select %eq3A_22, %jit3A_23, %jit3A_21 : i32
    %rem3A_25 = arith.remsi %add3A, %select_n3A_24 : i32
    %ne3A_26 = arith.constant 0 : i32
    %ne3A_27 = arith.cmpi ne, %rem3A_25, %ne3A_26 : i32
    %lt3A = arith.constant 0 : i32
    %lt3A_28 = arith.cmpi slt, %rem3A_25, %lt3A : i32
    %lt3A_29 = arith.constant 0 : i32
    %lt3A_30 = arith.cmpi slt, %select_n3A_24, %lt3A_29 : i32
    %ne3A_31 = arith.xori %lt3A_28, %lt3A_30 : i1
    %and3A_32 = arith.andi %ne3A_31, %ne3A_27 : i1
    %add3A_33 = arith.addi %rem3A_25, %select_n3A_24 : i32
    %select_n3A_34 = arith.select %and3A_32, %add3A_33, %rem3A_25 : i32
    %mul3A_35 = arith.constant 128 : i32
    %mul3A_36 = arith.muli %select_n3A_34, %mul3A_35 : i32
    %dma_start3A = arith.constant 0 : i32
    %dma_start3A_37 = tpu.memref_slice %arg2[%dma_start3A, %add3A_20] : memref<32x4096xi32, #tpu.memory_space<hbm>> -> memref<32x128xi32, #tpu.memory_space<hbm>>
    %dma_start3A_38 = arith.constant 0 : i32
    %dma_start3A_39 = tpu.memref_slice %arg2[%dma_start3A_38, %add3A_20] : memref<32x4096xi32, #tpu.memory_space<hbm>> -> memref<32x128xi32, #tpu.memory_space<hbm>>
    tpu.enqueue_dma source(%dma_start3A_39 : memref<32x128xi32, #tpu.memory_space<hbm>>) target(%arg5 : memref<32x128xi32, #tpu.memory_space<vmem>>) target_semaphore(%arg11 : memref<!tpu.dma_semaphore, #tpu.memory_space<semaphore_mem>>)
    %dma_start3A_40 = arith.constant 0 : i32
    %dma_start3A_41 = tpu.memref_slice %arg3[%dma_start3A_40, %add3A_20] : memref<32x4096xi32, #tpu.memory_space<hbm>> -> memref<32x128xi32, #tpu.memory_space<hbm>>
    %dma_start3A_42 = arith.constant 0 : i32
    %dma_start3A_43 = tpu.memref_slice %arg3[%dma_start3A_42, %add3A_20] : memref<32x4096xi32, #tpu.memory_space<hbm>> -> memref<32x128xi32, #tpu.memory_space<hbm>>
    tpu.enqueue_dma source(%dma_start3A_43 : memref<32x128xi32, #tpu.memory_space<hbm>>) target(%arg6 : memref<32x128xi32, #tpu.memory_space<vmem>>) target_semaphore(%arg11 : memref<!tpu.dma_semaphore, #tpu.memory_space<semaphore_mem>>)
    %iota3A = tpu.iota {dimensions = array<i32: 0>} : vector<16xi32>
    %broadcast_in_dim3A = arith.constant 0 : i32
    %broadcast_in_dim3A_44 = vector.broadcast %broadcast_in_dim3A : i32 to vector<16xi32>
    %broadcast_in_dim3A_45 = arith.constant 1 : i32
    %broadcast_in_dim3A_46 = vector.broadcast %broadcast_in_dim3A_45 : i32 to vector<16xi32>
    %broadcast_in_dim3A_47 = arith.constant 8 : i32
    %broadcast_in_dim3A_48 = vector.broadcast %broadcast_in_dim3A_47 : i32 to vector<16xi32>
    %scan3A = arith.constant 0 : i32
    %scan3A_49 = arith.constant 0 : i32
    %scan3A_50 = arith.constant 64 : i32
    %scan3A_51 = arith.addi %scan3A_49, %scan3A_50 : i32
    %scan3A_52 = arith.constant 1 : i32
    scf.for %scan3A_103 = %scan3A_49 to %scan3A_51 step %scan3A_52  : i32 {
      %swap3A = arith.index_cast %scan3A_103 : i32 to index
      %swap3A_104 = arith.constant 0 : index
      %swap3A_105 = tpu.vector_load %arg7[%swap3A, %swap3A_104] {strides = array<i32>} : memref<64x512xi32, #tpu.memory_space<vmem>>, vector<16xi32>,
      tpu.vector_store %arg7[%swap3A, %swap3A_104], %broadcast_in_dim3A_44 {strides = array<i32>} : memref<64x512xi32, #tpu.memory_space<vmem>>, vector<16xi32>,
      %swap3A_106 = arith.index_cast %scan3A_103 : i32 to index
      %swap3A_107 = arith.constant 16 : index
      %swap3A_108 = tpu.vector_load %arg7[%swap3A_106, %swap3A_107] {strides = array<i32>} : memref<64x512xi32, #tpu.memory_space<vmem>>, vector<16xi32>,
      tpu.vector_store %arg7[%swap3A_106, %swap3A_107], %broadcast_in_dim3A_44 {strides = array<i32>} : memref<64x512xi32, #tpu.memory_space<vmem>>, vector<16xi32>,
      %swap3A_109 = arith.index_cast %scan3A_103 : i32 to index
      %swap3A_110 = arith.constant 32 : index
      %swap3A_111 = tpu.vector_load %arg7[%swap3A_109, %swap3A_110] {strides = array<i32>} : memref<64x512xi32, #tpu.memory_space<vmem>>, vector<16xi32>,
      tpu.vector_store %arg7[%swap3A_109, %swap3A_110], %broadcast_in_dim3A_44 {strides = array<i32>} : memref<64x512xi32, #tpu.memory_space<vmem>>, vector<16xi32>,
      %swap3A_112 = arith.index_cast %scan3A_103 : i32 to index
      %swap3A_113 = arith.constant 48 : index
      %swap3A_114 = tpu.vector_load %arg7[%swap3A_112, %swap3A_113] {strides = array<i32>} : memref<64x512xi32, #tpu.memory_space<vmem>>, vector<16xi32>,
      tpu.vector_store %arg7[%swap3A_112, %swap3A_113], %broadcast_in_dim3A_44 {strides = array<i32>} : memref<64x512xi32, #tpu.memory_space<vmem>>, vector<16xi32>,
      %swap3A_115 = arith.index_cast %scan3A_103 : i32 to index
      %swap3A_116 = arith.constant 64 : index
      %swap3A_117 = tpu.vector_load %arg7[%swap3A_115, %swap3A_116] {strides = array<i32>} : memref<64x512xi32, #tpu.memory_space<vmem>>, vector<16xi32>,
      tpu.vector_store %arg7[%swap3A_115, %swap3A_116], %broadcast_in_dim3A_44 {strides = array<i32>} : memref<64x512xi32, #tpu.memory_space<vmem>>, vector<16xi32>,
      %swap3A_118 = arith.index_cast %scan3A_103 : i32 to index
      %swap3A_119 = arith.constant 80 : index
      %swap3A_120 = tpu.vector_load %arg7[%swap3A_118, %swap3A_119] {strides = array<i32>} : memref<64x512xi32, #tpu.memory_space<vmem>>, vector<16xi32>,
      tpu.vector_store %arg7[%swap3A_118, %swap3A_119], %broadcast_in_dim3A_44 {strides = array<i32>} : memref<64x512xi32, #tpu.memory_space<vmem>>, vector<16xi32>,
      %swap3A_121 = arith.index_cast %scan3A_103 : i32 to index
      %swap3A_122 = arith.constant 96 : index
      %swap3A_123 = tpu.vector_load %arg7[%swap3A_121, %swap3A_122] {strides = array<i32>} : memref<64x512xi32, #tpu.memory_space<vmem>>, vector<16xi32>,
      tpu.vector_store %arg7[%swap3A_121, %swap3A_122], %broadcast_in_dim3A_44 {strides = array<i32>} : memref<64x512xi32, #tpu.memory_space<vmem>>, vector<16xi32>,
      %swap3A_124 = arith.index_cast %scan3A_103 : i32 to index
      %swap3A_125 = arith.constant 112 : index
      %swap3A_126 = tpu.vector_load %arg7[%swap3A_124, %swap3A_125] {strides = array<i32>} : memref<64x512xi32, #tpu.memory_space<vmem>>, vector<16xi32>,
      tpu.vector_store %arg7[%swap3A_124, %swap3A_125], %broadcast_in_dim3A_44 {strides = array<i32>} : memref<64x512xi32, #tpu.memory_space<vmem>>, vector<16xi32>,
      %swap3A_127 = arith.index_cast %scan3A_103 : i32 to index
      %swap3A_128 = arith.constant 128 : index
      %swap3A_129 = tpu.vector_load %arg7[%swap3A_127, %swap3A_128] {strides = array<i32>} : memref<64x512xi32, #tpu.memory_space<vmem>>, vector<16xi32>,
      tpu.vector_store %arg7[%swap3A_127, %swap3A_128], %broadcast_in_dim3A_44 {strides = array<i32>} : memref<64x512xi32, #tpu.memory_space<vmem>>, vector<16xi32>,
      %swap3A_130 = arith.index_cast %scan3A_103 : i32 to index
      %swap3A_131 = arith.constant 144 : index
      %swap3A_132 = tpu.vector_load %arg7[%swap3A_130, %swap3A_131] {strides = array<i32>} : memref<64x512xi32, #tpu.memory_space<vmem>>, vector<16xi32>,
      tpu.vector_store %arg7[%swap3A_130, %swap3A_131], %broadcast_in_dim3A_44 {strides = array<i32>} : memref<64x512xi32, #tpu.memory_space<vmem>>, vector<16xi32>,
      %swap3A_133 = arith.index_cast %scan3A_103 : i32 to index
      %swap3A_134 = arith.constant 160 : index
      %swap3A_135 = tpu.vector_load %arg7[%swap3A_133, %swap3A_134] {strides = array<i32>} : memref<64x512xi32, #tpu.memory_space<vmem>>, vector<16xi32>,
      tpu.vector_store %arg7[%swap3A_133, %swap3A_134], %broadcast_in_dim3A_44 {strides = array<i32>} : memref<64x512xi32, #tpu.memory_space<vmem>>, vector<16xi32>,
      %swap3A_136 = arith.index_cast %scan3A_103 : i32 to index
      %swap3A_137 = arith.constant 176 : index
      %swap3A_138 = tpu.vector_load %arg7[%swap3A_136, %swap3A_137] {strides = array<i32>} : memref<64x512xi32, #tpu.memory_space<vmem>>, vector<16xi32>,
      tpu.vector_store %arg7[%swap3A_136, %swap3A_137], %broadcast_in_dim3A_44 {strides = array<i32>} : memref<64x512xi32, #tpu.memory_space<vmem>>, vector<16xi32>,
      %swap3A_139 = arith.index_cast %scan3A_103 : i32 to index
      %swap3A_140 = arith.constant 192 : index
      %swap3A_141 = tpu.vector_load %arg7[%swap3A_139, %swap3A_140] {strides = array<i32>} : memref<64x512xi32, #tpu.memory_space<vmem>>, vector<16xi32>,
      tpu.vector_store %arg7[%swap3A_139, %swap3A_140], %broadcast_in_dim3A_44 {strides = array<i32>} : memref<64x512xi32, #tpu.memory_space<vmem>>, vector<16xi32>,
      %swap3A_142 = arith.index_cast %scan3A_103 : i32 to index
      %swap3A_143 = arith.constant 208 : index
      %swap3A_144 = tpu.vector_load %arg7[%swap3A_142, %swap3A_143] {strides = array<i32>} : memref<64x512xi32, #tpu.memory_space<vmem>>, vector<16xi32>,
      tpu.vector_store %arg7[%swap3A_142, %swap3A_143], %broadcast_in_dim3A_44 {strides = array<i32>} : memref<64x512xi32, #tpu.memory_space<vmem>>, vector<16xi32>,
      %swap3A_145 = arith.index_cast %scan3A_103 : i32 to index
      %swap3A_146 = arith.constant 224 : index
      %swap3A_147 = tpu.vector_load %arg7[%swap3A_145, %swap3A_146] {strides = array<i32>} : memref<64x512xi32, #tpu.memory_space<vmem>>, vector<16xi32>,
      tpu.vector_store %arg7[%swap3A_145, %swap3A_146], %broadcast_in_dim3A_44 {strides = array<i32>} : memref<64x512xi32, #tpu.memory_space<vmem>>, vector<16xi32>,
      %swap3A_148 = arith.index_cast %scan3A_103 : i32 to index
      %swap3A_149 = arith.constant 240 : index
      %swap3A_150 = tpu.vector_load %arg7[%swap3A_148, %swap3A_149] {strides = array<i32>} : memref<64x512xi32, #tpu.memory_space<vmem>>, vector<16xi32>,
      tpu.vector_store %arg7[%swap3A_148, %swap3A_149], %broadcast_in_dim3A_44 {strides = array<i32>} : memref<64x512xi32, #tpu.memory_space<vmem>>, vector<16xi32>,
      %swap3A_151 = arith.index_cast %scan3A_103 : i32 to index
      %swap3A_152 = arith.constant 256 : index
      %swap3A_153 = tpu.vector_load %arg7[%swap3A_151, %swap3A_152] {strides = array<i32>} : memref<64x512xi32, #tpu.memory_space<vmem>>, vector<16xi32>,
      tpu.vector_store %arg7[%swap3A_151, %swap3A_152], %broadcast_in_dim3A_44 {strides = array<i32>} : memref<64x512xi32, #tpu.memory_space<vmem>>, vector<16xi32>,
      %swap3A_154 = arith.index_cast %scan3A_103 : i32 to index
      %swap3A_155 = arith.constant 272 : index
      %swap3A_156 = tpu.vector_load %arg7[%swap3A_154, %swap3A_155] {strides = array<i32>} : memref<64x512xi32, #tpu.memory_space<vmem>>, vector<16xi32>,
      tpu.vector_store %arg7[%swap3A_154, %swap3A_155], %broadcast_in_dim3A_44 {strides = array<i32>} : memref<64x512xi32, #tpu.memory_space<vmem>>, vector<16xi32>,
      %swap3A_157 = arith.index_cast %scan3A_103 : i32 to index
      %swap3A_158 = arith.constant 288 : index
      %swap3A_159 = tpu.vector_load %arg7[%swap3A_157, %swap3A_158] {strides = array<i32>} : memref<64x512xi32, #tpu.memory_space<vmem>>, vector<16xi32>,
      tpu.vector_store %arg7[%swap3A_157, %swap3A_158], %broadcast_in_dim3A_44 {strides = array<i32>} : memref<64x512xi32, #tpu.memory_space<vmem>>, vector<16xi32>,
      %swap3A_160 = arith.index_cast %scan3A_103 : i32 to index
      %swap3A_161 = arith.constant 304 : index
      %swap3A_162 = tpu.vector_load %arg7[%swap3A_160, %swap3A_161] {strides = array<i32>} : memref<64x512xi32, #tpu.memory_space<vmem>>, vector<16xi32>,
      tpu.vector_store %arg7[%swap3A_160, %swap3A_161], %broadcast_in_dim3A_44 {strides = array<i32>} : memref<64x512xi32, #tpu.memory_space<vmem>>, vector<16xi32>,
      %swap3A_163 = arith.index_cast %scan3A_103 : i32 to index
      %swap3A_164 = arith.constant 320 : index
      %swap3A_165 = tpu.vector_load %arg7[%swap3A_163, %swap3A_164] {strides = array<i32>} : memref<64x512xi32, #tpu.memory_space<vmem>>, vector<16xi32>,
      tpu.vector_store %arg7[%swap3A_163, %swap3A_164], %broadcast_in_dim3A_44 {strides = array<i32>} : memref<64x512xi32, #tpu.memory_space<vmem>>, vector<16xi32>,
      %swap3A_166 = arith.index_cast %scan3A_103 : i32 to index
      %swap3A_167 = arith.constant 336 : index
      %swap3A_168 = tpu.vector_load %arg7[%swap3A_166, %swap3A_167] {strides = array<i32>} : memref<64x512xi32, #tpu.memory_space<vmem>>, vector<16xi32>,
      tpu.vector_store %arg7[%swap3A_166, %swap3A_167], %broadcast_in_dim3A_44 {strides = array<i32>} : memref<64x512xi32, #tpu.memory_space<vmem>>, vector<16xi32>,
      %swap3A_169 = arith.index_cast %scan3A_103 : i32 to index
      %swap3A_170 = arith.constant 352 : index
      %swap3A_171 = tpu.vector_load %arg7[%swap3A_169, %swap3A_170] {strides = array<i32>} : memref<64x512xi32, #tpu.memory_space<vmem>>, vector<16xi32>,
      tpu.vector_store %arg7[%swap3A_169, %swap3A_170], %broadcast_in_dim3A_44 {strides = array<i32>} : memref<64x512xi32, #tpu.memory_space<vmem>>, vector<16xi32>,
      %swap3A_172 = arith.index_cast %scan3A_103 : i32 to index
      %swap3A_173 = arith.constant 368 : index
      %swap3A_174 = tpu.vector_load %arg7[%swap3A_172, %swap3A_173] {strides = array<i32>} : memref<64x512xi32, #tpu.memory_space<vmem>>, vector<16xi32>,
      tpu.vector_store %arg7[%swap3A_172, %swap3A_173], %broadcast_in_dim3A_44 {strides = array<i32>} : memref<64x512xi32, #tpu.memory_space<vmem>>, vector<16xi32>,
      %swap3A_175 = arith.index_cast %scan3A_103 : i32 to index
      %swap3A_176 = arith.constant 384 : index
      %swap3A_177 = tpu.vector_load %arg7[%swap3A_175, %swap3A_176] {strides = array<i32>} : memref<64x512xi32, #tpu.memory_space<vmem>>, vector<16xi32>,
      tpu.vector_store %arg7[%swap3A_175, %swap3A_176], %broadcast_in_dim3A_44 {strides = array<i32>} : memref<64x512xi32, #tpu.memory_space<vmem>>, vector<16xi32>,
      %swap3A_178 = arith.index_cast %scan3A_103 : i32 to index
      %swap3A_179 = arith.constant 400 : index
      %swap3A_180 = tpu.vector_load %arg7[%swap3A_178, %swap3A_179] {strides = array<i32>} : memref<64x512xi32, #tpu.memory_space<vmem>>, vector<16xi32>,
      tpu.vector_store %arg7[%swap3A_178, %swap3A_179], %broadcast_in_dim3A_44 {strides = array<i32>} : memref<64x512xi32, #tpu.memory_space<vmem>>, vector<16xi32>,
      %swap3A_181 = arith.index_cast %scan3A_103 : i32 to index
      %swap3A_182 = arith.constant 416 : index
      %swap3A_183 = tpu.vector_load %arg7[%swap3A_181, %swap3A_182] {strides = array<i32>} : memref<64x512xi32, #tpu.memory_space<vmem>>, vector<16xi32>,
      tpu.vector_store %arg7[%swap3A_181, %swap3A_182], %broadcast_in_dim3A_44 {strides = array<i32>} : memref<64x512xi32, #tpu.memory_space<vmem>>, vector<16xi32>,
      %swap3A_184 = arith.index_cast %scan3A_103 : i32 to index
      %swap3A_185 = arith.constant 432 : index
      %swap3A_186 = tpu.vector_load %arg7[%swap3A_184, %swap3A_185] {strides = array<i32>} : memref<64x512xi32, #tpu.memory_space<vmem>>, vector<16xi32>,
      tpu.vector_store %arg7[%swap3A_184, %swap3A_185], %broadcast_in_dim3A_44 {strides = array<i32>} : memref<64x512xi32, #tpu.memory_space<vmem>>, vector<16xi32>,
      %swap3A_187 = arith.index_cast %scan3A_103 : i32 to index
      %swap3A_188 = arith.constant 448 : index
      %swap3A_189 = tpu.vector_load %arg7[%swap3A_187, %swap3A_188] {strides = array<i32>} : memref<64x512xi32, #tpu.memory_space<vmem>>, vector<16xi32>,
      tpu.vector_store %arg7[%swap3A_187, %swap3A_188], %broadcast_in_dim3A_44 {strides = array<i32>} : memref<64x512xi32, #tpu.memory_space<vmem>>, vector<16xi32>,
      %swap3A_190 = arith.index_cast %scan3A_103 : i32 to index
      %swap3A_191 = arith.constant 464 : index
      %swap3A_192 = tpu.vector_load %arg7[%swap3A_190, %swap3A_191] {strides = array<i32>} : memref<64x512xi32, #tpu.memory_space<vmem>>, vector<16xi32>,
      tpu.vector_store %arg7[%swap3A_190, %swap3A_191], %broadcast_in_dim3A_44 {strides = array<i32>} : memref<64x512xi32, #tpu.memory_space<vmem>>, vector<16xi32>,
      %swap3A_193 = arith.index_cast %scan3A_103 : i32 to index
      %swap3A_194 = arith.constant 480 : index
      %swap3A_195 = tpu.vector_load %arg7[%swap3A_193, %swap3A_194] {strides = array<i32>} : memref<64x512xi32, #tpu.memory_space<vmem>>, vector<16xi32>,
      tpu.vector_store %arg7[%swap3A_193, %swap3A_194], %broadcast_in_dim3A_44 {strides = array<i32>} : memref<64x512xi32, #tpu.memory_space<vmem>>, vector<16xi32>,
      %swap3A_196 = arith.index_cast %scan3A_103 : i32 to index
      %swap3A_197 = arith.constant 496 : index
      %swap3A_198 = tpu.vector_load %arg7[%swap3A_196, %swap3A_197] {strides = array<i32>} : memref<64x512xi32, #tpu.memory_space<vmem>>, vector<16xi32>,
      tpu.vector_store %arg7[%swap3A_196, %swap3A_197], %broadcast_in_dim3A_44 {strides = array<i32>} : memref<64x512xi32, #tpu.memory_space<vmem>>, vector<16xi32>,
    }
    %scan3A_53 = arith.constant 64 : i32
    %dma_wait3A = arith.constant 0 : i32
    %dma_wait3A_54 = tpu.memref_slice %arg2[%dma_wait3A, %add3A_20] : memref<32x4096xi32, #tpu.memory_space<hbm>> -> memref<32x128xi32, #tpu.memory_space<hbm>>
    %dma_wait3A_55 = arith.constant 0 : i32
    %dma_wait3A_56 = tpu.memref_slice %arg2[%dma_wait3A_55, %add3A_20] : memref<32x4096xi32, #tpu.memory_space<hbm>> -> memref<32x128xi32, #tpu.memory_space<hbm>>
    tpu.wait_dma2 semaphore(%arg11 : memref<!tpu.dma_semaphore, #tpu.memory_space<semaphore_mem>>) src(%dma_wait3A_56 : memref<32x128xi32, #tpu.memory_space<hbm>>) dst(%arg5 : memref<32x128xi32, #tpu.memory_space<vmem>>)
    %dma_wait3A_57 = arith.constant 0 : i32
    %dma_wait3A_58 = tpu.memref_slice %arg3[%dma_wait3A_57, %add3A_20] : memref<32x4096xi32, #tpu.memory_space<hbm>> -> memref<32x128xi32, #tpu.memory_space<hbm>>
    %dma_wait3A_59 = arith.constant 0 : i32
    %dma_wait3A_60 = tpu.memref_slice %arg3[%dma_wait3A_59, %add3A_20] : memref<32x4096xi32, #tpu.memory_space<hbm>> -> memref<32x128xi32, #tpu.memory_space<hbm>>
    tpu.wait_dma2 semaphore(%arg11 : memref<!tpu.dma_semaphore, #tpu.memory_space<semaphore_mem>>) src(%dma_wait3A_60 : memref<32x128xi32, #tpu.memory_space<hbm>>) dst(%arg6 : memref<32x128xi32, #tpu.memory_space<vmem>>)
    %scan3A_61 = arith.constant 0 : i32
    %scan3A_62 = arith.constant 0 : i32
    %scan3A_63 = arith.constant 4 : i32
    %scan3A_64 = arith.addi %scan3A_62, %scan3A_63 : i32
    %scan3A_65 = arith.constant 1 : i32
    scf.for %scan3A_103 = %scan3A_62 to %scan3A_64 step %scan3A_65  : i32 {
      %mul3A_104 = arith.constant 16 : i32
      %mul3A_105 = arith.muli %scan3A_103, %mul3A_104 : i32
      %add3A_106 = vector.broadcast %mul3A_105 : i32 to vector<16xi32>
      %add3A_107 = arith.addi %add3A_106, %iota3A : vector<16xi32>
      %add3A_108 = arith.constant 0 : i32
      %add3A_109 = arith.addi %mul3A_36, %add3A_108 : i32
      %mul3A_110 = arith.constant 16 : i32
      %mul3A_111 = arith.muli %scan3A_103, %mul3A_110 : i32
      %add3A_112 = arith.addi %add3A_109, %mul3A_111 : i32
      %get3A = arith.constant 0 : i32
      %get3A_113 = arith.index_cast %get3A : i32 to index
      %get3A_114 = arith.index_cast %add3A_112 : i32 to index
      %get3A_115 = tpu.vector_load %arg5[%get3A_113, %get3A_114] {strides = array<i32>} : memref<32x128xi32, #tpu.memory_space<vmem>>, vector<16xi32>,
      %shift_right_arithmetic3A = arith.constant 9 : i32
      %shift_right_arithmetic3A_116 = vector.broadcast %shift_right_arithmetic3A : i32 to vector<16xi32>
      %shift_right_arithmetic3A_117 = arith.shrsi %get3A_115, %shift_right_arithmetic3A_116 : vector<16xi32>
      %mul3A_118 = arith.muli %shift_right_arithmetic3A_117, %broadcast_in_dim3A_48 : vector<16xi32>
      %shift_left3A = arith.shli %broadcast_in_dim3A_46, %mul3A_118 : vector<16xi32>
      %and3A_119 = arith.constant 511 : i32
      %and3A_120 = vector.broadcast %and3A_119 : i32 to vector<16xi32>
      %and3A_121 = arith.andi %get3A_115, %and3A_120 : vector<16xi32>
      tpu.vector_store_idx %arg7[%add3A_107, %and3A_121], %shift_left3A {add = true} : memref<64x512xi32, #tpu.memory_space<vmem>>[vector<16xi32>, vector<16xi32>], vector<16xi32>,
      %get3A_122 = arith.constant 0 : i32
      %get3A_123 = arith.index_cast %get3A_122 : i32 to index
      %get3A_124 = arith.index_cast %add3A_112 : i32 to index
      %get3A_125 = tpu.vector_load %arg6[%get3A_123, %get3A_124] {strides = array<i32>} : memref<32x128xi32, #tpu.memory_space<vmem>>, vector<16xi32>,
      %add3A_126 = arith.constant 1024 : i32
      %add3A_127 = vector.broadcast %add3A_126 : i32 to vector<16xi32>
      %add3A_128 = arith.addi %get3A_125, %add3A_127 : vector<16xi32>
      %shift_right_arithmetic3A_129 = arith.constant 9 : i32
      %shift_right_arithmetic3A_130 = vector.broadcast %shift_right_arithmetic3A_129 : i32 to vector<16xi32>
      %shift_right_arithmetic3A_131 = arith.shrsi %add3A_128, %shift_right_arithmetic3A_130 : vector<16xi32>
      %mul3A_132 = arith.muli %shift_right_arithmetic3A_131, %broadcast_in_dim3A_48 : vector<16xi32>
      %shift_left3A_133 = arith.shli %broadcast_in_dim3A_46, %mul3A_132 : vector<16xi32>
      %and3A_134 = arith.constant 511 : i32
      %and3A_135 = vector.broadcast %and3A_134 : i32 to vector<16xi32>
      %and3A_136 = arith.andi %add3A_128, %and3A_135 : vector<16xi32>
      tpu.vector_store_idx %arg7[%add3A_107, %and3A_136], %shift_left3A_133 {add = true} : memref<64x512xi32, #tpu.memory_space<vmem>>[vector<16xi32>, vector<16xi32>], vector<16xi32>,
      %get3A_137 = arith.constant 1 : i32
      %get3A_138 = arith.index_cast %get3A_137 : i32 to index
      %get3A_139 = arith.index_cast %add3A_112 : i32 to index
      %get3A_140 = tpu.vector_load %arg5[%get3A_138, %get3A_139] {strides = array<i32>} : memref<32x128xi32, #tpu.memory_space<vmem>>, vector<16xi32>,
      %shift_right_arithmetic3A_141 = arith.constant 9 : i32
      %shift_right_arithmetic3A_142 = vector.broadcast %shift_right_arithmetic3A_141 : i32 to vector<16xi32>
      %shift_right_arithmetic3A_143 = arith.shrsi %get3A_140, %shift_right_arithmetic3A_142 : vector<16xi32>
      %mul3A_144 = arith.muli %shift_right_arithmetic3A_143, %broadcast_in_dim3A_48 : vector<16xi32>
      %shift_left3A_145 = arith.shli %broadcast_in_dim3A_46, %mul3A_144 : vector<16xi32>
      %and3A_146 = arith.constant 511 : i32
      %and3A_147 = vector.broadcast %and3A_146 : i32 to vector<16xi32>
      %and3A_148 = arith.andi %get3A_140, %and3A_147 : vector<16xi32>
      tpu.vector_store_idx %arg7[%add3A_107, %and3A_148], %shift_left3A_145 {add = true} : memref<64x512xi32, #tpu.memory_space<vmem>>[vector<16xi32>, vector<16xi32>], vector<16xi32>,
      %get3A_149 = arith.constant 1 : i32
      %get3A_150 = arith.index_cast %get3A_149 : i32 to index
      %get3A_151 = arith.index_cast %add3A_112 : i32 to index
      %get3A_152 = tpu.vector_load %arg6[%get3A_150, %get3A_151] {strides = array<i32>} : memref<32x128xi32, #tpu.memory_space<vmem>>, vector<16xi32>,
      %add3A_153 = arith.constant 1024 : i32
      %add3A_154 = vector.broadcast %add3A_153 : i32 to vector<16xi32>
      %add3A_155 = arith.addi %get3A_152, %add3A_154 : vector<16xi32>
      %shift_right_arithmetic3A_156 = arith.constant 9 : i32
      %shift_right_arithmetic3A_157 = vector.broadcast %shift_right_arithmetic3A_156 : i32 to vector<16xi32>
      %shift_right_arithmetic3A_158 = arith.shrsi %add3A_155, %shift_right_arithmetic3A_157 : vector<16xi32>
      %mul3A_159 = arith.muli %shift_right_arithmetic3A_158, %broadcast_in_dim3A_48 : vector<16xi32>
      %shift_left3A_160 = arith.shli %broadcast_in_dim3A_46, %mul3A_159 : vector<16xi32>
      %and3A_161 = arith.constant 511 : i32
      %and3A_162 = vector.broadcast %and3A_161 : i32 to vector<16xi32>
      %and3A_163 = arith.andi %add3A_155, %and3A_162 : vector<16xi32>
      tpu.vector_store_idx %arg7[%add3A_107, %and3A_163], %shift_left3A_160 {add = true} : memref<64x512xi32, #tpu.memory_space<vmem>>[vector<16xi32>, vector<16xi32>], vector<16xi32>,
      %get3A_164 = arith.constant 2 : i32
      %get3A_165 = arith.index_cast %get3A_164 : i32 to index
      %get3A_166 = arith.index_cast %add3A_112 : i32 to index
      %get3A_167 = tpu.vector_load %arg5[%get3A_165, %get3A_166] {strides = array<i32>} : memref<32x128xi32, #tpu.memory_space<vmem>>, vector<16xi32>,
      %shift_right_arithmetic3A_168 = arith.constant 9 : i32
      %shift_right_arithmetic3A_169 = vector.broadcast %shift_right_arithmetic3A_168 : i32 to vector<16xi32>
      %shift_right_arithmetic3A_170 = arith.shrsi %get3A_167, %shift_right_arithmetic3A_169 : vector<16xi32>
      %mul3A_171 = arith.muli %shift_right_arithmetic3A_170, %broadcast_in_dim3A_48 : vector<16xi32>
      %shift_left3A_172 = arith.shli %broadcast_in_dim3A_46, %mul3A_171 : vector<16xi32>
      %and3A_173 = arith.constant 511 : i32
      %and3A_174 = vector.broadcast %and3A_173 : i32 to vector<16xi32>
      %and3A_175 = arith.andi %get3A_167, %and3A_174 : vector<16xi32>
      tpu.vector_store_idx %arg7[%add3A_107, %and3A_175], %shift_left3A_172 {add = true} : memref<64x512xi32, #tpu.memory_space<vmem>>[vector<16xi32>, vector<16xi32>], vector<16xi32>,
      %get3A_176 = arith.constant 2 : i32
      %get3A_177 = arith.index_cast %get3A_176 : i32 to index
      %get3A_178 = arith.index_cast %add3A_112 : i32 to index
      %get3A_179 = tpu.vector_load %arg6[%get3A_177, %get3A_178] {strides = array<i32>} : memref<32x128xi32, #tpu.memory_space<vmem>>, vector<16xi32>,
      %add3A_180 = arith.constant 1024 : i32
      %add3A_181 = vector.broadcast %add3A_180 : i32 to vector<16xi32>
      %add3A_182 = arith.addi %get3A_179, %add3A_181 : vector<16xi32>
      %shift_right_arithmetic3A_183 = arith.constant 9 : i32
      %shift_right_arithmetic3A_184 = vector.broadcast %shift_right_arithmetic3A_183 : i32 to vector<16xi32>
      %shift_right_arithmetic3A_185 = arith.shrsi %add3A_182, %shift_right_arithmetic3A_184 : vector<16xi32>
      %mul3A_186 = arith.muli %shift_right_arithmetic3A_185, %broadcast_in_dim3A_48 : vector<16xi32>
      %shift_left3A_187 = arith.shli %broadcast_in_dim3A_46, %mul3A_186 : vector<16xi32>
      %and3A_188 = arith.constant 511 : i32
      %and3A_189 = vector.broadcast %and3A_188 : i32 to vector<16xi32>
      %and3A_190 = arith.andi %add3A_182, %and3A_189 : vector<16xi32>
      tpu.vector_store_idx %arg7[%add3A_107, %and3A_190], %shift_left3A_187 {add = true} : memref<64x512xi32, #tpu.memory_space<vmem>>[vector<16xi32>, vector<16xi32>], vector<16xi32>,
      %get3A_191 = arith.constant 3 : i32
      %get3A_192 = arith.index_cast %get3A_191 : i32 to index
      %get3A_193 = arith.index_cast %add3A_112 : i32 to index
      %get3A_194 = tpu.vector_load %arg5[%get3A_192, %get3A_193] {strides = array<i32>} : memref<32x128xi32, #tpu.memory_space<vmem>>, vector<16xi32>,
      %shift_right_arithmetic3A_195 = arith.constant 9 : i32
      %shift_right_arithmetic3A_196 = vector.broadcast %shift_right_arithmetic3A_195 : i32 to vector<16xi32>
      %shift_right_arithmetic3A_197 = arith.shrsi %get3A_194, %shift_right_arithmetic3A_196 : vector<16xi32>
      %mul3A_198 = arith.muli %shift_right_arithmetic3A_197, %broadcast_in_dim3A_48 : vector<16xi32>
      %shift_left3A_199 = arith.shli %broadcast_in_dim3A_46, %mul3A_198 : vector<16xi32>
      %and3A_200 = arith.constant 511 : i32
      %and3A_201 = vector.broadcast %and3A_200 : i32 to vector<16xi32>
      %and3A_202 = arith.andi %get3A_194, %and3A_201 : vector<16xi32>
      tpu.vector_store_idx %arg7[%add3A_107, %and3A_202], %shift_left3A_199 {add = true} : memref<64x512xi32, #tpu.memory_space<vmem>>[vector<16xi32>, vector<16xi32>], vector<16xi32>,
      %get3A_203 = arith.constant 3 : i32
      %get3A_204 = arith.index_cast %get3A_203 : i32 to index
      %get3A_205 = arith.index_cast %add3A_112 : i32 to index
      %get3A_206 = tpu.vector_load %arg6[%get3A_204, %get3A_205] {strides = array<i32>} : memref<32x128xi32, #tpu.memory_space<vmem>>, vector<16xi32>,
      %add3A_207 = arith.constant 1024 : i32
      %add3A_208 = vector.broadcast %add3A_207 : i32 to vector<16xi32>
      %add3A_209 = arith.addi %get3A_206, %add3A_208 : vector<16xi32>
      %shift_right_arithmetic3A_210 = arith.constant 9 : i32
      %shift_right_arithmetic3A_211 = vector.broadcast %shift_right_arithmetic3A_210 : i32 to vector<16xi32>
      %shift_right_arithmetic3A_212 = arith.shrsi %add3A_209, %shift_right_arithmetic3A_211 : vector<16xi32>
      %mul3A_213 = arith.muli %shift_right_arithmetic3A_212, %broadcast_in_dim3A_48 : vector<16xi32>
      %shift_left3A_214 = arith.shli %broadcast_in_dim3A_46, %mul3A_213 : vector<16xi32>
      %and3A_215 = arith.constant 511 : i32
      %and3A_216 = vector.broadcast %and3A_215 : i32 to vector<16xi32>
      %and3A_217 = arith.andi %add3A_209, %and3A_216 : vector<16xi32>
      tpu.vector_store_idx %arg7[%add3A_107, %and3A_217], %shift_left3A_214 {add = true} : memref<64x512xi32, #tpu.memory_space<vmem>>[vector<16xi32>, vector<16xi32>], vector<16xi32>,
      %get3A_218 = arith.constant 4 : i32
      %get3A_219 = arith.index_cast %get3A_218 : i32 to index
      %get3A_220 = arith.index_cast %add3A_112 : i32 to index
      %get3A_221 = tpu.vector_load %arg5[%get3A_219, %get3A_220] {strides = array<i32>} : memref<32x128xi32, #tpu.memory_space<vmem>>, vector<16xi32>,
      %shift_right_arithmetic3A_222 = arith.constant 9 : i32
      %shift_right_arithmetic3A_223 = vector.broadcast %shift_right_arithmetic3A_222 : i32 to vector<16xi32>
      %shift_right_arithmetic3A_224 = arith.shrsi %get3A_221, %shift_right_arithmetic3A_223 : vector<16xi32>
      %mul3A_225 = arith.muli %shift_right_arithmetic3A_224, %broadcast_in_dim3A_48 : vector<16xi32>
      %shift_left3A_226 = arith.shli %broadcast_in_dim3A_46, %mul3A_225 : vector<16xi32>
      %and3A_227 = arith.constant 511 : i32
      %and3A_228 = vector.broadcast %and3A_227 : i32 to vector<16xi32>
      %and3A_229 = arith.andi %get3A_221, %and3A_228 : vector<16xi32>
      tpu.vector_store_idx %arg7[%add3A_107, %and3A_229], %shift_left3A_226 {add = true} : memref<64x512xi32, #tpu.memory_space<vmem>>[vector<16xi32>, vector<16xi32>], vector<16xi32>,
      %get3A_230 = arith.constant 4 : i32
      %get3A_231 = arith.index_cast %get3A_230 : i32 to index
      %get3A_232 = arith.index_cast %add3A_112 : i32 to index
      %get3A_233 = tpu.vector_load %arg6[%get3A_231, %get3A_232] {strides = array<i32>} : memref<32x128xi32, #tpu.memory_space<vmem>>, vector<16xi32>,
      %add3A_234 = arith.constant 1024 : i32
      %add3A_235 = vector.broadcast %add3A_234 : i32 to vector<16xi32>
      %add3A_236 = arith.addi %get3A_233, %add3A_235 : vector<16xi32>
      %shift_right_arithmetic3A_237 = arith.constant 9 : i32
      %shift_right_arithmetic3A_238 = vector.broadcast %shift_right_arithmetic3A_237 : i32 to vector<16xi32>
      %shift_right_arithmetic3A_239 = arith.shrsi %add3A_236, %shift_right_arithmetic3A_238 : vector<16xi32>
      %mul3A_240 = arith.muli %shift_right_arithmetic3A_239, %broadcast_in_dim3A_48 : vector<16xi32>
      %shift_left3A_241 = arith.shli %broadcast_in_dim3A_46, %mul3A_240 : vector<16xi32>
      %and3A_242 = arith.constant 511 : i32
      %and3A_243 = vector.broadcast %and3A_242 : i32 to vector<16xi32>
      %and3A_244 = arith.andi %add3A_236, %and3A_243 : vector<16xi32>
      tpu.vector_store_idx %arg7[%add3A_107, %and3A_244], %shift_left3A_241 {add = true} : memref<64x512xi32, #tpu.memory_space<vmem>>[vector<16xi32>, vector<16xi32>], vector<16xi32>,
      %get3A_245 = arith.constant 5 : i32
      %get3A_246 = arith.index_cast %get3A_245 : i32 to index
      %get3A_247 = arith.index_cast %add3A_112 : i32 to index
      %get3A_248 = tpu.vector_load %arg5[%get3A_246, %get3A_247] {strides = array<i32>} : memref<32x128xi32, #tpu.memory_space<vmem>>, vector<16xi32>,
      %shift_right_arithmetic3A_249 = arith.constant 9 : i32
      %shift_right_arithmetic3A_250 = vector.broadcast %shift_right_arithmetic3A_249 : i32 to vector<16xi32>
      %shift_right_arithmetic3A_251 = arith.shrsi %get3A_248, %shift_right_arithmetic3A_250 : vector<16xi32>
      %mul3A_252 = arith.muli %shift_right_arithmetic3A_251, %broadcast_in_dim3A_48 : vector<16xi32>
      %shift_left3A_253 = arith.shli %broadcast_in_dim3A_46, %mul3A_252 : vector<16xi32>
      %and3A_254 = arith.constant 511 : i32
      %and3A_255 = vector.broadcast %and3A_254 : i32 to vector<16xi32>
      %and3A_256 = arith.andi %get3A_248, %and3A_255 : vector<16xi32>
      tpu.vector_store_idx %arg7[%add3A_107, %and3A_256], %shift_left3A_253 {add = true} : memref<64x512xi32, #tpu.memory_space<vmem>>[vector<16xi32>, vector<16xi32>], vector<16xi32>,
      %get3A_257 = arith.constant 5 : i32
      %get3A_258 = arith.index_cast %get3A_257 : i32 to index
      %get3A_259 = arith.index_cast %add3A_112 : i32 to index
      %get3A_260 = tpu.vector_load %arg6[%get3A_258, %get3A_259] {strides = array<i32>} : memref<32x128xi32, #tpu.memory_space<vmem>>, vector<16xi32>,
      %add3A_261 = arith.constant 1024 : i32
      %add3A_262 = vector.broadcast %add3A_261 : i32 to vector<16xi32>
      %add3A_263 = arith.addi %get3A_260, %add3A_262 : vector<16xi32>
      %shift_right_arithmetic3A_264 = arith.constant 9 : i32
      %shift_right_arithmetic3A_265 = vector.broadcast %shift_right_arithmetic3A_264 : i32 to vector<16xi32>
      %shift_right_arithmetic3A_266 = arith.shrsi %add3A_263, %shift_right_arithmetic3A_265 : vector<16xi32>
      %mul3A_267 = arith.muli %shift_right_arithmetic3A_266, %broadcast_in_dim3A_48 : vector<16xi32>
      %shift_left3A_268 = arith.shli %broadcast_in_dim3A_46, %mul3A_267 : vector<16xi32>
      %and3A_269 = arith.constant 511 : i32
      %and3A_270 = vector.broadcast %and3A_269 : i32 to vector<16xi32>
      %and3A_271 = arith.andi %add3A_263, %and3A_270 : vector<16xi32>
      tpu.vector_store_idx %arg7[%add3A_107, %and3A_271], %shift_left3A_268 {add = true} : memref<64x512xi32, #tpu.memory_space<vmem>>[vector<16xi32>, vector<16xi32>], vector<16xi32>,
      %get3A_272 = arith.constant 6 : i32
      %get3A_273 = arith.index_cast %get3A_272 : i32 to index
      %get3A_274 = arith.index_cast %add3A_112 : i32 to index
      %get3A_275 = tpu.vector_load %arg5[%get3A_273, %get3A_274] {strides = array<i32>} : memref<32x128xi32, #tpu.memory_space<vmem>>, vector<16xi32>,
      %shift_right_arithmetic3A_276 = arith.constant 9 : i32
      %shift_right_arithmetic3A_277 = vector.broadcast %shift_right_arithmetic3A_276 : i32 to vector<16xi32>
      %shift_right_arithmetic3A_278 = arith.shrsi %get3A_275, %shift_right_arithmetic3A_277 : vector<16xi32>
      %mul3A_279 = arith.muli %shift_right_arithmetic3A_278, %broadcast_in_dim3A_48 : vector<16xi32>
      %shift_left3A_280 = arith.shli %broadcast_in_dim3A_46, %mul3A_279 : vector<16xi32>
      %and3A_281 = arith.constant 511 : i32
      %and3A_282 = vector.broadcast %and3A_281 : i32 to vector<16xi32>
      %and3A_283 = arith.andi %get3A_275, %and3A_282 : vector<16xi32>
      tpu.vector_store_idx %arg7[%add3A_107, %and3A_283], %shift_left3A_280 {add = true} : memref<64x512xi32, #tpu.memory_space<vmem>>[vector<16xi32>, vector<16xi32>], vector<16xi32>,
      %get3A_284 = arith.constant 6 : i32
      %get3A_285 = arith.index_cast %get3A_284 : i32 to index
      %get3A_286 = arith.index_cast %add3A_112 : i32 to index
      %get3A_287 = tpu.vector_load %arg6[%get3A_285, %get3A_286] {strides = array<i32>} : memref<32x128xi32, #tpu.memory_space<vmem>>, vector<16xi32>,
      %add3A_288 = arith.constant 1024 : i32
      %add3A_289 = vector.broadcast %add3A_288 : i32 to vector<16xi32>
      %add3A_290 = arith.addi %get3A_287, %add3A_289 : vector<16xi32>
      %shift_right_arithmetic3A_291 = arith.constant 9 : i32
      %shift_right_arithmetic3A_292 = vector.broadcast %shift_right_arithmetic3A_291 : i32 to vector<16xi32>
      %shift_right_arithmetic3A_293 = arith.shrsi %add3A_290, %shift_right_arithmetic3A_292 : vector<16xi32>
      %mul3A_294 = arith.muli %shift_right_arithmetic3A_293, %broadcast_in_dim3A_48 : vector<16xi32>
      %shift_left3A_295 = arith.shli %broadcast_in_dim3A_46, %mul3A_294 : vector<16xi32>
      %and3A_296 = arith.constant 511 : i32
      %and3A_297 = vector.broadcast %and3A_296 : i32 to vector<16xi32>
      %and3A_298 = arith.andi %add3A_290, %and3A_297 : vector<16xi32>
      tpu.vector_store_idx %arg7[%add3A_107, %and3A_298], %shift_left3A_295 {add = true} : memref<64x512xi32, #tpu.memory_space<vmem>>[vector<16xi32>, vector<16xi32>], vector<16xi32>,
      %get3A_299 = arith.constant 7 : i32
      %get3A_300 = arith.index_cast %get3A_299 : i32 to index
      %get3A_301 = arith.index_cast %add3A_112 : i32 to index
      %get3A_302 = tpu.vector_load %arg5[%get3A_300, %get3A_301] {strides = array<i32>} : memref<32x128xi32, #tpu.memory_space<vmem>>, vector<16xi32>,
      %shift_right_arithmetic3A_303 = arith.constant 9 : i32
      %shift_right_arithmetic3A_304 = vector.broadcast %shift_right_arithmetic3A_303 : i32 to vector<16xi32>
      %shift_right_arithmetic3A_305 = arith.shrsi %get3A_302, %shift_right_arithmetic3A_304 : vector<16xi32>
      %mul3A_306 = arith.muli %shift_right_arithmetic3A_305, %broadcast_in_dim3A_48 : vector<16xi32>
      %shift_left3A_307 = arith.shli %broadcast_in_dim3A_46, %mul3A_306 : vector<16xi32>
      %and3A_308 = arith.constant 511 : i32
      %and3A_309 = vector.broadcast %and3A_308 : i32 to vector<16xi32>
      %and3A_310 = arith.andi %get3A_302, %and3A_309 : vector<16xi32>
      tpu.vector_store_idx %arg7[%add3A_107, %and3A_310], %shift_left3A_307 {add = true} : memref<64x512xi32, #tpu.memory_space<vmem>>[vector<16xi32>, vector<16xi32>], vector<16xi32>,
      %get3A_311 = arith.constant 7 : i32
      %get3A_312 = arith.index_cast %get3A_311 : i32 to index
      %get3A_313 = arith.index_cast %add3A_112 : i32 to index
      %get3A_314 = tpu.vector_load %arg6[%get3A_312, %get3A_313] {strides = array<i32>} : memref<32x128xi32, #tpu.memory_space<vmem>>, vector<16xi32>,
      %add3A_315 = arith.constant 1024 : i32
      %add3A_316 = vector.broadcast %add3A_315 : i32 to vector<16xi32>
      %add3A_317 = arith.addi %get3A_314, %add3A_316 : vector<16xi32>
      %shift_right_arithmetic3A_318 = arith.constant 9 : i32
      %shift_right_arithmetic3A_319 = vector.broadcast %shift_right_arithmetic3A_318 : i32 to vector<16xi32>
      %shift_right_arithmetic3A_320 = arith.shrsi %add3A_317, %shift_right_arithmetic3A_319 : vector<16xi32>
      %mul3A_321 = arith.muli %shift_right_arithmetic3A_320, %broadcast_in_dim3A_48 : vector<16xi32>
      %shift_left3A_322 = arith.shli %broadcast_in_dim3A_46, %mul3A_321 : vector<16xi32>
      %and3A_323 = arith.constant 511 : i32
      %and3A_324 = vector.broadcast %and3A_323 : i32 to vector<16xi32>
      %and3A_325 = arith.andi %add3A_317, %and3A_324 : vector<16xi32>
      tpu.vector_store_idx %arg7[%add3A_107, %and3A_325], %shift_left3A_322 {add = true} : memref<64x512xi32, #tpu.memory_space<vmem>>[vector<16xi32>, vector<16xi32>], vector<16xi32>,
      %get3A_326 = arith.constant 8 : i32
      %get3A_327 = arith.index_cast %get3A_326 : i32 to index
      %get3A_328 = arith.index_cast %add3A_112 : i32 to index
      %get3A_329 = tpu.vector_load %arg5[%get3A_327, %get3A_328] {strides = array<i32>} : memref<32x128xi32, #tpu.memory_space<vmem>>, vector<16xi32>,
      %shift_right_arithmetic3A_330 = arith.constant 9 : i32
      %shift_right_arithmetic3A_331 = vector.broadcast %shift_right_arithmetic3A_330 : i32 to vector<16xi32>
      %shift_right_arithmetic3A_332 = arith.shrsi %get3A_329, %shift_right_arithmetic3A_331 : vector<16xi32>
      %mul3A_333 = arith.muli %shift_right_arithmetic3A_332, %broadcast_in_dim3A_48 : vector<16xi32>
      %shift_left3A_334 = arith.shli %broadcast_in_dim3A_46, %mul3A_333 : vector<16xi32>
      %and3A_335 = arith.constant 511 : i32
      %and3A_336 = vector.broadcast %and3A_335 : i32 to vector<16xi32>
      %and3A_337 = arith.andi %get3A_329, %and3A_336 : vector<16xi32>
      tpu.vector_store_idx %arg7[%add3A_107, %and3A_337], %shift_left3A_334 {add = true} : memref<64x512xi32, #tpu.memory_space<vmem>>[vector<16xi32>, vector<16xi32>], vector<16xi32>,
      %get3A_338 = arith.constant 8 : i32
      %get3A_339 = arith.index_cast %get3A_338 : i32 to index
      %get3A_340 = arith.index_cast %add3A_112 : i32 to index
      %get3A_341 = tpu.vector_load %arg6[%get3A_339, %get3A_340] {strides = array<i32>} : memref<32x128xi32, #tpu.memory_space<vmem>>, vector<16xi32>,
      %add3A_342 = arith.constant 1024 : i32
      %add3A_343 = vector.broadcast %add3A_342 : i32 to vector<16xi32>
      %add3A_344 = arith.addi %get3A_341, %add3A_343 : vector<16xi32>
      %shift_right_arithmetic3A_345 = arith.constant 9 : i32
      %shift_right_arithmetic3A_346 = vector.broadcast %shift_right_arithmetic3A_345 : i32 to vector<16xi32>
      %shift_right_arithmetic3A_347 = arith.shrsi %add3A_344, %shift_right_arithmetic3A_346 : vector<16xi32>
      %mul3A_348 = arith.muli %shift_right_arithmetic3A_347, %broadcast_in_dim3A_48 : vector<16xi32>
      %shift_left3A_349 = arith.shli %broadcast_in_dim3A_46, %mul3A_348 : vector<16xi32>
      %and3A_350 = arith.constant 511 : i32
      %and3A_351 = vector.broadcast %and3A_350 : i32 to vector<16xi32>
      %and3A_352 = arith.andi %add3A_344, %and3A_351 : vector<16xi32>
      tpu.vector_store_idx %arg7[%add3A_107, %and3A_352], %shift_left3A_349 {add = true} : memref<64x512xi32, #tpu.memory_space<vmem>>[vector<16xi32>, vector<16xi32>], vector<16xi32>,
      %get3A_353 = arith.constant 9 : i32
      %get3A_354 = arith.index_cast %get3A_353 : i32 to index
      %get3A_355 = arith.index_cast %add3A_112 : i32 to index
      %get3A_356 = tpu.vector_load %arg5[%get3A_354, %get3A_355] {strides = array<i32>} : memref<32x128xi32, #tpu.memory_space<vmem>>, vector<16xi32>,
      %shift_right_arithmetic3A_357 = arith.constant 9 : i32
      %shift_right_arithmetic3A_358 = vector.broadcast %shift_right_arithmetic3A_357 : i32 to vector<16xi32>
      %shift_right_arithmetic3A_359 = arith.shrsi %get3A_356, %shift_right_arithmetic3A_358 : vector<16xi32>
      %mul3A_360 = arith.muli %shift_right_arithmetic3A_359, %broadcast_in_dim3A_48 : vector<16xi32>
      %shift_left3A_361 = arith.shli %broadcast_in_dim3A_46, %mul3A_360 : vector<16xi32>
      %and3A_362 = arith.constant 511 : i32
      %and3A_363 = vector.broadcast %and3A_362 : i32 to vector<16xi32>
      %and3A_364 = arith.andi %get3A_356, %and3A_363 : vector<16xi32>
      tpu.vector_store_idx %arg7[%add3A_107, %and3A_364], %shift_left3A_361 {add = true} : memref<64x512xi32, #tpu.memory_space<vmem>>[vector<16xi32>, vector<16xi32>], vector<16xi32>,
      %get3A_365 = arith.constant 9 : i32
      %get3A_366 = arith.index_cast %get3A_365 : i32 to index
      %get3A_367 = arith.index_cast %add3A_112 : i32 to index
      %get3A_368 = tpu.vector_load %arg6[%get3A_366, %get3A_367] {strides = array<i32>} : memref<32x128xi32, #tpu.memory_space<vmem>>, vector<16xi32>,
      %add3A_369 = arith.constant 1024 : i32
      %add3A_370 = vector.broadcast %add3A_369 : i32 to vector<16xi32>
      %add3A_371 = arith.addi %get3A_368, %add3A_370 : vector<16xi32>
      %shift_right_arithmetic3A_372 = arith.constant 9 : i32
      %shift_right_arithmetic3A_373 = vector.broadcast %shift_right_arithmetic3A_372 : i32 to vector<16xi32>
      %shift_right_arithmetic3A_374 = arith.shrsi %add3A_371, %shift_right_arithmetic3A_373 : vector<16xi32>
      %mul3A_375 = arith.muli %shift_right_arithmetic3A_374, %broadcast_in_dim3A_48 : vector<16xi32>
      %shift_left3A_376 = arith.shli %broadcast_in_dim3A_46, %mul3A_375 : vector<16xi32>
      %and3A_377 = arith.constant 511 : i32
      %and3A_378 = vector.broadcast %and3A_377 : i32 to vector<16xi32>
      %and3A_379 = arith.andi %add3A_371, %and3A_378 : vector<16xi32>
      tpu.vector_store_idx %arg7[%add3A_107, %and3A_379], %shift_left3A_376 {add = true} : memref<64x512xi32, #tpu.memory_space<vmem>>[vector<16xi32>, vector<16xi32>], vector<16xi32>,
      %get3A_380 = arith.constant 10 : i32
      %get3A_381 = arith.index_cast %get3A_380 : i32 to index
      %get3A_382 = arith.index_cast %add3A_112 : i32 to index
      %get3A_383 = tpu.vector_load %arg5[%get3A_381, %get3A_382] {strides = array<i32>} : memref<32x128xi32, #tpu.memory_space<vmem>>, vector<16xi32>,
      %shift_right_arithmetic3A_384 = arith.constant 9 : i32
      %shift_right_arithmetic3A_385 = vector.broadcast %shift_right_arithmetic3A_384 : i32 to vector<16xi32>
      %shift_right_arithmetic3A_386 = arith.shrsi %get3A_383, %shift_right_arithmetic3A_385 : vector<16xi32>
      %mul3A_387 = arith.muli %shift_right_arithmetic3A_386, %broadcast_in_dim3A_48 : vector<16xi32>
      %shift_left3A_388 = arith.shli %broadcast_in_dim3A_46, %mul3A_387 : vector<16xi32>
      %and3A_389 = arith.constant 511 : i32
      %and3A_390 = vector.broadcast %and3A_389 : i32 to vector<16xi32>
      %and3A_391 = arith.andi %get3A_383, %and3A_390 : vector<16xi32>
      tpu.vector_store_idx %arg7[%add3A_107, %and3A_391], %shift_left3A_388 {add = true} : memref<64x512xi32, #tpu.memory_space<vmem>>[vector<16xi32>, vector<16xi32>], vector<16xi32>,
      %get3A_392 = arith.constant 10 : i32
      %get3A_393 = arith.index_cast %get3A_392 : i32 to index
      %get3A_394 = arith.index_cast %add3A_112 : i32 to index
      %get3A_395 = tpu.vector_load %arg6[%get3A_393, %get3A_394] {strides = array<i32>} : memref<32x128xi32, #tpu.memory_space<vmem>>, vector<16xi32>,
      %add3A_396 = arith.constant 1024 : i32
      %add3A_397 = vector.broadcast %add3A_396 : i32 to vector<16xi32>
      %add3A_398 = arith.addi %get3A_395, %add3A_397 : vector<16xi32>
      %shift_right_arithmetic3A_399 = arith.constant 9 : i32
      %shift_right_arithmetic3A_400 = vector.broadcast %shift_right_arithmetic3A_399 : i32 to vector<16xi32>
      %shift_right_arithmetic3A_401 = arith.shrsi %add3A_398, %shift_right_arithmetic3A_400 : vector<16xi32>
      %mul3A_402 = arith.muli %shift_right_arithmetic3A_401, %broadcast_in_dim3A_48 : vector<16xi32>
      %shift_left3A_403 = arith.shli %broadcast_in_dim3A_46, %mul3A_402 : vector<16xi32>
      %and3A_404 = arith.constant 511 : i32
      %and3A_405 = vector.broadcast %and3A_404 : i32 to vector<16xi32>
      %and3A_406 = arith.andi %add3A_398, %and3A_405 : vector<16xi32>
      tpu.vector_store_idx %arg7[%add3A_107, %and3A_406], %shift_left3A_403 {add = true} : memref<64x512xi32, #tpu.memory_space<vmem>>[vector<16xi32>, vector<16xi32>], vector<16xi32>,
      %get3A_407 = arith.constant 11 : i32
      %get3A_408 = arith.index_cast %get3A_407 : i32 to index
      %get3A_409 = arith.index_cast %add3A_112 : i32 to index
      %get3A_410 = tpu.vector_load %arg5[%get3A_408, %get3A_409] {strides = array<i32>} : memref<32x128xi32, #tpu.memory_space<vmem>>, vector<16xi32>,
      %shift_right_arithmetic3A_411 = arith.constant 9 : i32
      %shift_right_arithmetic3A_412 = vector.broadcast %shift_right_arithmetic3A_411 : i32 to vector<16xi32>
      %shift_right_arithmetic3A_413 = arith.shrsi %get3A_410, %shift_right_arithmetic3A_412 : vector<16xi32>
      %mul3A_414 = arith.muli %shift_right_arithmetic3A_413, %broadcast_in_dim3A_48 : vector<16xi32>
      %shift_left3A_415 = arith.shli %broadcast_in_dim3A_46, %mul3A_414 : vector<16xi32>
      %and3A_416 = arith.constant 511 : i32
      %and3A_417 = vector.broadcast %and3A_416 : i32 to vector<16xi32>
      %and3A_418 = arith.andi %get3A_410, %and3A_417 : vector<16xi32>
      tpu.vector_store_idx %arg7[%add3A_107, %and3A_418], %shift_left3A_415 {add = true} : memref<64x512xi32, #tpu.memory_space<vmem>>[vector<16xi32>, vector<16xi32>], vector<16xi32>,
      %get3A_419 = arith.constant 11 : i32
      %get3A_420 = arith.index_cast %get3A_419 : i32 to index
      %get3A_421 = arith.index_cast %add3A_112 : i32 to index
      %get3A_422 = tpu.vector_load %arg6[%get3A_420, %get3A_421] {strides = array<i32>} : memref<32x128xi32, #tpu.memory_space<vmem>>, vector<16xi32>,
      %add3A_423 = arith.constant 1024 : i32
      %add3A_424 = vector.broadcast %add3A_423 : i32 to vector<16xi32>
      %add3A_425 = arith.addi %get3A_422, %add3A_424 : vector<16xi32>
      %shift_right_arithmetic3A_426 = arith.constant 9 : i32
      %shift_right_arithmetic3A_427 = vector.broadcast %shift_right_arithmetic3A_426 : i32 to vector<16xi32>
      %shift_right_arithmetic3A_428 = arith.shrsi %add3A_425, %shift_right_arithmetic3A_427 : vector<16xi32>
      %mul3A_429 = arith.muli %shift_right_arithmetic3A_428, %broadcast_in_dim3A_48 : vector<16xi32>
      %shift_left3A_430 = arith.shli %broadcast_in_dim3A_46, %mul3A_429 : vector<16xi32>
      %and3A_431 = arith.constant 511 : i32
      %and3A_432 = vector.broadcast %and3A_431 : i32 to vector<16xi32>
      %and3A_433 = arith.andi %add3A_425, %and3A_432 : vector<16xi32>
      tpu.vector_store_idx %arg7[%add3A_107, %and3A_433], %shift_left3A_430 {add = true} : memref<64x512xi32, #tpu.memory_space<vmem>>[vector<16xi32>, vector<16xi32>], vector<16xi32>,
      %get3A_434 = arith.constant 12 : i32
      %get3A_435 = arith.index_cast %get3A_434 : i32 to index
      %get3A_436 = arith.index_cast %add3A_112 : i32 to index
      %get3A_437 = tpu.vector_load %arg5[%get3A_435, %get3A_436] {strides = array<i32>} : memref<32x128xi32, #tpu.memory_space<vmem>>, vector<16xi32>,
      %shift_right_arithmetic3A_438 = arith.constant 9 : i32
      %shift_right_arithmetic3A_439 = vector.broadcast %shift_right_arithmetic3A_438 : i32 to vector<16xi32>
      %shift_right_arithmetic3A_440 = arith.shrsi %get3A_437, %shift_right_arithmetic3A_439 : vector<16xi32>
      %mul3A_441 = arith.muli %shift_right_arithmetic3A_440, %broadcast_in_dim3A_48 : vector<16xi32>
      %shift_left3A_442 = arith.shli %broadcast_in_dim3A_46, %mul3A_441 : vector<16xi32>
      %and3A_443 = arith.constant 511 : i32
      %and3A_444 = vector.broadcast %and3A_443 : i32 to vector<16xi32>
      %and3A_445 = arith.andi %get3A_437, %and3A_444 : vector<16xi32>
      tpu.vector_store_idx %arg7[%add3A_107, %and3A_445], %shift_left3A_442 {add = true} : memref<64x512xi32, #tpu.memory_space<vmem>>[vector<16xi32>, vector<16xi32>], vector<16xi32>,
      %get3A_446 = arith.constant 12 : i32
      %get3A_447 = arith.index_cast %get3A_446 : i32 to index
      %get3A_448 = arith.index_cast %add3A_112 : i32 to index
      %get3A_449 = tpu.vector_load %arg6[%get3A_447, %get3A_448] {strides = array<i32>} : memref<32x128xi32, #tpu.memory_space<vmem>>, vector<16xi32>,
      %add3A_450 = arith.constant 1024 : i32
      %add3A_451 = vector.broadcast %add3A_450 : i32 to vector<16xi32>
      %add3A_452 = arith.addi %get3A_449, %add3A_451 : vector<16xi32>
      %shift_right_arithmetic3A_453 = arith.constant 9 : i32
      %shift_right_arithmetic3A_454 = vector.broadcast %shift_right_arithmetic3A_453 : i32 to vector<16xi32>
      %shift_right_arithmetic3A_455 = arith.shrsi %add3A_452, %shift_right_arithmetic3A_454 : vector<16xi32>
      %mul3A_456 = arith.muli %shift_right_arithmetic3A_455, %broadcast_in_dim3A_48 : vector<16xi32>
      %shift_left3A_457 = arith.shli %broadcast_in_dim3A_46, %mul3A_456 : vector<16xi32>
      %and3A_458 = arith.constant 511 : i32
      %and3A_459 = vector.broadcast %and3A_458 : i32 to vector<16xi32>
      %and3A_460 = arith.andi %add3A_452, %and3A_459 : vector<16xi32>
      tpu.vector_store_idx %arg7[%add3A_107, %and3A_460], %shift_left3A_457 {add = true} : memref<64x512xi32, #tpu.memory_space<vmem>>[vector<16xi32>, vector<16xi32>], vector<16xi32>,
      %get3A_461 = arith.constant 13 : i32
      %get3A_462 = arith.index_cast %get3A_461 : i32 to index
      %get3A_463 = arith.index_cast %add3A_112 : i32 to index
      %get3A_464 = tpu.vector_load %arg5[%get3A_462, %get3A_463] {strides = array<i32>} : memref<32x128xi32, #tpu.memory_space<vmem>>, vector<16xi32>,
      %shift_right_arithmetic3A_465 = arith.constant 9 : i32
      %shift_right_arithmetic3A_466 = vector.broadcast %shift_right_arithmetic3A_465 : i32 to vector<16xi32>
      %shift_right_arithmetic3A_467 = arith.shrsi %get3A_464, %shift_right_arithmetic3A_466 : vector<16xi32>
      %mul3A_468 = arith.muli %shift_right_arithmetic3A_467, %broadcast_in_dim3A_48 : vector<16xi32>
      %shift_left3A_469 = arith.shli %broadcast_in_dim3A_46, %mul3A_468 : vector<16xi32>
      %and3A_470 = arith.constant 511 : i32
      %and3A_471 = vector.broadcast %and3A_470 : i32 to vector<16xi32>
      %and3A_472 = arith.andi %get3A_464, %and3A_471 : vector<16xi32>
      tpu.vector_store_idx %arg7[%add3A_107, %and3A_472], %shift_left3A_469 {add = true} : memref<64x512xi32, #tpu.memory_space<vmem>>[vector<16xi32>, vector<16xi32>], vector<16xi32>,
      %get3A_473 = arith.constant 13 : i32
      %get3A_474 = arith.index_cast %get3A_473 : i32 to index
      %get3A_475 = arith.index_cast %add3A_112 : i32 to index
      %get3A_476 = tpu.vector_load %arg6[%get3A_474, %get3A_475] {strides = array<i32>} : memref<32x128xi32, #tpu.memory_space<vmem>>, vector<16xi32>,
      %add3A_477 = arith.constant 1024 : i32
      %add3A_478 = vector.broadcast %add3A_477 : i32 to vector<16xi32>
      %add3A_479 = arith.addi %get3A_476, %add3A_478 : vector<16xi32>
      %shift_right_arithmetic3A_480 = arith.constant 9 : i32
      %shift_right_arithmetic3A_481 = vector.broadcast %shift_right_arithmetic3A_480 : i32 to vector<16xi32>
      %shift_right_arithmetic3A_482 = arith.shrsi %add3A_479, %shift_right_arithmetic3A_481 : vector<16xi32>
      %mul3A_483 = arith.muli %shift_right_arithmetic3A_482, %broadcast_in_dim3A_48 : vector<16xi32>
      %shift_left3A_484 = arith.shli %broadcast_in_dim3A_46, %mul3A_483 : vector<16xi32>
      %and3A_485 = arith.constant 511 : i32
      %and3A_486 = vector.broadcast %and3A_485 : i32 to vector<16xi32>
      %and3A_487 = arith.andi %add3A_479, %and3A_486 : vector<16xi32>
      tpu.vector_store_idx %arg7[%add3A_107, %and3A_487], %shift_left3A_484 {add = true} : memref<64x512xi32, #tpu.memory_space<vmem>>[vector<16xi32>, vector<16xi32>], vector<16xi32>,
      %get3A_488 = arith.constant 14 : i32
      %get3A_489 = arith.index_cast %get3A_488 : i32 to index
      %get3A_490 = arith.index_cast %add3A_112 : i32 to index
      %get3A_491 = tpu.vector_load %arg5[%get3A_489, %get3A_490] {strides = array<i32>} : memref<32x128xi32, #tpu.memory_space<vmem>>, vector<16xi32>,
      %shift_right_arithmetic3A_492 = arith.constant 9 : i32
      %shift_right_arithmetic3A_493 = vector.broadcast %shift_right_arithmetic3A_492 : i32 to vector<16xi32>
      %shift_right_arithmetic3A_494 = arith.shrsi %get3A_491, %shift_right_arithmetic3A_493 : vector<16xi32>
      %mul3A_495 = arith.muli %shift_right_arithmetic3A_494, %broadcast_in_dim3A_48 : vector<16xi32>
      %shift_left3A_496 = arith.shli %broadcast_in_dim3A_46, %mul3A_495 : vector<16xi32>
      %and3A_497 = arith.constant 511 : i32
      %and3A_498 = vector.broadcast %and3A_497 : i32 to vector<16xi32>
      %and3A_499 = arith.andi %get3A_491, %and3A_498 : vector<16xi32>
      tpu.vector_store_idx %arg7[%add3A_107, %and3A_499], %shift_left3A_496 {add = true} : memref<64x512xi32, #tpu.memory_space<vmem>>[vector<16xi32>, vector<16xi32>], vector<16xi32>,
      %get3A_500 = arith.constant 14 : i32
      %get3A_501 = arith.index_cast %get3A_500 : i32 to index
      %get3A_502 = arith.index_cast %add3A_112 : i32 to index
      %get3A_503 = tpu.vector_load %arg6[%get3A_501, %get3A_502] {strides = array<i32>} : memref<32x128xi32, #tpu.memory_space<vmem>>, vector<16xi32>,
      %add3A_504 = arith.constant 1024 : i32
      %add3A_505 = vector.broadcast %add3A_504 : i32 to vector<16xi32>
      %add3A_506 = arith.addi %get3A_503, %add3A_505 : vector<16xi32>
      %shift_right_arithmetic3A_507 = arith.constant 9 : i32
      %shift_right_arithmetic3A_508 = vector.broadcast %shift_right_arithmetic3A_507 : i32 to vector<16xi32>
      %shift_right_arithmetic3A_509 = arith.shrsi %add3A_506, %shift_right_arithmetic3A_508 : vector<16xi32>
      %mul3A_510 = arith.muli %shift_right_arithmetic3A_509, %broadcast_in_dim3A_48 : vector<16xi32>
      %shift_left3A_511 = arith.shli %broadcast_in_dim3A_46, %mul3A_510 : vector<16xi32>
      %and3A_512 = arith.constant 511 : i32
      %and3A_513 = vector.broadcast %and3A_512 : i32 to vector<16xi32>
      %and3A_514 = arith.andi %add3A_506, %and3A_513 : vector<16xi32>
      tpu.vector_store_idx %arg7[%add3A_107, %and3A_514], %shift_left3A_511 {add = true} : memref<64x512xi32, #tpu.memory_space<vmem>>[vector<16xi32>, vector<16xi32>], vector<16xi32>,
      %get3A_515 = arith.constant 15 : i32
      %get3A_516 = arith.index_cast %get3A_515 : i32 to index
      %get3A_517 = arith.index_cast %add3A_112 : i32 to index
      %get3A_518 = tpu.vector_load %arg5[%get3A_516, %get3A_517] {strides = array<i32>} : memref<32x128xi32, #tpu.memory_space<vmem>>, vector<16xi32>,
      %shift_right_arithmetic3A_519 = arith.constant 9 : i32
      %shift_right_arithmetic3A_520 = vector.broadcast %shift_right_arithmetic3A_519 : i32 to vector<16xi32>
      %shift_right_arithmetic3A_521 = arith.shrsi %get3A_518, %shift_right_arithmetic3A_520 : vector<16xi32>
      %mul3A_522 = arith.muli %shift_right_arithmetic3A_521, %broadcast_in_dim3A_48 : vector<16xi32>
      %shift_left3A_523 = arith.shli %broadcast_in_dim3A_46, %mul3A_522 : vector<16xi32>
      %and3A_524 = arith.constant 511 : i32
      %and3A_525 = vector.broadcast %and3A_524 : i32 to vector<16xi32>
      %and3A_526 = arith.andi %get3A_518, %and3A_525 : vector<16xi32>
      tpu.vector_store_idx %arg7[%add3A_107, %and3A_526], %shift_left3A_523 {add = true} : memref<64x512xi32, #tpu.memory_space<vmem>>[vector<16xi32>, vector<16xi32>], vector<16xi32>,
      %get3A_527 = arith.constant 15 : i32
      %get3A_528 = arith.index_cast %get3A_527 : i32 to index
      %get3A_529 = arith.index_cast %add3A_112 : i32 to index
      %get3A_530 = tpu.vector_load %arg6[%get3A_528, %get3A_529] {strides = array<i32>} : memref<32x128xi32, #tpu.memory_space<vmem>>, vector<16xi32>,
      %add3A_531 = arith.constant 1024 : i32
      %add3A_532 = vector.broadcast %add3A_531 : i32 to vector<16xi32>
      %add3A_533 = arith.addi %get3A_530, %add3A_532 : vector<16xi32>
      %shift_right_arithmetic3A_534 = arith.constant 9 : i32
      %shift_right_arithmetic3A_535 = vector.broadcast %shift_right_arithmetic3A_534 : i32 to vector<16xi32>
      %shift_right_arithmetic3A_536 = arith.shrsi %add3A_533, %shift_right_arithmetic3A_535 : vector<16xi32>
      %mul3A_537 = arith.muli %shift_right_arithmetic3A_536, %broadcast_in_dim3A_48 : vector<16xi32>
      %shift_left3A_538 = arith.shli %broadcast_in_dim3A_46, %mul3A_537 : vector<16xi32>
      %and3A_539 = arith.constant 511 : i32
      %and3A_540 = vector.broadcast %and3A_539 : i32 to vector<16xi32>
      %and3A_541 = arith.andi %add3A_533, %and3A_540 : vector<16xi32>
      tpu.vector_store_idx %arg7[%add3A_107, %and3A_541], %shift_left3A_538 {add = true} : memref<64x512xi32, #tpu.memory_space<vmem>>[vector<16xi32>, vector<16xi32>], vector<16xi32>,
      %get3A_542 = arith.constant 16 : i32
      %get3A_543 = arith.index_cast %get3A_542 : i32 to index
      %get3A_544 = arith.index_cast %add3A_112 : i32 to index
      %get3A_545 = tpu.vector_load %arg5[%get3A_543, %get3A_544] {strides = array<i32>} : memref<32x128xi32, #tpu.memory_space<vmem>>, vector<16xi32>,
      %shift_right_arithmetic3A_546 = arith.constant 9 : i32
      %shift_right_arithmetic3A_547 = vector.broadcast %shift_right_arithmetic3A_546 : i32 to vector<16xi32>
      %shift_right_arithmetic3A_548 = arith.shrsi %get3A_545, %shift_right_arithmetic3A_547 : vector<16xi32>
      %mul3A_549 = arith.muli %shift_right_arithmetic3A_548, %broadcast_in_dim3A_48 : vector<16xi32>
      %shift_left3A_550 = arith.shli %broadcast_in_dim3A_46, %mul3A_549 : vector<16xi32>
      %and3A_551 = arith.constant 511 : i32
      %and3A_552 = vector.broadcast %and3A_551 : i32 to vector<16xi32>
      %and3A_553 = arith.andi %get3A_545, %and3A_552 : vector<16xi32>
      tpu.vector_store_idx %arg7[%add3A_107, %and3A_553], %shift_left3A_550 {add = true} : memref<64x512xi32, #tpu.memory_space<vmem>>[vector<16xi32>, vector<16xi32>], vector<16xi32>,
      %get3A_554 = arith.constant 16 : i32
      %get3A_555 = arith.index_cast %get3A_554 : i32 to index
      %get3A_556 = arith.index_cast %add3A_112 : i32 to index
      %get3A_557 = tpu.vector_load %arg6[%get3A_555, %get3A_556] {strides = array<i32>} : memref<32x128xi32, #tpu.memory_space<vmem>>, vector<16xi32>,
      %add3A_558 = arith.constant 1024 : i32
      %add3A_559 = vector.broadcast %add3A_558 : i32 to vector<16xi32>
      %add3A_560 = arith.addi %get3A_557, %add3A_559 : vector<16xi32>
      %shift_right_arithmetic3A_561 = arith.constant 9 : i32
      %shift_right_arithmetic3A_562 = vector.broadcast %shift_right_arithmetic3A_561 : i32 to vector<16xi32>
      %shift_right_arithmetic3A_563 = arith.shrsi %add3A_560, %shift_right_arithmetic3A_562 : vector<16xi32>
      %mul3A_564 = arith.muli %shift_right_arithmetic3A_563, %broadcast_in_dim3A_48 : vector<16xi32>
      %shift_left3A_565 = arith.shli %broadcast_in_dim3A_46, %mul3A_564 : vector<16xi32>
      %and3A_566 = arith.constant 511 : i32
      %and3A_567 = vector.broadcast %and3A_566 : i32 to vector<16xi32>
      %and3A_568 = arith.andi %add3A_560, %and3A_567 : vector<16xi32>
      tpu.vector_store_idx %arg7[%add3A_107, %and3A_568], %shift_left3A_565 {add = true} : memref<64x512xi32, #tpu.memory_space<vmem>>[vector<16xi32>, vector<16xi32>], vector<16xi32>,
      %get3A_569 = arith.constant 17 : i32
      %get3A_570 = arith.index_cast %get3A_569 : i32 to index
      %get3A_571 = arith.index_cast %add3A_112 : i32 to index
      %get3A_572 = tpu.vector_load %arg5[%get3A_570, %get3A_571] {strides = array<i32>} : memref<32x128xi32, #tpu.memory_space<vmem>>, vector<16xi32>,
      %shift_right_arithmetic3A_573 = arith.constant 9 : i32
      %shift_right_arithmetic3A_574 = vector.broadcast %shift_right_arithmetic3A_573 : i32 to vector<16xi32>
      %shift_right_arithmetic3A_575 = arith.shrsi %get3A_572, %shift_right_arithmetic3A_574 : vector<16xi32>
      %mul3A_576 = arith.muli %shift_right_arithmetic3A_575, %broadcast_in_dim3A_48 : vector<16xi32>
      %shift_left3A_577 = arith.shli %broadcast_in_dim3A_46, %mul3A_576 : vector<16xi32>
      %and3A_578 = arith.constant 511 : i32
      %and3A_579 = vector.broadcast %and3A_578 : i32 to vector<16xi32>
      %and3A_580 = arith.andi %get3A_572, %and3A_579 : vector<16xi32>
      tpu.vector_store_idx %arg7[%add3A_107, %and3A_580], %shift_left3A_577 {add = true} : memref<64x512xi32, #tpu.memory_space<vmem>>[vector<16xi32>, vector<16xi32>], vector<16xi32>,
      %get3A_581 = arith.constant 17 : i32
      %get3A_582 = arith.index_cast %get3A_581 : i32 to index
      %get3A_583 = arith.index_cast %add3A_112 : i32 to index
      %get3A_584 = tpu.vector_load %arg6[%get3A_582, %get3A_583] {strides = array<i32>} : memref<32x128xi32, #tpu.memory_space<vmem>>, vector<16xi32>,
      %add3A_585 = arith.constant 1024 : i32
      %add3A_586 = vector.broadcast %add3A_585 : i32 to vector<16xi32>
      %add3A_587 = arith.addi %get3A_584, %add3A_586 : vector<16xi32>
      %shift_right_arithmetic3A_588 = arith.constant 9 : i32
      %shift_right_arithmetic3A_589 = vector.broadcast %shift_right_arithmetic3A_588 : i32 to vector<16xi32>
      %shift_right_arithmetic3A_590 = arith.shrsi %add3A_587, %shift_right_arithmetic3A_589 : vector<16xi32>
      %mul3A_591 = arith.muli %shift_right_arithmetic3A_590, %broadcast_in_dim3A_48 : vector<16xi32>
      %shift_left3A_592 = arith.shli %broadcast_in_dim3A_46, %mul3A_591 : vector<16xi32>
      %and3A_593 = arith.constant 511 : i32
      %and3A_594 = vector.broadcast %and3A_593 : i32 to vector<16xi32>
      %and3A_595 = arith.andi %add3A_587, %and3A_594 : vector<16xi32>
      tpu.vector_store_idx %arg7[%add3A_107, %and3A_595], %shift_left3A_592 {add = true} : memref<64x512xi32, #tpu.memory_space<vmem>>[vector<16xi32>, vector<16xi32>], vector<16xi32>,
      %get3A_596 = arith.constant 18 : i32
      %get3A_597 = arith.index_cast %get3A_596 : i32 to index
      %get3A_598 = arith.index_cast %add3A_112 : i32 to index
      %get3A_599 = tpu.vector_load %arg5[%get3A_597, %get3A_598] {strides = array<i32>} : memref<32x128xi32, #tpu.memory_space<vmem>>, vector<16xi32>,
      %shift_right_arithmetic3A_600 = arith.constant 9 : i32
      %shift_right_arithmetic3A_601 = vector.broadcast %shift_right_arithmetic3A_600 : i32 to vector<16xi32>
      %shift_right_arithmetic3A_602 = arith.shrsi %get3A_599, %shift_right_arithmetic3A_601 : vector<16xi32>
      %mul3A_603 = arith.muli %shift_right_arithmetic3A_602, %broadcast_in_dim3A_48 : vector<16xi32>
      %shift_left3A_604 = arith.shli %broadcast_in_dim3A_46, %mul3A_603 : vector<16xi32>
      %and3A_605 = arith.constant 511 : i32
      %and3A_606 = vector.broadcast %and3A_605 : i32 to vector<16xi32>
      %and3A_607 = arith.andi %get3A_599, %and3A_606 : vector<16xi32>
      tpu.vector_store_idx %arg7[%add3A_107, %and3A_607], %shift_left3A_604 {add = true} : memref<64x512xi32, #tpu.memory_space<vmem>>[vector<16xi32>, vector<16xi32>], vector<16xi32>,
      %get3A_608 = arith.constant 18 : i32
      %get3A_609 = arith.index_cast %get3A_608 : i32 to index
      %get3A_610 = arith.index_cast %add3A_112 : i32 to index
      %get3A_611 = tpu.vector_load %arg6[%get3A_609, %get3A_610] {strides = array<i32>} : memref<32x128xi32, #tpu.memory_space<vmem>>, vector<16xi32>,
      %add3A_612 = arith.constant 1024 : i32
      %add3A_613 = vector.broadcast %add3A_612 : i32 to vector<16xi32>
      %add3A_614 = arith.addi %get3A_611, %add3A_613 : vector<16xi32>
      %shift_right_arithmetic3A_615 = arith.constant 9 : i32
      %shift_right_arithmetic3A_616 = vector.broadcast %shift_right_arithmetic3A_615 : i32 to vector<16xi32>
      %shift_right_arithmetic3A_617 = arith.shrsi %add3A_614, %shift_right_arithmetic3A_616 : vector<16xi32>
      %mul3A_618 = arith.muli %shift_right_arithmetic3A_617, %broadcast_in_dim3A_48 : vector<16xi32>
      %shift_left3A_619 = arith.shli %broadcast_in_dim3A_46, %mul3A_618 : vector<16xi32>
      %and3A_620 = arith.constant 511 : i32
      %and3A_621 = vector.broadcast %and3A_620 : i32 to vector<16xi32>
      %and3A_622 = arith.andi %add3A_614, %and3A_621 : vector<16xi32>
      tpu.vector_store_idx %arg7[%add3A_107, %and3A_622], %shift_left3A_619 {add = true} : memref<64x512xi32, #tpu.memory_space<vmem>>[vector<16xi32>, vector<16xi32>], vector<16xi32>,
      %get3A_623 = arith.constant 19 : i32
      %get3A_624 = arith.index_cast %get3A_623 : i32 to index
      %get3A_625 = arith.index_cast %add3A_112 : i32 to index
      %get3A_626 = tpu.vector_load %arg5[%get3A_624, %get3A_625] {strides = array<i32>} : memref<32x128xi32, #tpu.memory_space<vmem>>, vector<16xi32>,
      %shift_right_arithmetic3A_627 = arith.constant 9 : i32
      %shift_right_arithmetic3A_628 = vector.broadcast %shift_right_arithmetic3A_627 : i32 to vector<16xi32>
      %shift_right_arithmetic3A_629 = arith.shrsi %get3A_626, %shift_right_arithmetic3A_628 : vector<16xi32>
      %mul3A_630 = arith.muli %shift_right_arithmetic3A_629, %broadcast_in_dim3A_48 : vector<16xi32>
      %shift_left3A_631 = arith.shli %broadcast_in_dim3A_46, %mul3A_630 : vector<16xi32>
      %and3A_632 = arith.constant 511 : i32
      %and3A_633 = vector.broadcast %and3A_632 : i32 to vector<16xi32>
      %and3A_634 = arith.andi %get3A_626, %and3A_633 : vector<16xi32>
      tpu.vector_store_idx %arg7[%add3A_107, %and3A_634], %shift_left3A_631 {add = true} : memref<64x512xi32, #tpu.memory_space<vmem>>[vector<16xi32>, vector<16xi32>], vector<16xi32>,
      %get3A_635 = arith.constant 19 : i32
      %get3A_636 = arith.index_cast %get3A_635 : i32 to index
      %get3A_637 = arith.index_cast %add3A_112 : i32 to index
      %get3A_638 = tpu.vector_load %arg6[%get3A_636, %get3A_637] {strides = array<i32>} : memref<32x128xi32, #tpu.memory_space<vmem>>, vector<16xi32>,
      %add3A_639 = arith.constant 1024 : i32
      %add3A_640 = vector.broadcast %add3A_639 : i32 to vector<16xi32>
      %add3A_641 = arith.addi %get3A_638, %add3A_640 : vector<16xi32>
      %shift_right_arithmetic3A_642 = arith.constant 9 : i32
      %shift_right_arithmetic3A_643 = vector.broadcast %shift_right_arithmetic3A_642 : i32 to vector<16xi32>
      %shift_right_arithmetic3A_644 = arith.shrsi %add3A_641, %shift_right_arithmetic3A_643 : vector<16xi32>
      %mul3A_645 = arith.muli %shift_right_arithmetic3A_644, %broadcast_in_dim3A_48 : vector<16xi32>
      %shift_left3A_646 = arith.shli %broadcast_in_dim3A_46, %mul3A_645 : vector<16xi32>
      %and3A_647 = arith.constant 511 : i32
      %and3A_648 = vector.broadcast %and3A_647 : i32 to vector<16xi32>
      %and3A_649 = arith.andi %add3A_641, %and3A_648 : vector<16xi32>
      tpu.vector_store_idx %arg7[%add3A_107, %and3A_649], %shift_left3A_646 {add = true} : memref<64x512xi32, #tpu.memory_space<vmem>>[vector<16xi32>, vector<16xi32>], vector<16xi32>,
      %get3A_650 = arith.constant 20 : i32
      %get3A_651 = arith.index_cast %get3A_650 : i32 to index
      %get3A_652 = arith.index_cast %add3A_112 : i32 to index
      %get3A_653 = tpu.vector_load %arg5[%get3A_651, %get3A_652] {strides = array<i32>} : memref<32x128xi32, #tpu.memory_space<vmem>>, vector<16xi32>,
      %shift_right_arithmetic3A_654 = arith.constant 9 : i32
      %shift_right_arithmetic3A_655 = vector.broadcast %shift_right_arithmetic3A_654 : i32 to vector<16xi32>
      %shift_right_arithmetic3A_656 = arith.shrsi %get3A_653, %shift_right_arithmetic3A_655 : vector<16xi32>
      %mul3A_657 = arith.muli %shift_right_arithmetic3A_656, %broadcast_in_dim3A_48 : vector<16xi32>
      %shift_left3A_658 = arith.shli %broadcast_in_dim3A_46, %mul3A_657 : vector<16xi32>
      %and3A_659 = arith.constant 511 : i32
      %and3A_660 = vector.broadcast %and3A_659 : i32 to vector<16xi32>
      %and3A_661 = arith.andi %get3A_653, %and3A_660 : vector<16xi32>
      tpu.vector_store_idx %arg7[%add3A_107, %and3A_661], %shift_left3A_658 {add = true} : memref<64x512xi32, #tpu.memory_space<vmem>>[vector<16xi32>, vector<16xi32>], vector<16xi32>,
      %get3A_662 = arith.constant 20 : i32
      %get3A_663 = arith.index_cast %get3A_662 : i32 to index
      %get3A_664 = arith.index_cast %add3A_112 : i32 to index
      %get3A_665 = tpu.vector_load %arg6[%get3A_663, %get3A_664] {strides = array<i32>} : memref<32x128xi32, #tpu.memory_space<vmem>>, vector<16xi32>,
      %add3A_666 = arith.constant 1024 : i32
      %add3A_667 = vector.broadcast %add3A_666 : i32 to vector<16xi32>
      %add3A_668 = arith.addi %get3A_665, %add3A_667 : vector<16xi32>
      %shift_right_arithmetic3A_669 = arith.constant 9 : i32
      %shift_right_arithmetic3A_670 = vector.broadcast %shift_right_arithmetic3A_669 : i32 to vector<16xi32>
      %shift_right_arithmetic3A_671 = arith.shrsi %add3A_668, %shift_right_arithmetic3A_670 : vector<16xi32>
      %mul3A_672 = arith.muli %shift_right_arithmetic3A_671, %broadcast_in_dim3A_48 : vector<16xi32>
      %shift_left3A_673 = arith.shli %broadcast_in_dim3A_46, %mul3A_672 : vector<16xi32>
      %and3A_674 = arith.constant 511 : i32
      %and3A_675 = vector.broadcast %and3A_674 : i32 to vector<16xi32>
      %and3A_676 = arith.andi %add3A_668, %and3A_675 : vector<16xi32>
      tpu.vector_store_idx %arg7[%add3A_107, %and3A_676], %shift_left3A_673 {add = true} : memref<64x512xi32, #tpu.memory_space<vmem>>[vector<16xi32>, vector<16xi32>], vector<16xi32>,
      %get3A_677 = arith.constant 21 : i32
      %get3A_678 = arith.index_cast %get3A_677 : i32 to index
      %get3A_679 = arith.index_cast %add3A_112 : i32 to index
      %get3A_680 = tpu.vector_load %arg5[%get3A_678, %get3A_679] {strides = array<i32>} : memref<32x128xi32, #tpu.memory_space<vmem>>, vector<16xi32>,
      %shift_right_arithmetic3A_681 = arith.constant 9 : i32
      %shift_right_arithmetic3A_682 = vector.broadcast %shift_right_arithmetic3A_681 : i32 to vector<16xi32>
      %shift_right_arithmetic3A_683 = arith.shrsi %get3A_680, %shift_right_arithmetic3A_682 : vector<16xi32>
      %mul3A_684 = arith.muli %shift_right_arithmetic3A_683, %broadcast_in_dim3A_48 : vector<16xi32>
      %shift_left3A_685 = arith.shli %broadcast_in_dim3A_46, %mul3A_684 : vector<16xi32>
      %and3A_686 = arith.constant 511 : i32
      %and3A_687 = vector.broadcast %and3A_686 : i32 to vector<16xi32>
      %and3A_688 = arith.andi %get3A_680, %and3A_687 : vector<16xi32>
      tpu.vector_store_idx %arg7[%add3A_107, %and3A_688], %shift_left3A_685 {add = true} : memref<64x512xi32, #tpu.memory_space<vmem>>[vector<16xi32>, vector<16xi32>], vector<16xi32>,
      %get3A_689 = arith.constant 21 : i32
      %get3A_690 = arith.index_cast %get3A_689 : i32 to index
      %get3A_691 = arith.index_cast %add3A_112 : i32 to index
      %get3A_692 = tpu.vector_load %arg6[%get3A_690, %get3A_691] {strides = array<i32>} : memref<32x128xi32, #tpu.memory_space<vmem>>, vector<16xi32>,
      %add3A_693 = arith.constant 1024 : i32
      %add3A_694 = vector.broadcast %add3A_693 : i32 to vector<16xi32>
      %add3A_695 = arith.addi %get3A_692, %add3A_694 : vector<16xi32>
      %shift_right_arithmetic3A_696 = arith.constant 9 : i32
      %shift_right_arithmetic3A_697 = vector.broadcast %shift_right_arithmetic3A_696 : i32 to vector<16xi32>
      %shift_right_arithmetic3A_698 = arith.shrsi %add3A_695, %shift_right_arithmetic3A_697 : vector<16xi32>
      %mul3A_699 = arith.muli %shift_right_arithmetic3A_698, %broadcast_in_dim3A_48 : vector<16xi32>
      %shift_left3A_700 = arith.shli %broadcast_in_dim3A_46, %mul3A_699 : vector<16xi32>
      %and3A_701 = arith.constant 511 : i32
      %and3A_702 = vector.broadcast %and3A_701 : i32 to vector<16xi32>
      %and3A_703 = arith.andi %add3A_695, %and3A_702 : vector<16xi32>
      tpu.vector_store_idx %arg7[%add3A_107, %and3A_703], %shift_left3A_700 {add = true} : memref<64x512xi32, #tpu.memory_space<vmem>>[vector<16xi32>, vector<16xi32>], vector<16xi32>,
      %get3A_704 = arith.constant 22 : i32
      %get3A_705 = arith.index_cast %get3A_704 : i32 to index
      %get3A_706 = arith.index_cast %add3A_112 : i32 to index
      %get3A_707 = tpu.vector_load %arg5[%get3A_705, %get3A_706] {strides = array<i32>} : memref<32x128xi32, #tpu.memory_space<vmem>>, vector<16xi32>,
      %shift_right_arithmetic3A_708 = arith.constant 9 : i32
      %shift_right_arithmetic3A_709 = vector.broadcast %shift_right_arithmetic3A_708 : i32 to vector<16xi32>
      %shift_right_arithmetic3A_710 = arith.shrsi %get3A_707, %shift_right_arithmetic3A_709 : vector<16xi32>
      %mul3A_711 = arith.muli %shift_right_arithmetic3A_710, %broadcast_in_dim3A_48 : vector<16xi32>
      %shift_left3A_712 = arith.shli %broadcast_in_dim3A_46, %mul3A_711 : vector<16xi32>
      %and3A_713 = arith.constant 511 : i32
      %and3A_714 = vector.broadcast %and3A_713 : i32 to vector<16xi32>
      %and3A_715 = arith.andi %get3A_707, %and3A_714 : vector<16xi32>
      tpu.vector_store_idx %arg7[%add3A_107, %and3A_715], %shift_left3A_712 {add = true} : memref<64x512xi32, #tpu.memory_space<vmem>>[vector<16xi32>, vector<16xi32>], vector<16xi32>,
      %get3A_716 = arith.constant 22 : i32
      %get3A_717 = arith.index_cast %get3A_716 : i32 to index
      %get3A_718 = arith.index_cast %add3A_112 : i32 to index
      %get3A_719 = tpu.vector_load %arg6[%get3A_717, %get3A_718] {strides = array<i32>} : memref<32x128xi32, #tpu.memory_space<vmem>>, vector<16xi32>,
      %add3A_720 = arith.constant 1024 : i32
      %add3A_721 = vector.broadcast %add3A_720 : i32 to vector<16xi32>
      %add3A_722 = arith.addi %get3A_719, %add3A_721 : vector<16xi32>
      %shift_right_arithmetic3A_723 = arith.constant 9 : i32
      %shift_right_arithmetic3A_724 = vector.broadcast %shift_right_arithmetic3A_723 : i32 to vector<16xi32>
      %shift_right_arithmetic3A_725 = arith.shrsi %add3A_722, %shift_right_arithmetic3A_724 : vector<16xi32>
      %mul3A_726 = arith.muli %shift_right_arithmetic3A_725, %broadcast_in_dim3A_48 : vector<16xi32>
      %shift_left3A_727 = arith.shli %broadcast_in_dim3A_46, %mul3A_726 : vector<16xi32>
      %and3A_728 = arith.constant 511 : i32
      %and3A_729 = vector.broadcast %and3A_728 : i32 to vector<16xi32>
      %and3A_730 = arith.andi %add3A_722, %and3A_729 : vector<16xi32>
      tpu.vector_store_idx %arg7[%add3A_107, %and3A_730], %shift_left3A_727 {add = true} : memref<64x512xi32, #tpu.memory_space<vmem>>[vector<16xi32>, vector<16xi32>], vector<16xi32>,
      %get3A_731 = arith.constant 23 : i32
      %get3A_732 = arith.index_cast %get3A_731 : i32 to index
      %get3A_733 = arith.index_cast %add3A_112 : i32 to index
      %get3A_734 = tpu.vector_load %arg5[%get3A_732, %get3A_733] {strides = array<i32>} : memref<32x128xi32, #tpu.memory_space<vmem>>, vector<16xi32>,
      %shift_right_arithmetic3A_735 = arith.constant 9 : i32
      %shift_right_arithmetic3A_736 = vector.broadcast %shift_right_arithmetic3A_735 : i32 to vector<16xi32>
      %shift_right_arithmetic3A_737 = arith.shrsi %get3A_734, %shift_right_arithmetic3A_736 : vector<16xi32>
      %mul3A_738 = arith.muli %shift_right_arithmetic3A_737, %broadcast_in_dim3A_48 : vector<16xi32>
      %shift_left3A_739 = arith.shli %broadcast_in_dim3A_46, %mul3A_738 : vector<16xi32>
      %and3A_740 = arith.constant 511 : i32
      %and3A_741 = vector.broadcast %and3A_740 : i32 to vector<16xi32>
      %and3A_742 = arith.andi %get3A_734, %and3A_741 : vector<16xi32>
      tpu.vector_store_idx %arg7[%add3A_107, %and3A_742], %shift_left3A_739 {add = true} : memref<64x512xi32, #tpu.memory_space<vmem>>[vector<16xi32>, vector<16xi32>], vector<16xi32>,
      %get3A_743 = arith.constant 23 : i32
      %get3A_744 = arith.index_cast %get3A_743 : i32 to index
      %get3A_745 = arith.index_cast %add3A_112 : i32 to index
      %get3A_746 = tpu.vector_load %arg6[%get3A_744, %get3A_745] {strides = array<i32>} : memref<32x128xi32, #tpu.memory_space<vmem>>, vector<16xi32>,
      %add3A_747 = arith.constant 1024 : i32
      %add3A_748 = vector.broadcast %add3A_747 : i32 to vector<16xi32>
      %add3A_749 = arith.addi %get3A_746, %add3A_748 : vector<16xi32>
      %shift_right_arithmetic3A_750 = arith.constant 9 : i32
      %shift_right_arithmetic3A_751 = vector.broadcast %shift_right_arithmetic3A_750 : i32 to vector<16xi32>
      %shift_right_arithmetic3A_752 = arith.shrsi %add3A_749, %shift_right_arithmetic3A_751 : vector<16xi32>
      %mul3A_753 = arith.muli %shift_right_arithmetic3A_752, %broadcast_in_dim3A_48 : vector<16xi32>
      %shift_left3A_754 = arith.shli %broadcast_in_dim3A_46, %mul3A_753 : vector<16xi32>
      %and3A_755 = arith.constant 511 : i32
      %and3A_756 = vector.broadcast %and3A_755 : i32 to vector<16xi32>
      %and3A_757 = arith.andi %add3A_749, %and3A_756 : vector<16xi32>
      tpu.vector_store_idx %arg7[%add3A_107, %and3A_757], %shift_left3A_754 {add = true} : memref<64x512xi32, #tpu.memory_space<vmem>>[vector<16xi32>, vector<16xi32>], vector<16xi32>,
      %get3A_758 = arith.constant 24 : i32
      %get3A_759 = arith.index_cast %get3A_758 : i32 to index
      %get3A_760 = arith.index_cast %add3A_112 : i32 to index
      %get3A_761 = tpu.vector_load %arg5[%get3A_759, %get3A_760] {strides = array<i32>} : memref<32x128xi32, #tpu.memory_space<vmem>>, vector<16xi32>,
      %shift_right_arithmetic3A_762 = arith.constant 9 : i32
      %shift_right_arithmetic3A_763 = vector.broadcast %shift_right_arithmetic3A_762 : i32 to vector<16xi32>
      %shift_right_arithmetic3A_764 = arith.shrsi %get3A_761, %shift_right_arithmetic3A_763 : vector<16xi32>
      %mul3A_765 = arith.muli %shift_right_arithmetic3A_764, %broadcast_in_dim3A_48 : vector<16xi32>
      %shift_left3A_766 = arith.shli %broadcast_in_dim3A_46, %mul3A_765 : vector<16xi32>
      %and3A_767 = arith.constant 511 : i32
      %and3A_768 = vector.broadcast %and3A_767 : i32 to vector<16xi32>
      %and3A_769 = arith.andi %get3A_761, %and3A_768 : vector<16xi32>
      tpu.vector_store_idx %arg7[%add3A_107, %and3A_769], %shift_left3A_766 {add = true} : memref<64x512xi32, #tpu.memory_space<vmem>>[vector<16xi32>, vector<16xi32>], vector<16xi32>,
      %get3A_770 = arith.constant 24 : i32
      %get3A_771 = arith.index_cast %get3A_770 : i32 to index
      %get3A_772 = arith.index_cast %add3A_112 : i32 to index
      %get3A_773 = tpu.vector_load %arg6[%get3A_771, %get3A_772] {strides = array<i32>} : memref<32x128xi32, #tpu.memory_space<vmem>>, vector<16xi32>,
      %add3A_774 = arith.constant 1024 : i32
      %add3A_775 = vector.broadcast %add3A_774 : i32 to vector<16xi32>
      %add3A_776 = arith.addi %get3A_773, %add3A_775 : vector<16xi32>
      %shift_right_arithmetic3A_777 = arith.constant 9 : i32
      %shift_right_arithmetic3A_778 = vector.broadcast %shift_right_arithmetic3A_777 : i32 to vector<16xi32>
      %shift_right_arithmetic3A_779 = arith.shrsi %add3A_776, %shift_right_arithmetic3A_778 : vector<16xi32>
      %mul3A_780 = arith.muli %shift_right_arithmetic3A_779, %broadcast_in_dim3A_48 : vector<16xi32>
      %shift_left3A_781 = arith.shli %broadcast_in_dim3A_46, %mul3A_780 : vector<16xi32>
      %and3A_782 = arith.constant 511 : i32
      %and3A_783 = vector.broadcast %and3A_782 : i32 to vector<16xi32>
      %and3A_784 = arith.andi %add3A_776, %and3A_783 : vector<16xi32>
      tpu.vector_store_idx %arg7[%add3A_107, %and3A_784], %shift_left3A_781 {add = true} : memref<64x512xi32, #tpu.memory_space<vmem>>[vector<16xi32>, vector<16xi32>], vector<16xi32>,
      %get3A_785 = arith.constant 25 : i32
      %get3A_786 = arith.index_cast %get3A_785 : i32 to index
      %get3A_787 = arith.index_cast %add3A_112 : i32 to index
      %get3A_788 = tpu.vector_load %arg5[%get3A_786, %get3A_787] {strides = array<i32>} : memref<32x128xi32, #tpu.memory_space<vmem>>, vector<16xi32>,
      %shift_right_arithmetic3A_789 = arith.constant 9 : i32
      %shift_right_arithmetic3A_790 = vector.broadcast %shift_right_arithmetic3A_789 : i32 to vector<16xi32>
      %shift_right_arithmetic3A_791 = arith.shrsi %get3A_788, %shift_right_arithmetic3A_790 : vector<16xi32>
      %mul3A_792 = arith.muli %shift_right_arithmetic3A_791, %broadcast_in_dim3A_48 : vector<16xi32>
      %shift_left3A_793 = arith.shli %broadcast_in_dim3A_46, %mul3A_792 : vector<16xi32>
      %and3A_794 = arith.constant 511 : i32
      %and3A_795 = vector.broadcast %and3A_794 : i32 to vector<16xi32>
      %and3A_796 = arith.andi %get3A_788, %and3A_795 : vector<16xi32>
      tpu.vector_store_idx %arg7[%add3A_107, %and3A_796], %shift_left3A_793 {add = true} : memref<64x512xi32, #tpu.memory_space<vmem>>[vector<16xi32>, vector<16xi32>], vector<16xi32>,
      %get3A_797 = arith.constant 25 : i32
      %get3A_798 = arith.index_cast %get3A_797 : i32 to index
      %get3A_799 = arith.index_cast %add3A_112 : i32 to index
      %get3A_800 = tpu.vector_load %arg6[%get3A_798, %get3A_799] {strides = array<i32>} : memref<32x128xi32, #tpu.memory_space<vmem>>, vector<16xi32>,
      %add3A_801 = arith.constant 1024 : i32
      %add3A_802 = vector.broadcast %add3A_801 : i32 to vector<16xi32>
      %add3A_803 = arith.addi %get3A_800, %add3A_802 : vector<16xi32>
      %shift_right_arithmetic3A_804 = arith.constant 9 : i32
      %shift_right_arithmetic3A_805 = vector.broadcast %shift_right_arithmetic3A_804 : i32 to vector<16xi32>
      %shift_right_arithmetic3A_806 = arith.shrsi %add3A_803, %shift_right_arithmetic3A_805 : vector<16xi32>
      %mul3A_807 = arith.muli %shift_right_arithmetic3A_806, %broadcast_in_dim3A_48 : vector<16xi32>
      %shift_left3A_808 = arith.shli %broadcast_in_dim3A_46, %mul3A_807 : vector<16xi32>
      %and3A_809 = arith.constant 511 : i32
      %and3A_810 = vector.broadcast %and3A_809 : i32 to vector<16xi32>
      %and3A_811 = arith.andi %add3A_803, %and3A_810 : vector<16xi32>
      tpu.vector_store_idx %arg7[%add3A_107, %and3A_811], %shift_left3A_808 {add = true} : memref<64x512xi32, #tpu.memory_space<vmem>>[vector<16xi32>, vector<16xi32>], vector<16xi32>,
      %get3A_812 = arith.constant 26 : i32
      %get3A_813 = arith.index_cast %get3A_812 : i32 to index
      %get3A_814 = arith.index_cast %add3A_112 : i32 to index
      %get3A_815 = tpu.vector_load %arg5[%get3A_813, %get3A_814] {strides = array<i32>} : memref<32x128xi32, #tpu.memory_space<vmem>>, vector<16xi32>,
      %shift_right_arithmetic3A_816 = arith.constant 9 : i32
      %shift_right_arithmetic3A_817 = vector.broadcast %shift_right_arithmetic3A_816 : i32 to vector<16xi32>
      %shift_right_arithmetic3A_818 = arith.shrsi %get3A_815, %shift_right_arithmetic3A_817 : vector<16xi32>
      %mul3A_819 = arith.muli %shift_right_arithmetic3A_818, %broadcast_in_dim3A_48 : vector<16xi32>
      %shift_left3A_820 = arith.shli %broadcast_in_dim3A_46, %mul3A_819 : vector<16xi32>
      %and3A_821 = arith.constant 511 : i32
      %and3A_822 = vector.broadcast %and3A_821 : i32 to vector<16xi32>
      %and3A_823 = arith.andi %get3A_815, %and3A_822 : vector<16xi32>
      tpu.vector_store_idx %arg7[%add3A_107, %and3A_823], %shift_left3A_820 {add = true} : memref<64x512xi32, #tpu.memory_space<vmem>>[vector<16xi32>, vector<16xi32>], vector<16xi32>,
      %get3A_824 = arith.constant 26 : i32
      %get3A_825 = arith.index_cast %get3A_824 : i32 to index
      %get3A_826 = arith.index_cast %add3A_112 : i32 to index
      %get3A_827 = tpu.vector_load %arg6[%get3A_825, %get3A_826] {strides = array<i32>} : memref<32x128xi32, #tpu.memory_space<vmem>>, vector<16xi32>,
      %add3A_828 = arith.constant 1024 : i32
      %add3A_829 = vector.broadcast %add3A_828 : i32 to vector<16xi32>
      %add3A_830 = arith.addi %get3A_827, %add3A_829 : vector<16xi32>
      %shift_right_arithmetic3A_831 = arith.constant 9 : i32
      %shift_right_arithmetic3A_832 = vector.broadcast %shift_right_arithmetic3A_831 : i32 to vector<16xi32>
      %shift_right_arithmetic3A_833 = arith.shrsi %add3A_830, %shift_right_arithmetic3A_832 : vector<16xi32>
      %mul3A_834 = arith.muli %shift_right_arithmetic3A_833, %broadcast_in_dim3A_48 : vector<16xi32>
      %shift_left3A_835 = arith.shli %broadcast_in_dim3A_46, %mul3A_834 : vector<16xi32>
      %and3A_836 = arith.constant 511 : i32
      %and3A_837 = vector.broadcast %and3A_836 : i32 to vector<16xi32>
      %and3A_838 = arith.andi %add3A_830, %and3A_837 : vector<16xi32>
      tpu.vector_store_idx %arg7[%add3A_107, %and3A_838], %shift_left3A_835 {add = true} : memref<64x512xi32, #tpu.memory_space<vmem>>[vector<16xi32>, vector<16xi32>], vector<16xi32>,
      %get3A_839 = arith.constant 27 : i32
      %get3A_840 = arith.index_cast %get3A_839 : i32 to index
      %get3A_841 = arith.index_cast %add3A_112 : i32 to index
      %get3A_842 = tpu.vector_load %arg5[%get3A_840, %get3A_841] {strides = array<i32>} : memref<32x128xi32, #tpu.memory_space<vmem>>, vector<16xi32>,
      %shift_right_arithmetic3A_843 = arith.constant 9 : i32
      %shift_right_arithmetic3A_844 = vector.broadcast %shift_right_arithmetic3A_843 : i32 to vector<16xi32>
      %shift_right_arithmetic3A_845 = arith.shrsi %get3A_842, %shift_right_arithmetic3A_844 : vector<16xi32>
      %mul3A_846 = arith.muli %shift_right_arithmetic3A_845, %broadcast_in_dim3A_48 : vector<16xi32>
      %shift_left3A_847 = arith.shli %broadcast_in_dim3A_46, %mul3A_846 : vector<16xi32>
      %and3A_848 = arith.constant 511 : i32
      %and3A_849 = vector.broadcast %and3A_848 : i32 to vector<16xi32>
      %and3A_850 = arith.andi %get3A_842, %and3A_849 : vector<16xi32>
      tpu.vector_store_idx %arg7[%add3A_107, %and3A_850], %shift_left3A_847 {add = true} : memref<64x512xi32, #tpu.memory_space<vmem>>[vector<16xi32>, vector<16xi32>], vector<16xi32>,
      %get3A_851 = arith.constant 27 : i32
      %get3A_852 = arith.index_cast %get3A_851 : i32 to index
      %get3A_853 = arith.index_cast %add3A_112 : i32 to index
      %get3A_854 = tpu.vector_load %arg6[%get3A_852, %get3A_853] {strides = array<i32>} : memref<32x128xi32, #tpu.memory_space<vmem>>, vector<16xi32>,
      %add3A_855 = arith.constant 1024 : i32
      %add3A_856 = vector.broadcast %add3A_855 : i32 to vector<16xi32>
      %add3A_857 = arith.addi %get3A_854, %add3A_856 : vector<16xi32>
      %shift_right_arithmetic3A_858 = arith.constant 9 : i32
      %shift_right_arithmetic3A_859 = vector.broadcast %shift_right_arithmetic3A_858 : i32 to vector<16xi32>
      %shift_right_arithmetic3A_860 = arith.shrsi %add3A_857, %shift_right_arithmetic3A_859 : vector<16xi32>
      %mul3A_861 = arith.muli %shift_right_arithmetic3A_860, %broadcast_in_dim3A_48 : vector<16xi32>
      %shift_left3A_862 = arith.shli %broadcast_in_dim3A_46, %mul3A_861 : vector<16xi32>
      %and3A_863 = arith.constant 511 : i32
      %and3A_864 = vector.broadcast %and3A_863 : i32 to vector<16xi32>
      %and3A_865 = arith.andi %add3A_857, %and3A_864 : vector<16xi32>
      tpu.vector_store_idx %arg7[%add3A_107, %and3A_865], %shift_left3A_862 {add = true} : memref<64x512xi32, #tpu.memory_space<vmem>>[vector<16xi32>, vector<16xi32>], vector<16xi32>,
      %get3A_866 = arith.constant 28 : i32
      %get3A_867 = arith.index_cast %get3A_866 : i32 to index
      %get3A_868 = arith.index_cast %add3A_112 : i32 to index
      %get3A_869 = tpu.vector_load %arg5[%get3A_867, %get3A_868] {strides = array<i32>} : memref<32x128xi32, #tpu.memory_space<vmem>>, vector<16xi32>,
      %shift_right_arithmetic3A_870 = arith.constant 9 : i32
      %shift_right_arithmetic3A_871 = vector.broadcast %shift_right_arithmetic3A_870 : i32 to vector<16xi32>
      %shift_right_arithmetic3A_872 = arith.shrsi %get3A_869, %shift_right_arithmetic3A_871 : vector<16xi32>
      %mul3A_873 = arith.muli %shift_right_arithmetic3A_872, %broadcast_in_dim3A_48 : vector<16xi32>
      %shift_left3A_874 = arith.shli %broadcast_in_dim3A_46, %mul3A_873 : vector<16xi32>
      %and3A_875 = arith.constant 511 : i32
      %and3A_876 = vector.broadcast %and3A_875 : i32 to vector<16xi32>
      %and3A_877 = arith.andi %get3A_869, %and3A_876 : vector<16xi32>
      tpu.vector_store_idx %arg7[%add3A_107, %and3A_877], %shift_left3A_874 {add = true} : memref<64x512xi32, #tpu.memory_space<vmem>>[vector<16xi32>, vector<16xi32>], vector<16xi32>,
      %get3A_878 = arith.constant 28 : i32
      %get3A_879 = arith.index_cast %get3A_878 : i32 to index
      %get3A_880 = arith.index_cast %add3A_112 : i32 to index
      %get3A_881 = tpu.vector_load %arg6[%get3A_879, %get3A_880] {strides = array<i32>} : memref<32x128xi32, #tpu.memory_space<vmem>>, vector<16xi32>,
      %add3A_882 = arith.constant 1024 : i32
      %add3A_883 = vector.broadcast %add3A_882 : i32 to vector<16xi32>
      %add3A_884 = arith.addi %get3A_881, %add3A_883 : vector<16xi32>
      %shift_right_arithmetic3A_885 = arith.constant 9 : i32
      %shift_right_arithmetic3A_886 = vector.broadcast %shift_right_arithmetic3A_885 : i32 to vector<16xi32>
      %shift_right_arithmetic3A_887 = arith.shrsi %add3A_884, %shift_right_arithmetic3A_886 : vector<16xi32>
      %mul3A_888 = arith.muli %shift_right_arithmetic3A_887, %broadcast_in_dim3A_48 : vector<16xi32>
      %shift_left3A_889 = arith.shli %broadcast_in_dim3A_46, %mul3A_888 : vector<16xi32>
      %and3A_890 = arith.constant 511 : i32
      %and3A_891 = vector.broadcast %and3A_890 : i32 to vector<16xi32>
      %and3A_892 = arith.andi %add3A_884, %and3A_891 : vector<16xi32>
      tpu.vector_store_idx %arg7[%add3A_107, %and3A_892], %shift_left3A_889 {add = true} : memref<64x512xi32, #tpu.memory_space<vmem>>[vector<16xi32>, vector<16xi32>], vector<16xi32>,
      %get3A_893 = arith.constant 29 : i32
      %get3A_894 = arith.index_cast %get3A_893 : i32 to index
      %get3A_895 = arith.index_cast %add3A_112 : i32 to index
      %get3A_896 = tpu.vector_load %arg5[%get3A_894, %get3A_895] {strides = array<i32>} : memref<32x128xi32, #tpu.memory_space<vmem>>, vector<16xi32>,
      %shift_right_arithmetic3A_897 = arith.constant 9 : i32
      %shift_right_arithmetic3A_898 = vector.broadcast %shift_right_arithmetic3A_897 : i32 to vector<16xi32>
      %shift_right_arithmetic3A_899 = arith.shrsi %get3A_896, %shift_right_arithmetic3A_898 : vector<16xi32>
      %mul3A_900 = arith.muli %shift_right_arithmetic3A_899, %broadcast_in_dim3A_48 : vector<16xi32>
      %shift_left3A_901 = arith.shli %broadcast_in_dim3A_46, %mul3A_900 : vector<16xi32>
      %and3A_902 = arith.constant 511 : i32
      %and3A_903 = vector.broadcast %and3A_902 : i32 to vector<16xi32>
      %and3A_904 = arith.andi %get3A_896, %and3A_903 : vector<16xi32>
      tpu.vector_store_idx %arg7[%add3A_107, %and3A_904], %shift_left3A_901 {add = true} : memref<64x512xi32, #tpu.memory_space<vmem>>[vector<16xi32>, vector<16xi32>], vector<16xi32>,
      %get3A_905 = arith.constant 29 : i32
      %get3A_906 = arith.index_cast %get3A_905 : i32 to index
      %get3A_907 = arith.index_cast %add3A_112 : i32 to index
      %get3A_908 = tpu.vector_load %arg6[%get3A_906, %get3A_907] {strides = array<i32>} : memref<32x128xi32, #tpu.memory_space<vmem>>, vector<16xi32>,
      %add3A_909 = arith.constant 1024 : i32
      %add3A_910 = vector.broadcast %add3A_909 : i32 to vector<16xi32>
      %add3A_911 = arith.addi %get3A_908, %add3A_910 : vector<16xi32>
      %shift_right_arithmetic3A_912 = arith.constant 9 : i32
      %shift_right_arithmetic3A_913 = vector.broadcast %shift_right_arithmetic3A_912 : i32 to vector<16xi32>
      %shift_right_arithmetic3A_914 = arith.shrsi %add3A_911, %shift_right_arithmetic3A_913 : vector<16xi32>
      %mul3A_915 = arith.muli %shift_right_arithmetic3A_914, %broadcast_in_dim3A_48 : vector<16xi32>
      %shift_left3A_916 = arith.shli %broadcast_in_dim3A_46, %mul3A_915 : vector<16xi32>
      %and3A_917 = arith.constant 511 : i32
      %and3A_918 = vector.broadcast %and3A_917 : i32 to vector<16xi32>
      %and3A_919 = arith.andi %add3A_911, %and3A_918 : vector<16xi32>
      tpu.vector_store_idx %arg7[%add3A_107, %and3A_919], %shift_left3A_916 {add = true} : memref<64x512xi32, #tpu.memory_space<vmem>>[vector<16xi32>, vector<16xi32>], vector<16xi32>,
      %get3A_920 = arith.constant 30 : i32
      %get3A_921 = arith.index_cast %get3A_920 : i32 to index
      %get3A_922 = arith.index_cast %add3A_112 : i32 to index
      %get3A_923 = tpu.vector_load %arg5[%get3A_921, %get3A_922] {strides = array<i32>} : memref<32x128xi32, #tpu.memory_space<vmem>>, vector<16xi32>,
      %shift_right_arithmetic3A_924 = arith.constant 9 : i32
      %shift_right_arithmetic3A_925 = vector.broadcast %shift_right_arithmetic3A_924 : i32 to vector<16xi32>
      %shift_right_arithmetic3A_926 = arith.shrsi %get3A_923, %shift_right_arithmetic3A_925 : vector<16xi32>
      %mul3A_927 = arith.muli %shift_right_arithmetic3A_926, %broadcast_in_dim3A_48 : vector<16xi32>
      %shift_left3A_928 = arith.shli %broadcast_in_dim3A_46, %mul3A_927 : vector<16xi32>
      %and3A_929 = arith.constant 511 : i32
      %and3A_930 = vector.broadcast %and3A_929 : i32 to vector<16xi32>
      %and3A_931 = arith.andi %get3A_923, %and3A_930 : vector<16xi32>
      tpu.vector_store_idx %arg7[%add3A_107, %and3A_931], %shift_left3A_928 {add = true} : memref<64x512xi32, #tpu.memory_space<vmem>>[vector<16xi32>, vector<16xi32>], vector<16xi32>,
      %get3A_932 = arith.constant 30 : i32
      %get3A_933 = arith.index_cast %get3A_932 : i32 to index
      %get3A_934 = arith.index_cast %add3A_112 : i32 to index
      %get3A_935 = tpu.vector_load %arg6[%get3A_933, %get3A_934] {strides = array<i32>} : memref<32x128xi32, #tpu.memory_space<vmem>>, vector<16xi32>,
      %add3A_936 = arith.constant 1024 : i32
      %add3A_937 = vector.broadcast %add3A_936 : i32 to vector<16xi32>
      %add3A_938 = arith.addi %get3A_935, %add3A_937 : vector<16xi32>
      %shift_right_arithmetic3A_939 = arith.constant 9 : i32
      %shift_right_arithmetic3A_940 = vector.broadcast %shift_right_arithmetic3A_939 : i32 to vector<16xi32>
      %shift_right_arithmetic3A_941 = arith.shrsi %add3A_938, %shift_right_arithmetic3A_940 : vector<16xi32>
      %mul3A_942 = arith.muli %shift_right_arithmetic3A_941, %broadcast_in_dim3A_48 : vector<16xi32>
      %shift_left3A_943 = arith.shli %broadcast_in_dim3A_46, %mul3A_942 : vector<16xi32>
      %and3A_944 = arith.constant 511 : i32
      %and3A_945 = vector.broadcast %and3A_944 : i32 to vector<16xi32>
      %and3A_946 = arith.andi %add3A_938, %and3A_945 : vector<16xi32>
      tpu.vector_store_idx %arg7[%add3A_107, %and3A_946], %shift_left3A_943 {add = true} : memref<64x512xi32, #tpu.memory_space<vmem>>[vector<16xi32>, vector<16xi32>], vector<16xi32>,
      %get3A_947 = arith.constant 31 : i32
      %get3A_948 = arith.index_cast %get3A_947 : i32 to index
      %get3A_949 = arith.index_cast %add3A_112 : i32 to index
      %get3A_950 = tpu.vector_load %arg5[%get3A_948, %get3A_949] {strides = array<i32>} : memref<32x128xi32, #tpu.memory_space<vmem>>, vector<16xi32>,
      %shift_right_arithmetic3A_951 = arith.constant 9 : i32
      %shift_right_arithmetic3A_952 = vector.broadcast %shift_right_arithmetic3A_951 : i32 to vector<16xi32>
      %shift_right_arithmetic3A_953 = arith.shrsi %get3A_950, %shift_right_arithmetic3A_952 : vector<16xi32>
      %mul3A_954 = arith.muli %shift_right_arithmetic3A_953, %broadcast_in_dim3A_48 : vector<16xi32>
      %shift_left3A_955 = arith.shli %broadcast_in_dim3A_46, %mul3A_954 : vector<16xi32>
      %and3A_956 = arith.constant 511 : i32
      %and3A_957 = vector.broadcast %and3A_956 : i32 to vector<16xi32>
      %and3A_958 = arith.andi %get3A_950, %and3A_957 : vector<16xi32>
      tpu.vector_store_idx %arg7[%add3A_107, %and3A_958], %shift_left3A_955 {add = true} : memref<64x512xi32, #tpu.memory_space<vmem>>[vector<16xi32>, vector<16xi32>], vector<16xi32>,
      %get3A_959 = arith.constant 31 : i32
      %get3A_960 = arith.index_cast %get3A_959 : i32 to index
      %get3A_961 = arith.index_cast %add3A_112 : i32 to index
      %get3A_962 = tpu.vector_load %arg6[%get3A_960, %get3A_961] {strides = array<i32>} : memref<32x128xi32, #tpu.memory_space<vmem>>, vector<16xi32>,
      %add3A_963 = arith.constant 1024 : i32
      %add3A_964 = vector.broadcast %add3A_963 : i32 to vector<16xi32>
      %add3A_965 = arith.addi %get3A_962, %add3A_964 : vector<16xi32>
      %shift_right_arithmetic3A_966 = arith.constant 9 : i32
      %shift_right_arithmetic3A_967 = vector.broadcast %shift_right_arithmetic3A_966 : i32 to vector<16xi32>
      %shift_right_arithmetic3A_968 = arith.shrsi %add3A_965, %shift_right_arithmetic3A_967 : vector<16xi32>
      %mul3A_969 = arith.muli %shift_right_arithmetic3A_968, %broadcast_in_dim3A_48 : vector<16xi32>
      %shift_left3A_970 = arith.shli %broadcast_in_dim3A_46, %mul3A_969 : vector<16xi32>
      %and3A_971 = arith.constant 511 : i32
      %and3A_972 = vector.broadcast %and3A_971 : i32 to vector<16xi32>
      %and3A_973 = arith.andi %add3A_965, %and3A_972 : vector<16xi32>
      tpu.vector_store_idx %arg7[%add3A_107, %and3A_973], %shift_left3A_970 {add = true} : memref<64x512xi32, #tpu.memory_space<vmem>>[vector<16xi32>, vector<16xi32>], vector<16xi32>,
    }
    %scan3A_66 = arith.constant 4 : i32
    %mul3A_67 = arith.constant 128 : i32
    %mul3A_68 = arith.muli %add3A, %mul3A_67 : i32
    %add3A_69 = arith.constant 0 : i32
    %add3A_70 = arith.addi %mul3A_68, %add3A_69 : i32
    %dma_start3A_71 = arith.constant 0 : i32
    %dma_start3A_72 = tpu.memref_slice %arg4[%add3A_70, %dma_start3A_71] : memref<4096x512xi32, #tpu.memory_space<hbm>> -> memref<64x512xi32, #tpu.memory_space<hbm>>
    %dma_start3A_73 = arith.constant 0 : i32
    %dma_start3A_74 = tpu.memref_slice %arg4[%add3A_70, %dma_start3A_73] : memref<4096x512xi32, #tpu.memory_space<hbm>> -> memref<64x512xi32, #tpu.memory_space<hbm>>
    tpu.enqueue_dma source(%arg7 : memref<64x512xi32, #tpu.memory_space<vmem>>) target(%dma_start3A_74 : memref<64x512xi32, #tpu.memory_space<hbm>>) target_semaphore(%arg9 : memref<!tpu.dma_semaphore, #tpu.memory_space<semaphore_mem>>)
    %scan3A_75 = arith.constant 0 : i32
    %scan3A_76 = arith.constant 0 : i32
    %scan3A_77 = arith.constant 64 : i32
    %scan3A_78 = arith.addi %scan3A_76, %scan3A_77 : i32
    %scan3A_79 = arith.constant 1 : i32
    scf.for %scan3A_103 = %scan3A_76 to %scan3A_78 step %scan3A_79  : i32 {
      %swap3A = arith.index_cast %scan3A_103 : i32 to index
      %swap3A_104 = arith.constant 0 : index
      %swap3A_105 = tpu.vector_load %arg8[%swap3A, %swap3A_104] {strides = array<i32>} : memref<64x512xi32, #tpu.memory_space<vmem>>, vector<16xi32>,
      tpu.vector_store %arg8[%swap3A, %swap3A_104], %broadcast_in_dim3A_44 {strides = array<i32>} : memref<64x512xi32, #tpu.memory_space<vmem>>, vector<16xi32>,
      %swap3A_106 = arith.index_cast %scan3A_103 : i32 to index
      %swap3A_107 = arith.constant 16 : index
      %swap3A_108 = tpu.vector_load %arg8[%swap3A_106, %swap3A_107] {strides = array<i32>} : memref<64x512xi32, #tpu.memory_space<vmem>>, vector<16xi32>,
      tpu.vector_store %arg8[%swap3A_106, %swap3A_107], %broadcast_in_dim3A_44 {strides = array<i32>} : memref<64x512xi32, #tpu.memory_space<vmem>>, vector<16xi32>,
      %swap3A_109 = arith.index_cast %scan3A_103 : i32 to index
      %swap3A_110 = arith.constant 32 : index
      %swap3A_111 = tpu.vector_load %arg8[%swap3A_109, %swap3A_110] {strides = array<i32>} : memref<64x512xi32, #tpu.memory_space<vmem>>, vector<16xi32>,
      tpu.vector_store %arg8[%swap3A_109, %swap3A_110], %broadcast_in_dim3A_44 {strides = array<i32>} : memref<64x512xi32, #tpu.memory_space<vmem>>, vector<16xi32>,
      %swap3A_112 = arith.index_cast %scan3A_103 : i32 to index
      %swap3A_113 = arith.constant 48 : index
      %swap3A_114 = tpu.vector_load %arg8[%swap3A_112, %swap3A_113] {strides = array<i32>} : memref<64x512xi32, #tpu.memory_space<vmem>>, vector<16xi32>,
      tpu.vector_store %arg8[%swap3A_112, %swap3A_113], %broadcast_in_dim3A_44 {strides = array<i32>} : memref<64x512xi32, #tpu.memory_space<vmem>>, vector<16xi32>,
      %swap3A_115 = arith.index_cast %scan3A_103 : i32 to index
      %swap3A_116 = arith.constant 64 : index
      %swap3A_117 = tpu.vector_load %arg8[%swap3A_115, %swap3A_116] {strides = array<i32>} : memref<64x512xi32, #tpu.memory_space<vmem>>, vector<16xi32>,
      tpu.vector_store %arg8[%swap3A_115, %swap3A_116], %broadcast_in_dim3A_44 {strides = array<i32>} : memref<64x512xi32, #tpu.memory_space<vmem>>, vector<16xi32>,
      %swap3A_118 = arith.index_cast %scan3A_103 : i32 to index
      %swap3A_119 = arith.constant 80 : index
      %swap3A_120 = tpu.vector_load %arg8[%swap3A_118, %swap3A_119] {strides = array<i32>} : memref<64x512xi32, #tpu.memory_space<vmem>>, vector<16xi32>,
      tpu.vector_store %arg8[%swap3A_118, %swap3A_119], %broadcast_in_dim3A_44 {strides = array<i32>} : memref<64x512xi32, #tpu.memory_space<vmem>>, vector<16xi32>,
      %swap3A_121 = arith.index_cast %scan3A_103 : i32 to index
      %swap3A_122 = arith.constant 96 : index
      %swap3A_123 = tpu.vector_load %arg8[%swap3A_121, %swap3A_122] {strides = array<i32>} : memref<64x512xi32, #tpu.memory_space<vmem>>, vector<16xi32>,
      tpu.vector_store %arg8[%swap3A_121, %swap3A_122], %broadcast_in_dim3A_44 {strides = array<i32>} : memref<64x512xi32, #tpu.memory_space<vmem>>, vector<16xi32>,
      %swap3A_124 = arith.index_cast %scan3A_103 : i32 to index
      %swap3A_125 = arith.constant 112 : index
      %swap3A_126 = tpu.vector_load %arg8[%swap3A_124, %swap3A_125] {strides = array<i32>} : memref<64x512xi32, #tpu.memory_space<vmem>>, vector<16xi32>,
      tpu.vector_store %arg8[%swap3A_124, %swap3A_125], %broadcast_in_dim3A_44 {strides = array<i32>} : memref<64x512xi32, #tpu.memory_space<vmem>>, vector<16xi32>,
      %swap3A_127 = arith.index_cast %scan3A_103 : i32 to index
      %swap3A_128 = arith.constant 128 : index
      %swap3A_129 = tpu.vector_load %arg8[%swap3A_127, %swap3A_128] {strides = array<i32>} : memref<64x512xi32, #tpu.memory_space<vmem>>, vector<16xi32>,
      tpu.vector_store %arg8[%swap3A_127, %swap3A_128], %broadcast_in_dim3A_44 {strides = array<i32>} : memref<64x512xi32, #tpu.memory_space<vmem>>, vector<16xi32>,
      %swap3A_130 = arith.index_cast %scan3A_103 : i32 to index
      %swap3A_131 = arith.constant 144 : index
      %swap3A_132 = tpu.vector_load %arg8[%swap3A_130, %swap3A_131] {strides = array<i32>} : memref<64x512xi32, #tpu.memory_space<vmem>>, vector<16xi32>,
      tpu.vector_store %arg8[%swap3A_130, %swap3A_131], %broadcast_in_dim3A_44 {strides = array<i32>} : memref<64x512xi32, #tpu.memory_space<vmem>>, vector<16xi32>,
      %swap3A_133 = arith.index_cast %scan3A_103 : i32 to index
      %swap3A_134 = arith.constant 160 : index
      %swap3A_135 = tpu.vector_load %arg8[%swap3A_133, %swap3A_134] {strides = array<i32>} : memref<64x512xi32, #tpu.memory_space<vmem>>, vector<16xi32>,
      tpu.vector_store %arg8[%swap3A_133, %swap3A_134], %broadcast_in_dim3A_44 {strides = array<i32>} : memref<64x512xi32, #tpu.memory_space<vmem>>, vector<16xi32>,
      %swap3A_136 = arith.index_cast %scan3A_103 : i32 to index
      %swap3A_137 = arith.constant 176 : index
      %swap3A_138 = tpu.vector_load %arg8[%swap3A_136, %swap3A_137] {strides = array<i32>} : memref<64x512xi32, #tpu.memory_space<vmem>>, vector<16xi32>,
      tpu.vector_store %arg8[%swap3A_136, %swap3A_137], %broadcast_in_dim3A_44 {strides = array<i32>} : memref<64x512xi32, #tpu.memory_space<vmem>>, vector<16xi32>,
      %swap3A_139 = arith.index_cast %scan3A_103 : i32 to index
      %swap3A_140 = arith.constant 192 : index
      %swap3A_141 = tpu.vector_load %arg8[%swap3A_139, %swap3A_140] {strides = array<i32>} : memref<64x512xi32, #tpu.memory_space<vmem>>, vector<16xi32>,
      tpu.vector_store %arg8[%swap3A_139, %swap3A_140], %broadcast_in_dim3A_44 {strides = array<i32>} : memref<64x512xi32, #tpu.memory_space<vmem>>, vector<16xi32>,
      %swap3A_142 = arith.index_cast %scan3A_103 : i32 to index
      %swap3A_143 = arith.constant 208 : index
      %swap3A_144 = tpu.vector_load %arg8[%swap3A_142, %swap3A_143] {strides = array<i32>} : memref<64x512xi32, #tpu.memory_space<vmem>>, vector<16xi32>,
      tpu.vector_store %arg8[%swap3A_142, %swap3A_143], %broadcast_in_dim3A_44 {strides = array<i32>} : memref<64x512xi32, #tpu.memory_space<vmem>>, vector<16xi32>,
      %swap3A_145 = arith.index_cast %scan3A_103 : i32 to index
      %swap3A_146 = arith.constant 224 : index
      %swap3A_147 = tpu.vector_load %arg8[%swap3A_145, %swap3A_146] {strides = array<i32>} : memref<64x512xi32, #tpu.memory_space<vmem>>, vector<16xi32>,
      tpu.vector_store %arg8[%swap3A_145, %swap3A_146], %broadcast_in_dim3A_44 {strides = array<i32>} : memref<64x512xi32, #tpu.memory_space<vmem>>, vector<16xi32>,
      %swap3A_148 = arith.index_cast %scan3A_103 : i32 to index
      %swap3A_149 = arith.constant 240 : index
      %swap3A_150 = tpu.vector_load %arg8[%swap3A_148, %swap3A_149] {strides = array<i32>} : memref<64x512xi32, #tpu.memory_space<vmem>>, vector<16xi32>,
      tpu.vector_store %arg8[%swap3A_148, %swap3A_149], %broadcast_in_dim3A_44 {strides = array<i32>} : memref<64x512xi32, #tpu.memory_space<vmem>>, vector<16xi32>,
      %swap3A_151 = arith.index_cast %scan3A_103 : i32 to index
      %swap3A_152 = arith.constant 256 : index
      %swap3A_153 = tpu.vector_load %arg8[%swap3A_151, %swap3A_152] {strides = array<i32>} : memref<64x512xi32, #tpu.memory_space<vmem>>, vector<16xi32>,
      tpu.vector_store %arg8[%swap3A_151, %swap3A_152], %broadcast_in_dim3A_44 {strides = array<i32>} : memref<64x512xi32, #tpu.memory_space<vmem>>, vector<16xi32>,
      %swap3A_154 = arith.index_cast %scan3A_103 : i32 to index
      %swap3A_155 = arith.constant 272 : index
      %swap3A_156 = tpu.vector_load %arg8[%swap3A_154, %swap3A_155] {strides = array<i32>} : memref<64x512xi32, #tpu.memory_space<vmem>>, vector<16xi32>,
      tpu.vector_store %arg8[%swap3A_154, %swap3A_155], %broadcast_in_dim3A_44 {strides = array<i32>} : memref<64x512xi32, #tpu.memory_space<vmem>>, vector<16xi32>,
      %swap3A_157 = arith.index_cast %scan3A_103 : i32 to index
      %swap3A_158 = arith.constant 288 : index
      %swap3A_159 = tpu.vector_load %arg8[%swap3A_157, %swap3A_158] {strides = array<i32>} : memref<64x512xi32, #tpu.memory_space<vmem>>, vector<16xi32>,
      tpu.vector_store %arg8[%swap3A_157, %swap3A_158], %broadcast_in_dim3A_44 {strides = array<i32>} : memref<64x512xi32, #tpu.memory_space<vmem>>, vector<16xi32>,
      %swap3A_160 = arith.index_cast %scan3A_103 : i32 to index
      %swap3A_161 = arith.constant 304 : index
      %swap3A_162 = tpu.vector_load %arg8[%swap3A_160, %swap3A_161] {strides = array<i32>} : memref<64x512xi32, #tpu.memory_space<vmem>>, vector<16xi32>,
      tpu.vector_store %arg8[%swap3A_160, %swap3A_161], %broadcast_in_dim3A_44 {strides = array<i32>} : memref<64x512xi32, #tpu.memory_space<vmem>>, vector<16xi32>,
      %swap3A_163 = arith.index_cast %scan3A_103 : i32 to index
      %swap3A_164 = arith.constant 320 : index
      %swap3A_165 = tpu.vector_load %arg8[%swap3A_163, %swap3A_164] {strides = array<i32>} : memref<64x512xi32, #tpu.memory_space<vmem>>, vector<16xi32>,
      tpu.vector_store %arg8[%swap3A_163, %swap3A_164], %broadcast_in_dim3A_44 {strides = array<i32>} : memref<64x512xi32, #tpu.memory_space<vmem>>, vector<16xi32>,
      %swap3A_166 = arith.index_cast %scan3A_103 : i32 to index
      %swap3A_167 = arith.constant 336 : index
      %swap3A_168 = tpu.vector_load %arg8[%swap3A_166, %swap3A_167] {strides = array<i32>} : memref<64x512xi32, #tpu.memory_space<vmem>>, vector<16xi32>,
      tpu.vector_store %arg8[%swap3A_166, %swap3A_167], %broadcast_in_dim3A_44 {strides = array<i32>} : memref<64x512xi32, #tpu.memory_space<vmem>>, vector<16xi32>,
      %swap3A_169 = arith.index_cast %scan3A_103 : i32 to index
      %swap3A_170 = arith.constant 352 : index
      %swap3A_171 = tpu.vector_load %arg8[%swap3A_169, %swap3A_170] {strides = array<i32>} : memref<64x512xi32, #tpu.memory_space<vmem>>, vector<16xi32>,
      tpu.vector_store %arg8[%swap3A_169, %swap3A_170], %broadcast_in_dim3A_44 {strides = array<i32>} : memref<64x512xi32, #tpu.memory_space<vmem>>, vector<16xi32>,
      %swap3A_172 = arith.index_cast %scan3A_103 : i32 to index
      %swap3A_173 = arith.constant 368 : index
      %swap3A_174 = tpu.vector_load %arg8[%swap3A_172, %swap3A_173] {strides = array<i32>} : memref<64x512xi32, #tpu.memory_space<vmem>>, vector<16xi32>,
      tpu.vector_store %arg8[%swap3A_172, %swap3A_173], %broadcast_in_dim3A_44 {strides = array<i32>} : memref<64x512xi32, #tpu.memory_space<vmem>>, vector<16xi32>,
      %swap3A_175 = arith.index_cast %scan3A_103 : i32 to index
      %swap3A_176 = arith.constant 384 : index
      %swap3A_177 = tpu.vector_load %arg8[%swap3A_175, %swap3A_176] {strides = array<i32>} : memref<64x512xi32, #tpu.memory_space<vmem>>, vector<16xi32>,
      tpu.vector_store %arg8[%swap3A_175, %swap3A_176], %broadcast_in_dim3A_44 {strides = array<i32>} : memref<64x512xi32, #tpu.memory_space<vmem>>, vector<16xi32>,
      %swap3A_178 = arith.index_cast %scan3A_103 : i32 to index
      %swap3A_179 = arith.constant 400 : index
      %swap3A_180 = tpu.vector_load %arg8[%swap3A_178, %swap3A_179] {strides = array<i32>} : memref<64x512xi32, #tpu.memory_space<vmem>>, vector<16xi32>,
      tpu.vector_store %arg8[%swap3A_178, %swap3A_179], %broadcast_in_dim3A_44 {strides = array<i32>} : memref<64x512xi32, #tpu.memory_space<vmem>>, vector<16xi32>,
      %swap3A_181 = arith.index_cast %scan3A_103 : i32 to index
      %swap3A_182 = arith.constant 416 : index
      %swap3A_183 = tpu.vector_load %arg8[%swap3A_181, %swap3A_182] {strides = array<i32>} : memref<64x512xi32, #tpu.memory_space<vmem>>, vector<16xi32>,
      tpu.vector_store %arg8[%swap3A_181, %swap3A_182], %broadcast_in_dim3A_44 {strides = array<i32>} : memref<64x512xi32, #tpu.memory_space<vmem>>, vector<16xi32>,
      %swap3A_184 = arith.index_cast %scan3A_103 : i32 to index
      %swap3A_185 = arith.constant 432 : index
      %swap3A_186 = tpu.vector_load %arg8[%swap3A_184, %swap3A_185] {strides = array<i32>} : memref<64x512xi32, #tpu.memory_space<vmem>>, vector<16xi32>,
      tpu.vector_store %arg8[%swap3A_184, %swap3A_185], %broadcast_in_dim3A_44 {strides = array<i32>} : memref<64x512xi32, #tpu.memory_space<vmem>>, vector<16xi32>,
      %swap3A_187 = arith.index_cast %scan3A_103 : i32 to index
      %swap3A_188 = arith.constant 448 : index
      %swap3A_189 = tpu.vector_load %arg8[%swap3A_187, %swap3A_188] {strides = array<i32>} : memref<64x512xi32, #tpu.memory_space<vmem>>, vector<16xi32>,
      tpu.vector_store %arg8[%swap3A_187, %swap3A_188], %broadcast_in_dim3A_44 {strides = array<i32>} : memref<64x512xi32, #tpu.memory_space<vmem>>, vector<16xi32>,
      %swap3A_190 = arith.index_cast %scan3A_103 : i32 to index
      %swap3A_191 = arith.constant 464 : index
      %swap3A_192 = tpu.vector_load %arg8[%swap3A_190, %swap3A_191] {strides = array<i32>} : memref<64x512xi32, #tpu.memory_space<vmem>>, vector<16xi32>,
      tpu.vector_store %arg8[%swap3A_190, %swap3A_191], %broadcast_in_dim3A_44 {strides = array<i32>} : memref<64x512xi32, #tpu.memory_space<vmem>>, vector<16xi32>,
      %swap3A_193 = arith.index_cast %scan3A_103 : i32 to index
      %swap3A_194 = arith.constant 480 : index
      %swap3A_195 = tpu.vector_load %arg8[%swap3A_193, %swap3A_194] {strides = array<i32>} : memref<64x512xi32, #tpu.memory_space<vmem>>, vector<16xi32>,
      tpu.vector_store %arg8[%swap3A_193, %swap3A_194], %broadcast_in_dim3A_44 {strides = array<i32>} : memref<64x512xi32, #tpu.memory_space<vmem>>, vector<16xi32>,
      %swap3A_196 = arith.index_cast %scan3A_103 : i32 to index
      %swap3A_197 = arith.constant 496 : index
      %swap3A_198 = tpu.vector_load %arg8[%swap3A_196, %swap3A_197] {strides = array<i32>} : memref<64x512xi32, #tpu.memory_space<vmem>>, vector<16xi32>,
      tpu.vector_store %arg8[%swap3A_196, %swap3A_197], %broadcast_in_dim3A_44 {strides = array<i32>} : memref<64x512xi32, #tpu.memory_space<vmem>>, vector<16xi32>,
    }
    %scan3A_80 = arith.constant 64 : i32
    %scan3A_81 = arith.constant 0 : i32
    %scan3A_82 = arith.constant 0 : i32
    %scan3A_83 = arith.constant 4 : i32
    %scan3A_84 = arith.addi %scan3A_82, %scan3A_83 : i32
    %scan3A_85 = arith.constant 1 : i32
    scf.for %scan3A_103 = %scan3A_82 to %scan3A_84 step %scan3A_85  : i32 {
      %mul3A_104 = arith.constant 16 : i32
      %mul3A_105 = arith.muli %scan3A_103, %mul3A_104 : i32
      %add3A_106 = vector.broadcast %mul3A_105 : i32 to vector<16xi32>
      %add3A_107 = arith.addi %add3A_106, %iota3A : vector<16xi32>
      %add3A_108 = arith.constant 64 : i32
      %add3A_109 = arith.addi %mul3A_36, %add3A_108 : i32
      %mul3A_110 = arith.constant 16 : i32
      %mul3A_111 = arith.muli %scan3A_103, %mul3A_110 : i32
      %add3A_112 = arith.addi %add3A_109, %mul3A_111 : i32
      %get3A = arith.constant 0 : i32
      %get3A_113 = arith.index_cast %get3A : i32 to index
      %get3A_114 = arith.index_cast %add3A_112 : i32 to index
      %get3A_115 = tpu.vector_load %arg5[%get3A_113, %get3A_114] {strides = array<i32>} : memref<32x128xi32, #tpu.memory_space<vmem>>, vector<16xi32>,
      %shift_right_arithmetic3A = arith.constant 9 : i32
      %shift_right_arithmetic3A_116 = vector.broadcast %shift_right_arithmetic3A : i32 to vector<16xi32>
      %shift_right_arithmetic3A_117 = arith.shrsi %get3A_115, %shift_right_arithmetic3A_116 : vector<16xi32>
      %mul3A_118 = arith.muli %shift_right_arithmetic3A_117, %broadcast_in_dim3A_48 : vector<16xi32>
      %shift_left3A = arith.shli %broadcast_in_dim3A_46, %mul3A_118 : vector<16xi32>
      %and3A_119 = arith.constant 511 : i32
      %and3A_120 = vector.broadcast %and3A_119 : i32 to vector<16xi32>
      %and3A_121 = arith.andi %get3A_115, %and3A_120 : vector<16xi32>
      tpu.vector_store_idx %arg8[%add3A_107, %and3A_121], %shift_left3A {add = true} : memref<64x512xi32, #tpu.memory_space<vmem>>[vector<16xi32>, vector<16xi32>], vector<16xi32>,
      %get3A_122 = arith.constant 0 : i32
      %get3A_123 = arith.index_cast %get3A_122 : i32 to index
      %get3A_124 = arith.index_cast %add3A_112 : i32 to index
      %get3A_125 = tpu.vector_load %arg6[%get3A_123, %get3A_124] {strides = array<i32>} : memref<32x128xi32, #tpu.memory_space<vmem>>, vector<16xi32>,
      %add3A_126 = arith.constant 1024 : i32
      %add3A_127 = vector.broadcast %add3A_126 : i32 to vector<16xi32>
      %add3A_128 = arith.addi %get3A_125, %add3A_127 : vector<16xi32>
      %shift_right_arithmetic3A_129 = arith.constant 9 : i32
      %shift_right_arithmetic3A_130 = vector.broadcast %shift_right_arithmetic3A_129 : i32 to vector<16xi32>
      %shift_right_arithmetic3A_131 = arith.shrsi %add3A_128, %shift_right_arithmetic3A_130 : vector<16xi32>
      %mul3A_132 = arith.muli %shift_right_arithmetic3A_131, %broadcast_in_dim3A_48 : vector<16xi32>
      %shift_left3A_133 = arith.shli %broadcast_in_dim3A_46, %mul3A_132 : vector<16xi32>
      %and3A_134 = arith.constant 511 : i32
      %and3A_135 = vector.broadcast %and3A_134 : i32 to vector<16xi32>
      %and3A_136 = arith.andi %add3A_128, %and3A_135 : vector<16xi32>
      tpu.vector_store_idx %arg8[%add3A_107, %and3A_136], %shift_left3A_133 {add = true} : memref<64x512xi32, #tpu.memory_space<vmem>>[vector<16xi32>, vector<16xi32>], vector<16xi32>,
      %get3A_137 = arith.constant 1 : i32
      %get3A_138 = arith.index_cast %get3A_137 : i32 to index
      %get3A_139 = arith.index_cast %add3A_112 : i32 to index
      %get3A_140 = tpu.vector_load %arg5[%get3A_138, %get3A_139] {strides = array<i32>} : memref<32x128xi32, #tpu.memory_space<vmem>>, vector<16xi32>,
      %shift_right_arithmetic3A_141 = arith.constant 9 : i32
      %shift_right_arithmetic3A_142 = vector.broadcast %shift_right_arithmetic3A_141 : i32 to vector<16xi32>
      %shift_right_arithmetic3A_143 = arith.shrsi %get3A_140, %shift_right_arithmetic3A_142 : vector<16xi32>
      %mul3A_144 = arith.muli %shift_right_arithmetic3A_143, %broadcast_in_dim3A_48 : vector<16xi32>
      %shift_left3A_145 = arith.shli %broadcast_in_dim3A_46, %mul3A_144 : vector<16xi32>
      %and3A_146 = arith.constant 511 : i32
      %and3A_147 = vector.broadcast %and3A_146 : i32 to vector<16xi32>
      %and3A_148 = arith.andi %get3A_140, %and3A_147 : vector<16xi32>
      tpu.vector_store_idx %arg8[%add3A_107, %and3A_148], %shift_left3A_145 {add = true} : memref<64x512xi32, #tpu.memory_space<vmem>>[vector<16xi32>, vector<16xi32>], vector<16xi32>,
      %get3A_149 = arith.constant 1 : i32
      %get3A_150 = arith.index_cast %get3A_149 : i32 to index
      %get3A_151 = arith.index_cast %add3A_112 : i32 to index
      %get3A_152 = tpu.vector_load %arg6[%get3A_150, %get3A_151] {strides = array<i32>} : memref<32x128xi32, #tpu.memory_space<vmem>>, vector<16xi32>,
      %add3A_153 = arith.constant 1024 : i32
      %add3A_154 = vector.broadcast %add3A_153 : i32 to vector<16xi32>
      %add3A_155 = arith.addi %get3A_152, %add3A_154 : vector<16xi32>
      %shift_right_arithmetic3A_156 = arith.constant 9 : i32
      %shift_right_arithmetic3A_157 = vector.broadcast %shift_right_arithmetic3A_156 : i32 to vector<16xi32>
      %shift_right_arithmetic3A_158 = arith.shrsi %add3A_155, %shift_right_arithmetic3A_157 : vector<16xi32>
      %mul3A_159 = arith.muli %shift_right_arithmetic3A_158, %broadcast_in_dim3A_48 : vector<16xi32>
      %shift_left3A_160 = arith.shli %broadcast_in_dim3A_46, %mul3A_159 : vector<16xi32>
      %and3A_161 = arith.constant 511 : i32
      %and3A_162 = vector.broadcast %and3A_161 : i32 to vector<16xi32>
      %and3A_163 = arith.andi %add3A_155, %and3A_162 : vector<16xi32>
      tpu.vector_store_idx %arg8[%add3A_107, %and3A_163], %shift_left3A_160 {add = true} : memref<64x512xi32, #tpu.memory_space<vmem>>[vector<16xi32>, vector<16xi32>], vector<16xi32>,
      %get3A_164 = arith.constant 2 : i32
      %get3A_165 = arith.index_cast %get3A_164 : i32 to index
      %get3A_166 = arith.index_cast %add3A_112 : i32 to index
      %get3A_167 = tpu.vector_load %arg5[%get3A_165, %get3A_166] {strides = array<i32>} : memref<32x128xi32, #tpu.memory_space<vmem>>, vector<16xi32>,
      %shift_right_arithmetic3A_168 = arith.constant 9 : i32
      %shift_right_arithmetic3A_169 = vector.broadcast %shift_right_arithmetic3A_168 : i32 to vector<16xi32>
      %shift_right_arithmetic3A_170 = arith.shrsi %get3A_167, %shift_right_arithmetic3A_169 : vector<16xi32>
      %mul3A_171 = arith.muli %shift_right_arithmetic3A_170, %broadcast_in_dim3A_48 : vector<16xi32>
      %shift_left3A_172 = arith.shli %broadcast_in_dim3A_46, %mul3A_171 : vector<16xi32>
      %and3A_173 = arith.constant 511 : i32
      %and3A_174 = vector.broadcast %and3A_173 : i32 to vector<16xi32>
      %and3A_175 = arith.andi %get3A_167, %and3A_174 : vector<16xi32>
      tpu.vector_store_idx %arg8[%add3A_107, %and3A_175], %shift_left3A_172 {add = true} : memref<64x512xi32, #tpu.memory_space<vmem>>[vector<16xi32>, vector<16xi32>], vector<16xi32>,
      %get3A_176 = arith.constant 2 : i32
      %get3A_177 = arith.index_cast %get3A_176 : i32 to index
      %get3A_178 = arith.index_cast %add3A_112 : i32 to index
      %get3A_179 = tpu.vector_load %arg6[%get3A_177, %get3A_178] {strides = array<i32>} : memref<32x128xi32, #tpu.memory_space<vmem>>, vector<16xi32>,
      %add3A_180 = arith.constant 1024 : i32
      %add3A_181 = vector.broadcast %add3A_180 : i32 to vector<16xi32>
      %add3A_182 = arith.addi %get3A_179, %add3A_181 : vector<16xi32>
      %shift_right_arithmetic3A_183 = arith.constant 9 : i32
      %shift_right_arithmetic3A_184 = vector.broadcast %shift_right_arithmetic3A_183 : i32 to vector<16xi32>
      %shift_right_arithmetic3A_185 = arith.shrsi %add3A_182, %shift_right_arithmetic3A_184 : vector<16xi32>
      %mul3A_186 = arith.muli %shift_right_arithmetic3A_185, %broadcast_in_dim3A_48 : vector<16xi32>
      %shift_left3A_187 = arith.shli %broadcast_in_dim3A_46, %mul3A_186 : vector<16xi32>
      %and3A_188 = arith.constant 511 : i32
      %and3A_189 = vector.broadcast %and3A_188 : i32 to vector<16xi32>
      %and3A_190 = arith.andi %add3A_182, %and3A_189 : vector<16xi32>
      tpu.vector_store_idx %arg8[%add3A_107, %and3A_190], %shift_left3A_187 {add = true} : memref<64x512xi32, #tpu.memory_space<vmem>>[vector<16xi32>, vector<16xi32>], vector<16xi32>,
      %get3A_191 = arith.constant 3 : i32
      %get3A_192 = arith.index_cast %get3A_191 : i32 to index
      %get3A_193 = arith.index_cast %add3A_112 : i32 to index
      %get3A_194 = tpu.vector_load %arg5[%get3A_192, %get3A_193] {strides = array<i32>} : memref<32x128xi32, #tpu.memory_space<vmem>>, vector<16xi32>,
      %shift_right_arithmetic3A_195 = arith.constant 9 : i32
      %shift_right_arithmetic3A_196 = vector.broadcast %shift_right_arithmetic3A_195 : i32 to vector<16xi32>
      %shift_right_arithmetic3A_197 = arith.shrsi %get3A_194, %shift_right_arithmetic3A_196 : vector<16xi32>
      %mul3A_198 = arith.muli %shift_right_arithmetic3A_197, %broadcast_in_dim3A_48 : vector<16xi32>
      %shift_left3A_199 = arith.shli %broadcast_in_dim3A_46, %mul3A_198 : vector<16xi32>
      %and3A_200 = arith.constant 511 : i32
      %and3A_201 = vector.broadcast %and3A_200 : i32 to vector<16xi32>
      %and3A_202 = arith.andi %get3A_194, %and3A_201 : vector<16xi32>
      tpu.vector_store_idx %arg8[%add3A_107, %and3A_202], %shift_left3A_199 {add = true} : memref<64x512xi32, #tpu.memory_space<vmem>>[vector<16xi32>, vector<16xi32>], vector<16xi32>,
      %get3A_203 = arith.constant 3 : i32
      %get3A_204 = arith.index_cast %get3A_203 : i32 to index
      %get3A_205 = arith.index_cast %add3A_112 : i32 to index
      %get3A_206 = tpu.vector_load %arg6[%get3A_204, %get3A_205] {strides = array<i32>} : memref<32x128xi32, #tpu.memory_space<vmem>>, vector<16xi32>,
      %add3A_207 = arith.constant 1024 : i32
      %add3A_208 = vector.broadcast %add3A_207 : i32 to vector<16xi32>
      %add3A_209 = arith.addi %get3A_206, %add3A_208 : vector<16xi32>
      %shift_right_arithmetic3A_210 = arith.constant 9 : i32
      %shift_right_arithmetic3A_211 = vector.broadcast %shift_right_arithmetic3A_210 : i32 to vector<16xi32>
      %shift_right_arithmetic3A_212 = arith.shrsi %add3A_209, %shift_right_arithmetic3A_211 : vector<16xi32>
      %mul3A_213 = arith.muli %shift_right_arithmetic3A_212, %broadcast_in_dim3A_48 : vector<16xi32>
      %shift_left3A_214 = arith.shli %broadcast_in_dim3A_46, %mul3A_213 : vector<16xi32>
      %and3A_215 = arith.constant 511 : i32
      %and3A_216 = vector.broadcast %and3A_215 : i32 to vector<16xi32>
      %and3A_217 = arith.andi %add3A_209, %and3A_216 : vector<16xi32>
      tpu.vector_store_idx %arg8[%add3A_107, %and3A_217], %shift_left3A_214 {add = true} : memref<64x512xi32, #tpu.memory_space<vmem>>[vector<16xi32>, vector<16xi32>], vector<16xi32>,
      %get3A_218 = arith.constant 4 : i32
      %get3A_219 = arith.index_cast %get3A_218 : i32 to index
      %get3A_220 = arith.index_cast %add3A_112 : i32 to index
      %get3A_221 = tpu.vector_load %arg5[%get3A_219, %get3A_220] {strides = array<i32>} : memref<32x128xi32, #tpu.memory_space<vmem>>, vector<16xi32>,
      %shift_right_arithmetic3A_222 = arith.constant 9 : i32
      %shift_right_arithmetic3A_223 = vector.broadcast %shift_right_arithmetic3A_222 : i32 to vector<16xi32>
      %shift_right_arithmetic3A_224 = arith.shrsi %get3A_221, %shift_right_arithmetic3A_223 : vector<16xi32>
      %mul3A_225 = arith.muli %shift_right_arithmetic3A_224, %broadcast_in_dim3A_48 : vector<16xi32>
      %shift_left3A_226 = arith.shli %broadcast_in_dim3A_46, %mul3A_225 : vector<16xi32>
      %and3A_227 = arith.constant 511 : i32
      %and3A_228 = vector.broadcast %and3A_227 : i32 to vector<16xi32>
      %and3A_229 = arith.andi %get3A_221, %and3A_228 : vector<16xi32>
      tpu.vector_store_idx %arg8[%add3A_107, %and3A_229], %shift_left3A_226 {add = true} : memref<64x512xi32, #tpu.memory_space<vmem>>[vector<16xi32>, vector<16xi32>], vector<16xi32>,
      %get3A_230 = arith.constant 4 : i32
      %get3A_231 = arith.index_cast %get3A_230 : i32 to index
      %get3A_232 = arith.index_cast %add3A_112 : i32 to index
      %get3A_233 = tpu.vector_load %arg6[%get3A_231, %get3A_232] {strides = array<i32>} : memref<32x128xi32, #tpu.memory_space<vmem>>, vector<16xi32>,
      %add3A_234 = arith.constant 1024 : i32
      %add3A_235 = vector.broadcast %add3A_234 : i32 to vector<16xi32>
      %add3A_236 = arith.addi %get3A_233, %add3A_235 : vector<16xi32>
      %shift_right_arithmetic3A_237 = arith.constant 9 : i32
      %shift_right_arithmetic3A_238 = vector.broadcast %shift_right_arithmetic3A_237 : i32 to vector<16xi32>
      %shift_right_arithmetic3A_239 = arith.shrsi %add3A_236, %shift_right_arithmetic3A_238 : vector<16xi32>
      %mul3A_240 = arith.muli %shift_right_arithmetic3A_239, %broadcast_in_dim3A_48 : vector<16xi32>
      %shift_left3A_241 = arith.shli %broadcast_in_dim3A_46, %mul3A_240 : vector<16xi32>
      %and3A_242 = arith.constant 511 : i32
      %and3A_243 = vector.broadcast %and3A_242 : i32 to vector<16xi32>
      %and3A_244 = arith.andi %add3A_236, %and3A_243 : vector<16xi32>
      tpu.vector_store_idx %arg8[%add3A_107, %and3A_244], %shift_left3A_241 {add = true} : memref<64x512xi32, #tpu.memory_space<vmem>>[vector<16xi32>, vector<16xi32>], vector<16xi32>,
      %get3A_245 = arith.constant 5 : i32
      %get3A_246 = arith.index_cast %get3A_245 : i32 to index
      %get3A_247 = arith.index_cast %add3A_112 : i32 to index
      %get3A_248 = tpu.vector_load %arg5[%get3A_246, %get3A_247] {strides = array<i32>} : memref<32x128xi32, #tpu.memory_space<vmem>>, vector<16xi32>,
      %shift_right_arithmetic3A_249 = arith.constant 9 : i32
      %shift_right_arithmetic3A_250 = vector.broadcast %shift_right_arithmetic3A_249 : i32 to vector<16xi32>
      %shift_right_arithmetic3A_251 = arith.shrsi %get3A_248, %shift_right_arithmetic3A_250 : vector<16xi32>
      %mul3A_252 = arith.muli %shift_right_arithmetic3A_251, %broadcast_in_dim3A_48 : vector<16xi32>
      %shift_left3A_253 = arith.shli %broadcast_in_dim3A_46, %mul3A_252 : vector<16xi32>
      %and3A_254 = arith.constant 511 : i32
      %and3A_255 = vector.broadcast %and3A_254 : i32 to vector<16xi32>
      %and3A_256 = arith.andi %get3A_248, %and3A_255 : vector<16xi32>
      tpu.vector_store_idx %arg8[%add3A_107, %and3A_256], %shift_left3A_253 {add = true} : memref<64x512xi32, #tpu.memory_space<vmem>>[vector<16xi32>, vector<16xi32>], vector<16xi32>,
      %get3A_257 = arith.constant 5 : i32
      %get3A_258 = arith.index_cast %get3A_257 : i32 to index
      %get3A_259 = arith.index_cast %add3A_112 : i32 to index
      %get3A_260 = tpu.vector_load %arg6[%get3A_258, %get3A_259] {strides = array<i32>} : memref<32x128xi32, #tpu.memory_space<vmem>>, vector<16xi32>,
      %add3A_261 = arith.constant 1024 : i32
      %add3A_262 = vector.broadcast %add3A_261 : i32 to vector<16xi32>
      %add3A_263 = arith.addi %get3A_260, %add3A_262 : vector<16xi32>
      %shift_right_arithmetic3A_264 = arith.constant 9 : i32
      %shift_right_arithmetic3A_265 = vector.broadcast %shift_right_arithmetic3A_264 : i32 to vector<16xi32>
      %shift_right_arithmetic3A_266 = arith.shrsi %add3A_263, %shift_right_arithmetic3A_265 : vector<16xi32>
      %mul3A_267 = arith.muli %shift_right_arithmetic3A_266, %broadcast_in_dim3A_48 : vector<16xi32>
      %shift_left3A_268 = arith.shli %broadcast_in_dim3A_46, %mul3A_267 : vector<16xi32>
      %and3A_269 = arith.constant 511 : i32
      %and3A_270 = vector.broadcast %and3A_269 : i32 to vector<16xi32>
      %and3A_271 = arith.andi %add3A_263, %and3A_270 : vector<16xi32>
      tpu.vector_store_idx %arg8[%add3A_107, %and3A_271], %shift_left3A_268 {add = true} : memref<64x512xi32, #tpu.memory_space<vmem>>[vector<16xi32>, vector<16xi32>], vector<16xi32>,
      %get3A_272 = arith.constant 6 : i32
      %get3A_273 = arith.index_cast %get3A_272 : i32 to index
      %get3A_274 = arith.index_cast %add3A_112 : i32 to index
      %get3A_275 = tpu.vector_load %arg5[%get3A_273, %get3A_274] {strides = array<i32>} : memref<32x128xi32, #tpu.memory_space<vmem>>, vector<16xi32>,
      %shift_right_arithmetic3A_276 = arith.constant 9 : i32
      %shift_right_arithmetic3A_277 = vector.broadcast %shift_right_arithmetic3A_276 : i32 to vector<16xi32>
      %shift_right_arithmetic3A_278 = arith.shrsi %get3A_275, %shift_right_arithmetic3A_277 : vector<16xi32>
      %mul3A_279 = arith.muli %shift_right_arithmetic3A_278, %broadcast_in_dim3A_48 : vector<16xi32>
      %shift_left3A_280 = arith.shli %broadcast_in_dim3A_46, %mul3A_279 : vector<16xi32>
      %and3A_281 = arith.constant 511 : i32
      %and3A_282 = vector.broadcast %and3A_281 : i32 to vector<16xi32>
      %and3A_283 = arith.andi %get3A_275, %and3A_282 : vector<16xi32>
      tpu.vector_store_idx %arg8[%add3A_107, %and3A_283], %shift_left3A_280 {add = true} : memref<64x512xi32, #tpu.memory_space<vmem>>[vector<16xi32>, vector<16xi32>], vector<16xi32>,
      %get3A_284 = arith.constant 6 : i32
      %get3A_285 = arith.index_cast %get3A_284 : i32 to index
      %get3A_286 = arith.index_cast %add3A_112 : i32 to index
      %get3A_287 = tpu.vector_load %arg6[%get3A_285, %get3A_286] {strides = array<i32>} : memref<32x128xi32, #tpu.memory_space<vmem>>, vector<16xi32>,
      %add3A_288 = arith.constant 1024 : i32
      %add3A_289 = vector.broadcast %add3A_288 : i32 to vector<16xi32>
      %add3A_290 = arith.addi %get3A_287, %add3A_289 : vector<16xi32>
      %shift_right_arithmetic3A_291 = arith.constant 9 : i32
      %shift_right_arithmetic3A_292 = vector.broadcast %shift_right_arithmetic3A_291 : i32 to vector<16xi32>
      %shift_right_arithmetic3A_293 = arith.shrsi %add3A_290, %shift_right_arithmetic3A_292 : vector<16xi32>
      %mul3A_294 = arith.muli %shift_right_arithmetic3A_293, %broadcast_in_dim3A_48 : vector<16xi32>
      %shift_left3A_295 = arith.shli %broadcast_in_dim3A_46, %mul3A_294 : vector<16xi32>
      %and3A_296 = arith.constant 511 : i32
      %and3A_297 = vector.broadcast %and3A_296 : i32 to vector<16xi32>
      %and3A_298 = arith.andi %add3A_290, %and3A_297 : vector<16xi32>
      tpu.vector_store_idx %arg8[%add3A_107, %and3A_298], %shift_left3A_295 {add = true} : memref<64x512xi32, #tpu.memory_space<vmem>>[vector<16xi32>, vector<16xi32>], vector<16xi32>,
      %get3A_299 = arith.constant 7 : i32
      %get3A_300 = arith.index_cast %get3A_299 : i32 to index
      %get3A_301 = arith.index_cast %add3A_112 : i32 to index
      %get3A_302 = tpu.vector_load %arg5[%get3A_300, %get3A_301] {strides = array<i32>} : memref<32x128xi32, #tpu.memory_space<vmem>>, vector<16xi32>,
      %shift_right_arithmetic3A_303 = arith.constant 9 : i32
      %shift_right_arithmetic3A_304 = vector.broadcast %shift_right_arithmetic3A_303 : i32 to vector<16xi32>
      %shift_right_arithmetic3A_305 = arith.shrsi %get3A_302, %shift_right_arithmetic3A_304 : vector<16xi32>
      %mul3A_306 = arith.muli %shift_right_arithmetic3A_305, %broadcast_in_dim3A_48 : vector<16xi32>
      %shift_left3A_307 = arith.shli %broadcast_in_dim3A_46, %mul3A_306 : vector<16xi32>
      %and3A_308 = arith.constant 511 : i32
      %and3A_309 = vector.broadcast %and3A_308 : i32 to vector<16xi32>
      %and3A_310 = arith.andi %get3A_302, %and3A_309 : vector<16xi32>
      tpu.vector_store_idx %arg8[%add3A_107, %and3A_310], %shift_left3A_307 {add = true} : memref<64x512xi32, #tpu.memory_space<vmem>>[vector<16xi32>, vector<16xi32>], vector<16xi32>,
      %get3A_311 = arith.constant 7 : i32
      %get3A_312 = arith.index_cast %get3A_311 : i32 to index
      %get3A_313 = arith.index_cast %add3A_112 : i32 to index
      %get3A_314 = tpu.vector_load %arg6[%get3A_312, %get3A_313] {strides = array<i32>} : memref<32x128xi32, #tpu.memory_space<vmem>>, vector<16xi32>,
      %add3A_315 = arith.constant 1024 : i32
      %add3A_316 = vector.broadcast %add3A_315 : i32 to vector<16xi32>
      %add3A_317 = arith.addi %get3A_314, %add3A_316 : vector<16xi32>
      %shift_right_arithmetic3A_318 = arith.constant 9 : i32
      %shift_right_arithmetic3A_319 = vector.broadcast %shift_right_arithmetic3A_318 : i32 to vector<16xi32>
      %shift_right_arithmetic3A_320 = arith.shrsi %add3A_317, %shift_right_arithmetic3A_319 : vector<16xi32>
      %mul3A_321 = arith.muli %shift_right_arithmetic3A_320, %broadcast_in_dim3A_48 : vector<16xi32>
      %shift_left3A_322 = arith.shli %broadcast_in_dim3A_46, %mul3A_321 : vector<16xi32>
      %and3A_323 = arith.constant 511 : i32
      %and3A_324 = vector.broadcast %and3A_323 : i32 to vector<16xi32>
      %and3A_325 = arith.andi %add3A_317, %and3A_324 : vector<16xi32>
      tpu.vector_store_idx %arg8[%add3A_107, %and3A_325], %shift_left3A_322 {add = true} : memref<64x512xi32, #tpu.memory_space<vmem>>[vector<16xi32>, vector<16xi32>], vector<16xi32>,
      %get3A_326 = arith.constant 8 : i32
      %get3A_327 = arith.index_cast %get3A_326 : i32 to index
      %get3A_328 = arith.index_cast %add3A_112 : i32 to index
      %get3A_329 = tpu.vector_load %arg5[%get3A_327, %get3A_328] {strides = array<i32>} : memref<32x128xi32, #tpu.memory_space<vmem>>, vector<16xi32>,
      %shift_right_arithmetic3A_330 = arith.constant 9 : i32
      %shift_right_arithmetic3A_331 = vector.broadcast %shift_right_arithmetic3A_330 : i32 to vector<16xi32>
      %shift_right_arithmetic3A_332 = arith.shrsi %get3A_329, %shift_right_arithmetic3A_331 : vector<16xi32>
      %mul3A_333 = arith.muli %shift_right_arithmetic3A_332, %broadcast_in_dim3A_48 : vector<16xi32>
      %shift_left3A_334 = arith.shli %broadcast_in_dim3A_46, %mul3A_333 : vector<16xi32>
      %and3A_335 = arith.constant 511 : i32
      %and3A_336 = vector.broadcast %and3A_335 : i32 to vector<16xi32>
      %and3A_337 = arith.andi %get3A_329, %and3A_336 : vector<16xi32>
      tpu.vector_store_idx %arg8[%add3A_107, %and3A_337], %shift_left3A_334 {add = true} : memref<64x512xi32, #tpu.memory_space<vmem>>[vector<16xi32>, vector<16xi32>], vector<16xi32>,
      %get3A_338 = arith.constant 8 : i32
      %get3A_339 = arith.index_cast %get3A_338 : i32 to index
      %get3A_340 = arith.index_cast %add3A_112 : i32 to index
      %get3A_341 = tpu.vector_load %arg6[%get3A_339, %get3A_340] {strides = array<i32>} : memref<32x128xi32, #tpu.memory_space<vmem>>, vector<16xi32>,
      %add3A_342 = arith.constant 1024 : i32
      %add3A_343 = vector.broadcast %add3A_342 : i32 to vector<16xi32>
      %add3A_344 = arith.addi %get3A_341, %add3A_343 : vector<16xi32>
      %shift_right_arithmetic3A_345 = arith.constant 9 : i32
      %shift_right_arithmetic3A_346 = vector.broadcast %shift_right_arithmetic3A_345 : i32 to vector<16xi32>
      %shift_right_arithmetic3A_347 = arith.shrsi %add3A_344, %shift_right_arithmetic3A_346 : vector<16xi32>
      %mul3A_348 = arith.muli %shift_right_arithmetic3A_347, %broadcast_in_dim3A_48 : vector<16xi32>
      %shift_left3A_349 = arith.shli %broadcast_in_dim3A_46, %mul3A_348 : vector<16xi32>
      %and3A_350 = arith.constant 511 : i32
      %and3A_351 = vector.broadcast %and3A_350 : i32 to vector<16xi32>
      %and3A_352 = arith.andi %add3A_344, %and3A_351 : vector<16xi32>
      tpu.vector_store_idx %arg8[%add3A_107, %and3A_352], %shift_left3A_349 {add = true} : memref<64x512xi32, #tpu.memory_space<vmem>>[vector<16xi32>, vector<16xi32>], vector<16xi32>,
      %get3A_353 = arith.constant 9 : i32
      %get3A_354 = arith.index_cast %get3A_353 : i32 to index
      %get3A_355 = arith.index_cast %add3A_112 : i32 to index
      %get3A_356 = tpu.vector_load %arg5[%get3A_354, %get3A_355] {strides = array<i32>} : memref<32x128xi32, #tpu.memory_space<vmem>>, vector<16xi32>,
      %shift_right_arithmetic3A_357 = arith.constant 9 : i32
      %shift_right_arithmetic3A_358 = vector.broadcast %shift_right_arithmetic3A_357 : i32 to vector<16xi32>
      %shift_right_arithmetic3A_359 = arith.shrsi %get3A_356, %shift_right_arithmetic3A_358 : vector<16xi32>
      %mul3A_360 = arith.muli %shift_right_arithmetic3A_359, %broadcast_in_dim3A_48 : vector<16xi32>
      %shift_left3A_361 = arith.shli %broadcast_in_dim3A_46, %mul3A_360 : vector<16xi32>
      %and3A_362 = arith.constant 511 : i32
      %and3A_363 = vector.broadcast %and3A_362 : i32 to vector<16xi32>
      %and3A_364 = arith.andi %get3A_356, %and3A_363 : vector<16xi32>
      tpu.vector_store_idx %arg8[%add3A_107, %and3A_364], %shift_left3A_361 {add = true} : memref<64x512xi32, #tpu.memory_space<vmem>>[vector<16xi32>, vector<16xi32>], vector<16xi32>,
      %get3A_365 = arith.constant 9 : i32
      %get3A_366 = arith.index_cast %get3A_365 : i32 to index
      %get3A_367 = arith.index_cast %add3A_112 : i32 to index
      %get3A_368 = tpu.vector_load %arg6[%get3A_366, %get3A_367] {strides = array<i32>} : memref<32x128xi32, #tpu.memory_space<vmem>>, vector<16xi32>,
      %add3A_369 = arith.constant 1024 : i32
      %add3A_370 = vector.broadcast %add3A_369 : i32 to vector<16xi32>
      %add3A_371 = arith.addi %get3A_368, %add3A_370 : vector<16xi32>
      %shift_right_arithmetic3A_372 = arith.constant 9 : i32
      %shift_right_arithmetic3A_373 = vector.broadcast %shift_right_arithmetic3A_372 : i32 to vector<16xi32>
      %shift_right_arithmetic3A_374 = arith.shrsi %add3A_371, %shift_right_arithmetic3A_373 : vector<16xi32>
      %mul3A_375 = arith.muli %shift_right_arithmetic3A_374, %broadcast_in_dim3A_48 : vector<16xi32>
      %shift_left3A_376 = arith.shli %broadcast_in_dim3A_46, %mul3A_375 : vector<16xi32>
      %and3A_377 = arith.constant 511 : i32
      %and3A_378 = vector.broadcast %and3A_377 : i32 to vector<16xi32>
      %and3A_379 = arith.andi %add3A_371, %and3A_378 : vector<16xi32>
      tpu.vector_store_idx %arg8[%add3A_107, %and3A_379], %shift_left3A_376 {add = true} : memref<64x512xi32, #tpu.memory_space<vmem>>[vector<16xi32>, vector<16xi32>], vector<16xi32>,
      %get3A_380 = arith.constant 10 : i32
      %get3A_381 = arith.index_cast %get3A_380 : i32 to index
      %get3A_382 = arith.index_cast %add3A_112 : i32 to index
      %get3A_383 = tpu.vector_load %arg5[%get3A_381, %get3A_382] {strides = array<i32>} : memref<32x128xi32, #tpu.memory_space<vmem>>, vector<16xi32>,
      %shift_right_arithmetic3A_384 = arith.constant 9 : i32
      %shift_right_arithmetic3A_385 = vector.broadcast %shift_right_arithmetic3A_384 : i32 to vector<16xi32>
      %shift_right_arithmetic3A_386 = arith.shrsi %get3A_383, %shift_right_arithmetic3A_385 : vector<16xi32>
      %mul3A_387 = arith.muli %shift_right_arithmetic3A_386, %broadcast_in_dim3A_48 : vector<16xi32>
      %shift_left3A_388 = arith.shli %broadcast_in_dim3A_46, %mul3A_387 : vector<16xi32>
      %and3A_389 = arith.constant 511 : i32
      %and3A_390 = vector.broadcast %and3A_389 : i32 to vector<16xi32>
      %and3A_391 = arith.andi %get3A_383, %and3A_390 : vector<16xi32>
      tpu.vector_store_idx %arg8[%add3A_107, %and3A_391], %shift_left3A_388 {add = true} : memref<64x512xi32, #tpu.memory_space<vmem>>[vector<16xi32>, vector<16xi32>], vector<16xi32>,
      %get3A_392 = arith.constant 10 : i32
      %get3A_393 = arith.index_cast %get3A_392 : i32 to index
      %get3A_394 = arith.index_cast %add3A_112 : i32 to index
      %get3A_395 = tpu.vector_load %arg6[%get3A_393, %get3A_394] {strides = array<i32>} : memref<32x128xi32, #tpu.memory_space<vmem>>, vector<16xi32>,
      %add3A_396 = arith.constant 1024 : i32
      %add3A_397 = vector.broadcast %add3A_396 : i32 to vector<16xi32>
      %add3A_398 = arith.addi %get3A_395, %add3A_397 : vector<16xi32>
      %shift_right_arithmetic3A_399 = arith.constant 9 : i32
      %shift_right_arithmetic3A_400 = vector.broadcast %shift_right_arithmetic3A_399 : i32 to vector<16xi32>
      %shift_right_arithmetic3A_401 = arith.shrsi %add3A_398, %shift_right_arithmetic3A_400 : vector<16xi32>
      %mul3A_402 = arith.muli %shift_right_arithmetic3A_401, %broadcast_in_dim3A_48 : vector<16xi32>
      %shift_left3A_403 = arith.shli %broadcast_in_dim3A_46, %mul3A_402 : vector<16xi32>
      %and3A_404 = arith.constant 511 : i32
      %and3A_405 = vector.broadcast %and3A_404 : i32 to vector<16xi32>
      %and3A_406 = arith.andi %add3A_398, %and3A_405 : vector<16xi32>
      tpu.vector_store_idx %arg8[%add3A_107, %and3A_406], %shift_left3A_403 {add = true} : memref<64x512xi32, #tpu.memory_space<vmem>>[vector<16xi32>, vector<16xi32>], vector<16xi32>,
      %get3A_407 = arith.constant 11 : i32
      %get3A_408 = arith.index_cast %get3A_407 : i32 to index
      %get3A_409 = arith.index_cast %add3A_112 : i32 to index
      %get3A_410 = tpu.vector_load %arg5[%get3A_408, %get3A_409] {strides = array<i32>} : memref<32x128xi32, #tpu.memory_space<vmem>>, vector<16xi32>,
      %shift_right_arithmetic3A_411 = arith.constant 9 : i32
      %shift_right_arithmetic3A_412 = vector.broadcast %shift_right_arithmetic3A_411 : i32 to vector<16xi32>
      %shift_right_arithmetic3A_413 = arith.shrsi %get3A_410, %shift_right_arithmetic3A_412 : vector<16xi32>
      %mul3A_414 = arith.muli %shift_right_arithmetic3A_413, %broadcast_in_dim3A_48 : vector<16xi32>
      %shift_left3A_415 = arith.shli %broadcast_in_dim3A_46, %mul3A_414 : vector<16xi32>
      %and3A_416 = arith.constant 511 : i32
      %and3A_417 = vector.broadcast %and3A_416 : i32 to vector<16xi32>
      %and3A_418 = arith.andi %get3A_410, %and3A_417 : vector<16xi32>
      tpu.vector_store_idx %arg8[%add3A_107, %and3A_418], %shift_left3A_415 {add = true} : memref<64x512xi32, #tpu.memory_space<vmem>>[vector<16xi32>, vector<16xi32>], vector<16xi32>,
      %get3A_419 = arith.constant 11 : i32
      %get3A_420 = arith.index_cast %get3A_419 : i32 to index
      %get3A_421 = arith.index_cast %add3A_112 : i32 to index
      %get3A_422 = tpu.vector_load %arg6[%get3A_420, %get3A_421] {strides = array<i32>} : memref<32x128xi32, #tpu.memory_space<vmem>>, vector<16xi32>,
      %add3A_423 = arith.constant 1024 : i32
      %add3A_424 = vector.broadcast %add3A_423 : i32 to vector<16xi32>
      %add3A_425 = arith.addi %get3A_422, %add3A_424 : vector<16xi32>
      %shift_right_arithmetic3A_426 = arith.constant 9 : i32
      %shift_right_arithmetic3A_427 = vector.broadcast %shift_right_arithmetic3A_426 : i32 to vector<16xi32>
      %shift_right_arithmetic3A_428 = arith.shrsi %add3A_425, %shift_right_arithmetic3A_427 : vector<16xi32>
      %mul3A_429 = arith.muli %shift_right_arithmetic3A_428, %broadcast_in_dim3A_48 : vector<16xi32>
      %shift_left3A_430 = arith.shli %broadcast_in_dim3A_46, %mul3A_429 : vector<16xi32>
      %and3A_431 = arith.constant 511 : i32
      %and3A_432 = vector.broadcast %and3A_431 : i32 to vector<16xi32>
      %and3A_433 = arith.andi %add3A_425, %and3A_432 : vector<16xi32>
      tpu.vector_store_idx %arg8[%add3A_107, %and3A_433], %shift_left3A_430 {add = true} : memref<64x512xi32, #tpu.memory_space<vmem>>[vector<16xi32>, vector<16xi32>], vector<16xi32>,
      %get3A_434 = arith.constant 12 : i32
      %get3A_435 = arith.index_cast %get3A_434 : i32 to index
      %get3A_436 = arith.index_cast %add3A_112 : i32 to index
      %get3A_437 = tpu.vector_load %arg5[%get3A_435, %get3A_436] {strides = array<i32>} : memref<32x128xi32, #tpu.memory_space<vmem>>, vector<16xi32>,
      %shift_right_arithmetic3A_438 = arith.constant 9 : i32
      %shift_right_arithmetic3A_439 = vector.broadcast %shift_right_arithmetic3A_438 : i32 to vector<16xi32>
      %shift_right_arithmetic3A_440 = arith.shrsi %get3A_437, %shift_right_arithmetic3A_439 : vector<16xi32>
      %mul3A_441 = arith.muli %shift_right_arithmetic3A_440, %broadcast_in_dim3A_48 : vector<16xi32>
      %shift_left3A_442 = arith.shli %broadcast_in_dim3A_46, %mul3A_441 : vector<16xi32>
      %and3A_443 = arith.constant 511 : i32
      %and3A_444 = vector.broadcast %and3A_443 : i32 to vector<16xi32>
      %and3A_445 = arith.andi %get3A_437, %and3A_444 : vector<16xi32>
      tpu.vector_store_idx %arg8[%add3A_107, %and3A_445], %shift_left3A_442 {add = true} : memref<64x512xi32, #tpu.memory_space<vmem>>[vector<16xi32>, vector<16xi32>], vector<16xi32>,
      %get3A_446 = arith.constant 12 : i32
      %get3A_447 = arith.index_cast %get3A_446 : i32 to index
      %get3A_448 = arith.index_cast %add3A_112 : i32 to index
      %get3A_449 = tpu.vector_load %arg6[%get3A_447, %get3A_448] {strides = array<i32>} : memref<32x128xi32, #tpu.memory_space<vmem>>, vector<16xi32>,
      %add3A_450 = arith.constant 1024 : i32
      %add3A_451 = vector.broadcast %add3A_450 : i32 to vector<16xi32>
      %add3A_452 = arith.addi %get3A_449, %add3A_451 : vector<16xi32>
      %shift_right_arithmetic3A_453 = arith.constant 9 : i32
      %shift_right_arithmetic3A_454 = vector.broadcast %shift_right_arithmetic3A_453 : i32 to vector<16xi32>
      %shift_right_arithmetic3A_455 = arith.shrsi %add3A_452, %shift_right_arithmetic3A_454 : vector<16xi32>
      %mul3A_456 = arith.muli %shift_right_arithmetic3A_455, %broadcast_in_dim3A_48 : vector<16xi32>
      %shift_left3A_457 = arith.shli %broadcast_in_dim3A_46, %mul3A_456 : vector<16xi32>
      %and3A_458 = arith.constant 511 : i32
      %and3A_459 = vector.broadcast %and3A_458 : i32 to vector<16xi32>
      %and3A_460 = arith.andi %add3A_452, %and3A_459 : vector<16xi32>
      tpu.vector_store_idx %arg8[%add3A_107, %and3A_460], %shift_left3A_457 {add = true} : memref<64x512xi32, #tpu.memory_space<vmem>>[vector<16xi32>, vector<16xi32>], vector<16xi32>,
      %get3A_461 = arith.constant 13 : i32
      %get3A_462 = arith.index_cast %get3A_461 : i32 to index
      %get3A_463 = arith.index_cast %add3A_112 : i32 to index
      %get3A_464 = tpu.vector_load %arg5[%get3A_462, %get3A_463] {strides = array<i32>} : memref<32x128xi32, #tpu.memory_space<vmem>>, vector<16xi32>,
      %shift_right_arithmetic3A_465 = arith.constant 9 : i32
      %shift_right_arithmetic3A_466 = vector.broadcast %shift_right_arithmetic3A_465 : i32 to vector<16xi32>
      %shift_right_arithmetic3A_467 = arith.shrsi %get3A_464, %shift_right_arithmetic3A_466 : vector<16xi32>
      %mul3A_468 = arith.muli %shift_right_arithmetic3A_467, %broadcast_in_dim3A_48 : vector<16xi32>
      %shift_left3A_469 = arith.shli %broadcast_in_dim3A_46, %mul3A_468 : vector<16xi32>
      %and3A_470 = arith.constant 511 : i32
      %and3A_471 = vector.broadcast %and3A_470 : i32 to vector<16xi32>
      %and3A_472 = arith.andi %get3A_464, %and3A_471 : vector<16xi32>
      tpu.vector_store_idx %arg8[%add3A_107, %and3A_472], %shift_left3A_469 {add = true} : memref<64x512xi32, #tpu.memory_space<vmem>>[vector<16xi32>, vector<16xi32>], vector<16xi32>,
      %get3A_473 = arith.constant 13 : i32
      %get3A_474 = arith.index_cast %get3A_473 : i32 to index
      %get3A_475 = arith.index_cast %add3A_112 : i32 to index
      %get3A_476 = tpu.vector_load %arg6[%get3A_474, %get3A_475] {strides = array<i32>} : memref<32x128xi32, #tpu.memory_space<vmem>>, vector<16xi32>,
      %add3A_477 = arith.constant 1024 : i32
      %add3A_478 = vector.broadcast %add3A_477 : i32 to vector<16xi32>
      %add3A_479 = arith.addi %get3A_476, %add3A_478 : vector<16xi32>
      %shift_right_arithmetic3A_480 = arith.constant 9 : i32
      %shift_right_arithmetic3A_481 = vector.broadcast %shift_right_arithmetic3A_480 : i32 to vector<16xi32>
      %shift_right_arithmetic3A_482 = arith.shrsi %add3A_479, %shift_right_arithmetic3A_481 : vector<16xi32>
      %mul3A_483 = arith.muli %shift_right_arithmetic3A_482, %broadcast_in_dim3A_48 : vector<16xi32>
      %shift_left3A_484 = arith.shli %broadcast_in_dim3A_46, %mul3A_483 : vector<16xi32>
      %and3A_485 = arith.constant 511 : i32
      %and3A_486 = vector.broadcast %and3A_485 : i32 to vector<16xi32>
      %and3A_487 = arith.andi %add3A_479, %and3A_486 : vector<16xi32>
      tpu.vector_store_idx %arg8[%add3A_107, %and3A_487], %shift_left3A_484 {add = true} : memref<64x512xi32, #tpu.memory_space<vmem>>[vector<16xi32>, vector<16xi32>], vector<16xi32>,
      %get3A_488 = arith.constant 14 : i32
      %get3A_489 = arith.index_cast %get3A_488 : i32 to index
      %get3A_490 = arith.index_cast %add3A_112 : i32 to index
      %get3A_491 = tpu.vector_load %arg5[%get3A_489, %get3A_490] {strides = array<i32>} : memref<32x128xi32, #tpu.memory_space<vmem>>, vector<16xi32>,
      %shift_right_arithmetic3A_492 = arith.constant 9 : i32
      %shift_right_arithmetic3A_493 = vector.broadcast %shift_right_arithmetic3A_492 : i32 to vector<16xi32>
      %shift_right_arithmetic3A_494 = arith.shrsi %get3A_491, %shift_right_arithmetic3A_493 : vector<16xi32>
      %mul3A_495 = arith.muli %shift_right_arithmetic3A_494, %broadcast_in_dim3A_48 : vector<16xi32>
      %shift_left3A_496 = arith.shli %broadcast_in_dim3A_46, %mul3A_495 : vector<16xi32>
      %and3A_497 = arith.constant 511 : i32
      %and3A_498 = vector.broadcast %and3A_497 : i32 to vector<16xi32>
      %and3A_499 = arith.andi %get3A_491, %and3A_498 : vector<16xi32>
      tpu.vector_store_idx %arg8[%add3A_107, %and3A_499], %shift_left3A_496 {add = true} : memref<64x512xi32, #tpu.memory_space<vmem>>[vector<16xi32>, vector<16xi32>], vector<16xi32>,
      %get3A_500 = arith.constant 14 : i32
      %get3A_501 = arith.index_cast %get3A_500 : i32 to index
      %get3A_502 = arith.index_cast %add3A_112 : i32 to index
      %get3A_503 = tpu.vector_load %arg6[%get3A_501, %get3A_502] {strides = array<i32>} : memref<32x128xi32, #tpu.memory_space<vmem>>, vector<16xi32>,
      %add3A_504 = arith.constant 1024 : i32
      %add3A_505 = vector.broadcast %add3A_504 : i32 to vector<16xi32>
      %add3A_506 = arith.addi %get3A_503, %add3A_505 : vector<16xi32>
      %shift_right_arithmetic3A_507 = arith.constant 9 : i32
      %shift_right_arithmetic3A_508 = vector.broadcast %shift_right_arithmetic3A_507 : i32 to vector<16xi32>
      %shift_right_arithmetic3A_509 = arith.shrsi %add3A_506, %shift_right_arithmetic3A_508 : vector<16xi32>
      %mul3A_510 = arith.muli %shift_right_arithmetic3A_509, %broadcast_in_dim3A_48 : vector<16xi32>
      %shift_left3A_511 = arith.shli %broadcast_in_dim3A_46, %mul3A_510 : vector<16xi32>
      %and3A_512 = arith.constant 511 : i32
      %and3A_513 = vector.broadcast %and3A_512 : i32 to vector<16xi32>
      %and3A_514 = arith.andi %add3A_506, %and3A_513 : vector<16xi32>
      tpu.vector_store_idx %arg8[%add3A_107, %and3A_514], %shift_left3A_511 {add = true} : memref<64x512xi32, #tpu.memory_space<vmem>>[vector<16xi32>, vector<16xi32>], vector<16xi32>,
      %get3A_515 = arith.constant 15 : i32
      %get3A_516 = arith.index_cast %get3A_515 : i32 to index
      %get3A_517 = arith.index_cast %add3A_112 : i32 to index
      %get3A_518 = tpu.vector_load %arg5[%get3A_516, %get3A_517] {strides = array<i32>} : memref<32x128xi32, #tpu.memory_space<vmem>>, vector<16xi32>,
      %shift_right_arithmetic3A_519 = arith.constant 9 : i32
      %shift_right_arithmetic3A_520 = vector.broadcast %shift_right_arithmetic3A_519 : i32 to vector<16xi32>
      %shift_right_arithmetic3A_521 = arith.shrsi %get3A_518, %shift_right_arithmetic3A_520 : vector<16xi32>
      %mul3A_522 = arith.muli %shift_right_arithmetic3A_521, %broadcast_in_dim3A_48 : vector<16xi32>
      %shift_left3A_523 = arith.shli %broadcast_in_dim3A_46, %mul3A_522 : vector<16xi32>
      %and3A_524 = arith.constant 511 : i32
      %and3A_525 = vector.broadcast %and3A_524 : i32 to vector<16xi32>
      %and3A_526 = arith.andi %get3A_518, %and3A_525 : vector<16xi32>
      tpu.vector_store_idx %arg8[%add3A_107, %and3A_526], %shift_left3A_523 {add = true} : memref<64x512xi32, #tpu.memory_space<vmem>>[vector<16xi32>, vector<16xi32>], vector<16xi32>,
      %get3A_527 = arith.constant 15 : i32
      %get3A_528 = arith.index_cast %get3A_527 : i32 to index
      %get3A_529 = arith.index_cast %add3A_112 : i32 to index
      %get3A_530 = tpu.vector_load %arg6[%get3A_528, %get3A_529] {strides = array<i32>} : memref<32x128xi32, #tpu.memory_space<vmem>>, vector<16xi32>,
      %add3A_531 = arith.constant 1024 : i32
      %add3A_532 = vector.broadcast %add3A_531 : i32 to vector<16xi32>
      %add3A_533 = arith.addi %get3A_530, %add3A_532 : vector<16xi32>
      %shift_right_arithmetic3A_534 = arith.constant 9 : i32
      %shift_right_arithmetic3A_535 = vector.broadcast %shift_right_arithmetic3A_534 : i32 to vector<16xi32>
      %shift_right_arithmetic3A_536 = arith.shrsi %add3A_533, %shift_right_arithmetic3A_535 : vector<16xi32>
      %mul3A_537 = arith.muli %shift_right_arithmetic3A_536, %broadcast_in_dim3A_48 : vector<16xi32>
      %shift_left3A_538 = arith.shli %broadcast_in_dim3A_46, %mul3A_537 : vector<16xi32>
      %and3A_539 = arith.constant 511 : i32
      %and3A_540 = vector.broadcast %and3A_539 : i32 to vector<16xi32>
      %and3A_541 = arith.andi %add3A_533, %and3A_540 : vector<16xi32>
      tpu.vector_store_idx %arg8[%add3A_107, %and3A_541], %shift_left3A_538 {add = true} : memref<64x512xi32, #tpu.memory_space<vmem>>[vector<16xi32>, vector<16xi32>], vector<16xi32>,
      %get3A_542 = arith.constant 16 : i32
      %get3A_543 = arith.index_cast %get3A_542 : i32 to index
      %get3A_544 = arith.index_cast %add3A_112 : i32 to index
      %get3A_545 = tpu.vector_load %arg5[%get3A_543, %get3A_544] {strides = array<i32>} : memref<32x128xi32, #tpu.memory_space<vmem>>, vector<16xi32>,
      %shift_right_arithmetic3A_546 = arith.constant 9 : i32
      %shift_right_arithmetic3A_547 = vector.broadcast %shift_right_arithmetic3A_546 : i32 to vector<16xi32>
      %shift_right_arithmetic3A_548 = arith.shrsi %get3A_545, %shift_right_arithmetic3A_547 : vector<16xi32>
      %mul3A_549 = arith.muli %shift_right_arithmetic3A_548, %broadcast_in_dim3A_48 : vector<16xi32>
      %shift_left3A_550 = arith.shli %broadcast_in_dim3A_46, %mul3A_549 : vector<16xi32>
      %and3A_551 = arith.constant 511 : i32
      %and3A_552 = vector.broadcast %and3A_551 : i32 to vector<16xi32>
      %and3A_553 = arith.andi %get3A_545, %and3A_552 : vector<16xi32>
      tpu.vector_store_idx %arg8[%add3A_107, %and3A_553], %shift_left3A_550 {add = true} : memref<64x512xi32, #tpu.memory_space<vmem>>[vector<16xi32>, vector<16xi32>], vector<16xi32>,
      %get3A_554 = arith.constant 16 : i32
      %get3A_555 = arith.index_cast %get3A_554 : i32 to index
      %get3A_556 = arith.index_cast %add3A_112 : i32 to index
      %get3A_557 = tpu.vector_load %arg6[%get3A_555, %get3A_556] {strides = array<i32>} : memref<32x128xi32, #tpu.memory_space<vmem>>, vector<16xi32>,
      %add3A_558 = arith.constant 1024 : i32
      %add3A_559 = vector.broadcast %add3A_558 : i32 to vector<16xi32>
      %add3A_560 = arith.addi %get3A_557, %add3A_559 : vector<16xi32>
      %shift_right_arithmetic3A_561 = arith.constant 9 : i32
      %shift_right_arithmetic3A_562 = vector.broadcast %shift_right_arithmetic3A_561 : i32 to vector<16xi32>
      %shift_right_arithmetic3A_563 = arith.shrsi %add3A_560, %shift_right_arithmetic3A_562 : vector<16xi32>
      %mul3A_564 = arith.muli %shift_right_arithmetic3A_563, %broadcast_in_dim3A_48 : vector<16xi32>
      %shift_left3A_565 = arith.shli %broadcast_in_dim3A_46, %mul3A_564 : vector<16xi32>
      %and3A_566 = arith.constant 511 : i32
      %and3A_567 = vector.broadcast %and3A_566 : i32 to vector<16xi32>
      %and3A_568 = arith.andi %add3A_560, %and3A_567 : vector<16xi32>
      tpu.vector_store_idx %arg8[%add3A_107, %and3A_568], %shift_left3A_565 {add = true} : memref<64x512xi32, #tpu.memory_space<vmem>>[vector<16xi32>, vector<16xi32>], vector<16xi32>,
      %get3A_569 = arith.constant 17 : i32
      %get3A_570 = arith.index_cast %get3A_569 : i32 to index
      %get3A_571 = arith.index_cast %add3A_112 : i32 to index
      %get3A_572 = tpu.vector_load %arg5[%get3A_570, %get3A_571] {strides = array<i32>} : memref<32x128xi32, #tpu.memory_space<vmem>>, vector<16xi32>,
      %shift_right_arithmetic3A_573 = arith.constant 9 : i32
      %shift_right_arithmetic3A_574 = vector.broadcast %shift_right_arithmetic3A_573 : i32 to vector<16xi32>
      %shift_right_arithmetic3A_575 = arith.shrsi %get3A_572, %shift_right_arithmetic3A_574 : vector<16xi32>
      %mul3A_576 = arith.muli %shift_right_arithmetic3A_575, %broadcast_in_dim3A_48 : vector<16xi32>
      %shift_left3A_577 = arith.shli %broadcast_in_dim3A_46, %mul3A_576 : vector<16xi32>
      %and3A_578 = arith.constant 511 : i32
      %and3A_579 = vector.broadcast %and3A_578 : i32 to vector<16xi32>
      %and3A_580 = arith.andi %get3A_572, %and3A_579 : vector<16xi32>
      tpu.vector_store_idx %arg8[%add3A_107, %and3A_580], %shift_left3A_577 {add = true} : memref<64x512xi32, #tpu.memory_space<vmem>>[vector<16xi32>, vector<16xi32>], vector<16xi32>,
      %get3A_581 = arith.constant 17 : i32
      %get3A_582 = arith.index_cast %get3A_581 : i32 to index
      %get3A_583 = arith.index_cast %add3A_112 : i32 to index
      %get3A_584 = tpu.vector_load %arg6[%get3A_582, %get3A_583] {strides = array<i32>} : memref<32x128xi32, #tpu.memory_space<vmem>>, vector<16xi32>,
      %add3A_585 = arith.constant 1024 : i32
      %add3A_586 = vector.broadcast %add3A_585 : i32 to vector<16xi32>
      %add3A_587 = arith.addi %get3A_584, %add3A_586 : vector<16xi32>
      %shift_right_arithmetic3A_588 = arith.constant 9 : i32
      %shift_right_arithmetic3A_589 = vector.broadcast %shift_right_arithmetic3A_588 : i32 to vector<16xi32>
      %shift_right_arithmetic3A_590 = arith.shrsi %add3A_587, %shift_right_arithmetic3A_589 : vector<16xi32>
      %mul3A_591 = arith.muli %shift_right_arithmetic3A_590, %broadcast_in_dim3A_48 : vector<16xi32>
      %shift_left3A_592 = arith.shli %broadcast_in_dim3A_46, %mul3A_591 : vector<16xi32>
      %and3A_593 = arith.constant 511 : i32
      %and3A_594 = vector.broadcast %and3A_593 : i32 to vector<16xi32>
      %and3A_595 = arith.andi %add3A_587, %and3A_594 : vector<16xi32>
      tpu.vector_store_idx %arg8[%add3A_107, %and3A_595], %shift_left3A_592 {add = true} : memref<64x512xi32, #tpu.memory_space<vmem>>[vector<16xi32>, vector<16xi32>], vector<16xi32>,
      %get3A_596 = arith.constant 18 : i32
      %get3A_597 = arith.index_cast %get3A_596 : i32 to index
      %get3A_598 = arith.index_cast %add3A_112 : i32 to index
      %get3A_599 = tpu.vector_load %arg5[%get3A_597, %get3A_598] {strides = array<i32>} : memref<32x128xi32, #tpu.memory_space<vmem>>, vector<16xi32>,
      %shift_right_arithmetic3A_600 = arith.constant 9 : i32
      %shift_right_arithmetic3A_601 = vector.broadcast %shift_right_arithmetic3A_600 : i32 to vector<16xi32>
      %shift_right_arithmetic3A_602 = arith.shrsi %get3A_599, %shift_right_arithmetic3A_601 : vector<16xi32>
      %mul3A_603 = arith.muli %shift_right_arithmetic3A_602, %broadcast_in_dim3A_48 : vector<16xi32>
      %shift_left3A_604 = arith.shli %broadcast_in_dim3A_46, %mul3A_603 : vector<16xi32>
      %and3A_605 = arith.constant 511 : i32
      %and3A_606 = vector.broadcast %and3A_605 : i32 to vector<16xi32>
      %and3A_607 = arith.andi %get3A_599, %and3A_606 : vector<16xi32>
      tpu.vector_store_idx %arg8[%add3A_107, %and3A_607], %shift_left3A_604 {add = true} : memref<64x512xi32, #tpu.memory_space<vmem>>[vector<16xi32>, vector<16xi32>], vector<16xi32>,
      %get3A_608 = arith.constant 18 : i32
      %get3A_609 = arith.index_cast %get3A_608 : i32 to index
      %get3A_610 = arith.index_cast %add3A_112 : i32 to index
      %get3A_611 = tpu.vector_load %arg6[%get3A_609, %get3A_610] {strides = array<i32>} : memref<32x128xi32, #tpu.memory_space<vmem>>, vector<16xi32>,
      %add3A_612 = arith.constant 1024 : i32
      %add3A_613 = vector.broadcast %add3A_612 : i32 to vector<16xi32>
      %add3A_614 = arith.addi %get3A_611, %add3A_613 : vector<16xi32>
      %shift_right_arithmetic3A_615 = arith.constant 9 : i32
      %shift_right_arithmetic3A_616 = vector.broadcast %shift_right_arithmetic3A_615 : i32 to vector<16xi32>
      %shift_right_arithmetic3A_617 = arith.shrsi %add3A_614, %shift_right_arithmetic3A_616 : vector<16xi32>
      %mul3A_618 = arith.muli %shift_right_arithmetic3A_617, %broadcast_in_dim3A_48 : vector<16xi32>
      %shift_left3A_619 = arith.shli %broadcast_in_dim3A_46, %mul3A_618 : vector<16xi32>
      %and3A_620 = arith.constant 511 : i32
      %and3A_621 = vector.broadcast %and3A_620 : i32 to vector<16xi32>
      %and3A_622 = arith.andi %add3A_614, %and3A_621 : vector<16xi32>
      tpu.vector_store_idx %arg8[%add3A_107, %and3A_622], %shift_left3A_619 {add = true} : memref<64x512xi32, #tpu.memory_space<vmem>>[vector<16xi32>, vector<16xi32>], vector<16xi32>,
      %get3A_623 = arith.constant 19 : i32
      %get3A_624 = arith.index_cast %get3A_623 : i32 to index
      %get3A_625 = arith.index_cast %add3A_112 : i32 to index
      %get3A_626 = tpu.vector_load %arg5[%get3A_624, %get3A_625] {strides = array<i32>} : memref<32x128xi32, #tpu.memory_space<vmem>>, vector<16xi32>,
      %shift_right_arithmetic3A_627 = arith.constant 9 : i32
      %shift_right_arithmetic3A_628 = vector.broadcast %shift_right_arithmetic3A_627 : i32 to vector<16xi32>
      %shift_right_arithmetic3A_629 = arith.shrsi %get3A_626, %shift_right_arithmetic3A_628 : vector<16xi32>
      %mul3A_630 = arith.muli %shift_right_arithmetic3A_629, %broadcast_in_dim3A_48 : vector<16xi32>
      %shift_left3A_631 = arith.shli %broadcast_in_dim3A_46, %mul3A_630 : vector<16xi32>
      %and3A_632 = arith.constant 511 : i32
      %and3A_633 = vector.broadcast %and3A_632 : i32 to vector<16xi32>
      %and3A_634 = arith.andi %get3A_626, %and3A_633 : vector<16xi32>
      tpu.vector_store_idx %arg8[%add3A_107, %and3A_634], %shift_left3A_631 {add = true} : memref<64x512xi32, #tpu.memory_space<vmem>>[vector<16xi32>, vector<16xi32>], vector<16xi32>,
      %get3A_635 = arith.constant 19 : i32
      %get3A_636 = arith.index_cast %get3A_635 : i32 to index
      %get3A_637 = arith.index_cast %add3A_112 : i32 to index
      %get3A_638 = tpu.vector_load %arg6[%get3A_636, %get3A_637] {strides = array<i32>} : memref<32x128xi32, #tpu.memory_space<vmem>>, vector<16xi32>,
      %add3A_639 = arith.constant 1024 : i32
      %add3A_640 = vector.broadcast %add3A_639 : i32 to vector<16xi32>
      %add3A_641 = arith.addi %get3A_638, %add3A_640 : vector<16xi32>
      %shift_right_arithmetic3A_642 = arith.constant 9 : i32
      %shift_right_arithmetic3A_643 = vector.broadcast %shift_right_arithmetic3A_642 : i32 to vector<16xi32>
      %shift_right_arithmetic3A_644 = arith.shrsi %add3A_641, %shift_right_arithmetic3A_643 : vector<16xi32>
      %mul3A_645 = arith.muli %shift_right_arithmetic3A_644, %broadcast_in_dim3A_48 : vector<16xi32>
      %shift_left3A_646 = arith.shli %broadcast_in_dim3A_46, %mul3A_645 : vector<16xi32>
      %and3A_647 = arith.constant 511 : i32
      %and3A_648 = vector.broadcast %and3A_647 : i32 to vector<16xi32>
      %and3A_649 = arith.andi %add3A_641, %and3A_648 : vector<16xi32>
      tpu.vector_store_idx %arg8[%add3A_107, %and3A_649], %shift_left3A_646 {add = true} : memref<64x512xi32, #tpu.memory_space<vmem>>[vector<16xi32>, vector<16xi32>], vector<16xi32>,
      %get3A_650 = arith.constant 20 : i32
      %get3A_651 = arith.index_cast %get3A_650 : i32 to index
      %get3A_652 = arith.index_cast %add3A_112 : i32 to index
      %get3A_653 = tpu.vector_load %arg5[%get3A_651, %get3A_652] {strides = array<i32>} : memref<32x128xi32, #tpu.memory_space<vmem>>, vector<16xi32>,
      %shift_right_arithmetic3A_654 = arith.constant 9 : i32
      %shift_right_arithmetic3A_655 = vector.broadcast %shift_right_arithmetic3A_654 : i32 to vector<16xi32>
      %shift_right_arithmetic3A_656 = arith.shrsi %get3A_653, %shift_right_arithmetic3A_655 : vector<16xi32>
      %mul3A_657 = arith.muli %shift_right_arithmetic3A_656, %broadcast_in_dim3A_48 : vector<16xi32>
      %shift_left3A_658 = arith.shli %broadcast_in_dim3A_46, %mul3A_657 : vector<16xi32>
      %and3A_659 = arith.constant 511 : i32
      %and3A_660 = vector.broadcast %and3A_659 : i32 to vector<16xi32>
      %and3A_661 = arith.andi %get3A_653, %and3A_660 : vector<16xi32>
      tpu.vector_store_idx %arg8[%add3A_107, %and3A_661], %shift_left3A_658 {add = true} : memref<64x512xi32, #tpu.memory_space<vmem>>[vector<16xi32>, vector<16xi32>], vector<16xi32>,
      %get3A_662 = arith.constant 20 : i32
      %get3A_663 = arith.index_cast %get3A_662 : i32 to index
      %get3A_664 = arith.index_cast %add3A_112 : i32 to index
      %get3A_665 = tpu.vector_load %arg6[%get3A_663, %get3A_664] {strides = array<i32>} : memref<32x128xi32, #tpu.memory_space<vmem>>, vector<16xi32>,
      %add3A_666 = arith.constant 1024 : i32
      %add3A_667 = vector.broadcast %add3A_666 : i32 to vector<16xi32>
      %add3A_668 = arith.addi %get3A_665, %add3A_667 : vector<16xi32>
      %shift_right_arithmetic3A_669 = arith.constant 9 : i32
      %shift_right_arithmetic3A_670 = vector.broadcast %shift_right_arithmetic3A_669 : i32 to vector<16xi32>
      %shift_right_arithmetic3A_671 = arith.shrsi %add3A_668, %shift_right_arithmetic3A_670 : vector<16xi32>
      %mul3A_672 = arith.muli %shift_right_arithmetic3A_671, %broadcast_in_dim3A_48 : vector<16xi32>
      %shift_left3A_673 = arith.shli %broadcast_in_dim3A_46, %mul3A_672 : vector<16xi32>
      %and3A_674 = arith.constant 511 : i32
      %and3A_675 = vector.broadcast %and3A_674 : i32 to vector<16xi32>
      %and3A_676 = arith.andi %add3A_668, %and3A_675 : vector<16xi32>
      tpu.vector_store_idx %arg8[%add3A_107, %and3A_676], %shift_left3A_673 {add = true} : memref<64x512xi32, #tpu.memory_space<vmem>>[vector<16xi32>, vector<16xi32>], vector<16xi32>,
      %get3A_677 = arith.constant 21 : i32
      %get3A_678 = arith.index_cast %get3A_677 : i32 to index
      %get3A_679 = arith.index_cast %add3A_112 : i32 to index
      %get3A_680 = tpu.vector_load %arg5[%get3A_678, %get3A_679] {strides = array<i32>} : memref<32x128xi32, #tpu.memory_space<vmem>>, vector<16xi32>,
      %shift_right_arithmetic3A_681 = arith.constant 9 : i32
      %shift_right_arithmetic3A_682 = vector.broadcast %shift_right_arithmetic3A_681 : i32 to vector<16xi32>
      %shift_right_arithmetic3A_683 = arith.shrsi %get3A_680, %shift_right_arithmetic3A_682 : vector<16xi32>
      %mul3A_684 = arith.muli %shift_right_arithmetic3A_683, %broadcast_in_dim3A_48 : vector<16xi32>
      %shift_left3A_685 = arith.shli %broadcast_in_dim3A_46, %mul3A_684 : vector<16xi32>
      %and3A_686 = arith.constant 511 : i32
      %and3A_687 = vector.broadcast %and3A_686 : i32 to vector<16xi32>
      %and3A_688 = arith.andi %get3A_680, %and3A_687 : vector<16xi32>
      tpu.vector_store_idx %arg8[%add3A_107, %and3A_688], %shift_left3A_685 {add = true} : memref<64x512xi32, #tpu.memory_space<vmem>>[vector<16xi32>, vector<16xi32>], vector<16xi32>,
      %get3A_689 = arith.constant 21 : i32
      %get3A_690 = arith.index_cast %get3A_689 : i32 to index
      %get3A_691 = arith.index_cast %add3A_112 : i32 to index
      %get3A_692 = tpu.vector_load %arg6[%get3A_690, %get3A_691] {strides = array<i32>} : memref<32x128xi32, #tpu.memory_space<vmem>>, vector<16xi32>,
      %add3A_693 = arith.constant 1024 : i32
      %add3A_694 = vector.broadcast %add3A_693 : i32 to vector<16xi32>
      %add3A_695 = arith.addi %get3A_692, %add3A_694 : vector<16xi32>
      %shift_right_arithmetic3A_696 = arith.constant 9 : i32
      %shift_right_arithmetic3A_697 = vector.broadcast %shift_right_arithmetic3A_696 : i32 to vector<16xi32>
      %shift_right_arithmetic3A_698 = arith.shrsi %add3A_695, %shift_right_arithmetic3A_697 : vector<16xi32>
      %mul3A_699 = arith.muli %shift_right_arithmetic3A_698, %broadcast_in_dim3A_48 : vector<16xi32>
      %shift_left3A_700 = arith.shli %broadcast_in_dim3A_46, %mul3A_699 : vector<16xi32>
      %and3A_701 = arith.constant 511 : i32
      %and3A_702 = vector.broadcast %and3A_701 : i32 to vector<16xi32>
      %and3A_703 = arith.andi %add3A_695, %and3A_702 : vector<16xi32>
      tpu.vector_store_idx %arg8[%add3A_107, %and3A_703], %shift_left3A_700 {add = true} : memref<64x512xi32, #tpu.memory_space<vmem>>[vector<16xi32>, vector<16xi32>], vector<16xi32>,
      %get3A_704 = arith.constant 22 : i32
      %get3A_705 = arith.index_cast %get3A_704 : i32 to index
      %get3A_706 = arith.index_cast %add3A_112 : i32 to index
      %get3A_707 = tpu.vector_load %arg5[%get3A_705, %get3A_706] {strides = array<i32>} : memref<32x128xi32, #tpu.memory_space<vmem>>, vector<16xi32>,
      %shift_right_arithmetic3A_708 = arith.constant 9 : i32
      %shift_right_arithmetic3A_709 = vector.broadcast %shift_right_arithmetic3A_708 : i32 to vector<16xi32>
      %shift_right_arithmetic3A_710 = arith.shrsi %get3A_707, %shift_right_arithmetic3A_709 : vector<16xi32>
      %mul3A_711 = arith.muli %shift_right_arithmetic3A_710, %broadcast_in_dim3A_48 : vector<16xi32>
      %shift_left3A_712 = arith.shli %broadcast_in_dim3A_46, %mul3A_711 : vector<16xi32>
      %and3A_713 = arith.constant 511 : i32
      %and3A_714 = vector.broadcast %and3A_713 : i32 to vector<16xi32>
      %and3A_715 = arith.andi %get3A_707, %and3A_714 : vector<16xi32>
      tpu.vector_store_idx %arg8[%add3A_107, %and3A_715], %shift_left3A_712 {add = true} : memref<64x512xi32, #tpu.memory_space<vmem>>[vector<16xi32>, vector<16xi32>], vector<16xi32>,
      %get3A_716 = arith.constant 22 : i32
      %get3A_717 = arith.index_cast %get3A_716 : i32 to index
      %get3A_718 = arith.index_cast %add3A_112 : i32 to index
      %get3A_719 = tpu.vector_load %arg6[%get3A_717, %get3A_718] {strides = array<i32>} : memref<32x128xi32, #tpu.memory_space<vmem>>, vector<16xi32>,
      %add3A_720 = arith.constant 1024 : i32
      %add3A_721 = vector.broadcast %add3A_720 : i32 to vector<16xi32>
      %add3A_722 = arith.addi %get3A_719, %add3A_721 : vector<16xi32>
      %shift_right_arithmetic3A_723 = arith.constant 9 : i32
      %shift_right_arithmetic3A_724 = vector.broadcast %shift_right_arithmetic3A_723 : i32 to vector<16xi32>
      %shift_right_arithmetic3A_725 = arith.shrsi %add3A_722, %shift_right_arithmetic3A_724 : vector<16xi32>
      %mul3A_726 = arith.muli %shift_right_arithmetic3A_725, %broadcast_in_dim3A_48 : vector<16xi32>
      %shift_left3A_727 = arith.shli %broadcast_in_dim3A_46, %mul3A_726 : vector<16xi32>
      %and3A_728 = arith.constant 511 : i32
      %and3A_729 = vector.broadcast %and3A_728 : i32 to vector<16xi32>
      %and3A_730 = arith.andi %add3A_722, %and3A_729 : vector<16xi32>
      tpu.vector_store_idx %arg8[%add3A_107, %and3A_730], %shift_left3A_727 {add = true} : memref<64x512xi32, #tpu.memory_space<vmem>>[vector<16xi32>, vector<16xi32>], vector<16xi32>,
      %get3A_731 = arith.constant 23 : i32
      %get3A_732 = arith.index_cast %get3A_731 : i32 to index
      %get3A_733 = arith.index_cast %add3A_112 : i32 to index
      %get3A_734 = tpu.vector_load %arg5[%get3A_732, %get3A_733] {strides = array<i32>} : memref<32x128xi32, #tpu.memory_space<vmem>>, vector<16xi32>,
      %shift_right_arithmetic3A_735 = arith.constant 9 : i32
      %shift_right_arithmetic3A_736 = vector.broadcast %shift_right_arithmetic3A_735 : i32 to vector<16xi32>
      %shift_right_arithmetic3A_737 = arith.shrsi %get3A_734, %shift_right_arithmetic3A_736 : vector<16xi32>
      %mul3A_738 = arith.muli %shift_right_arithmetic3A_737, %broadcast_in_dim3A_48 : vector<16xi32>
      %shift_left3A_739 = arith.shli %broadcast_in_dim3A_46, %mul3A_738 : vector<16xi32>
      %and3A_740 = arith.constant 511 : i32
      %and3A_741 = vector.broadcast %and3A_740 : i32 to vector<16xi32>
      %and3A_742 = arith.andi %get3A_734, %and3A_741 : vector<16xi32>
      tpu.vector_store_idx %arg8[%add3A_107, %and3A_742], %shift_left3A_739 {add = true} : memref<64x512xi32, #tpu.memory_space<vmem>>[vector<16xi32>, vector<16xi32>], vector<16xi32>,
      %get3A_743 = arith.constant 23 : i32
      %get3A_744 = arith.index_cast %get3A_743 : i32 to index
      %get3A_745 = arith.index_cast %add3A_112 : i32 to index
      %get3A_746 = tpu.vector_load %arg6[%get3A_744, %get3A_745] {strides = array<i32>} : memref<32x128xi32, #tpu.memory_space<vmem>>, vector<16xi32>,
      %add3A_747 = arith.constant 1024 : i32
      %add3A_748 = vector.broadcast %add3A_747 : i32 to vector<16xi32>
      %add3A_749 = arith.addi %get3A_746, %add3A_748 : vector<16xi32>
      %shift_right_arithmetic3A_750 = arith.constant 9 : i32
      %shift_right_arithmetic3A_751 = vector.broadcast %shift_right_arithmetic3A_750 : i32 to vector<16xi32>
      %shift_right_arithmetic3A_752 = arith.shrsi %add3A_749, %shift_right_arithmetic3A_751 : vector<16xi32>
      %mul3A_753 = arith.muli %shift_right_arithmetic3A_752, %broadcast_in_dim3A_48 : vector<16xi32>
      %shift_left3A_754 = arith.shli %broadcast_in_dim3A_46, %mul3A_753 : vector<16xi32>
      %and3A_755 = arith.constant 511 : i32
      %and3A_756 = vector.broadcast %and3A_755 : i32 to vector<16xi32>
      %and3A_757 = arith.andi %add3A_749, %and3A_756 : vector<16xi32>
      tpu.vector_store_idx %arg8[%add3A_107, %and3A_757], %shift_left3A_754 {add = true} : memref<64x512xi32, #tpu.memory_space<vmem>>[vector<16xi32>, vector<16xi32>], vector<16xi32>,
      %get3A_758 = arith.constant 24 : i32
      %get3A_759 = arith.index_cast %get3A_758 : i32 to index
      %get3A_760 = arith.index_cast %add3A_112 : i32 to index
      %get3A_761 = tpu.vector_load %arg5[%get3A_759, %get3A_760] {strides = array<i32>} : memref<32x128xi32, #tpu.memory_space<vmem>>, vector<16xi32>,
      %shift_right_arithmetic3A_762 = arith.constant 9 : i32
      %shift_right_arithmetic3A_763 = vector.broadcast %shift_right_arithmetic3A_762 : i32 to vector<16xi32>
      %shift_right_arithmetic3A_764 = arith.shrsi %get3A_761, %shift_right_arithmetic3A_763 : vector<16xi32>
      %mul3A_765 = arith.muli %shift_right_arithmetic3A_764, %broadcast_in_dim3A_48 : vector<16xi32>
      %shift_left3A_766 = arith.shli %broadcast_in_dim3A_46, %mul3A_765 : vector<16xi32>
      %and3A_767 = arith.constant 511 : i32
      %and3A_768 = vector.broadcast %and3A_767 : i32 to vector<16xi32>
      %and3A_769 = arith.andi %get3A_761, %and3A_768 : vector<16xi32>
      tpu.vector_store_idx %arg8[%add3A_107, %and3A_769], %shift_left3A_766 {add = true} : memref<64x512xi32, #tpu.memory_space<vmem>>[vector<16xi32>, vector<16xi32>], vector<16xi32>,
      %get3A_770 = arith.constant 24 : i32
      %get3A_771 = arith.index_cast %get3A_770 : i32 to index
      %get3A_772 = arith.index_cast %add3A_112 : i32 to index
      %get3A_773 = tpu.vector_load %arg6[%get3A_771, %get3A_772] {strides = array<i32>} : memref<32x128xi32, #tpu.memory_space<vmem>>, vector<16xi32>,
      %add3A_774 = arith.constant 1024 : i32
      %add3A_775 = vector.broadcast %add3A_774 : i32 to vector<16xi32>
      %add3A_776 = arith.addi %get3A_773, %add3A_775 : vector<16xi32>
      %shift_right_arithmetic3A_777 = arith.constant 9 : i32
      %shift_right_arithmetic3A_778 = vector.broadcast %shift_right_arithmetic3A_777 : i32 to vector<16xi32>
      %shift_right_arithmetic3A_779 = arith.shrsi %add3A_776, %shift_right_arithmetic3A_778 : vector<16xi32>
      %mul3A_780 = arith.muli %shift_right_arithmetic3A_779, %broadcast_in_dim3A_48 : vector<16xi32>
      %shift_left3A_781 = arith.shli %broadcast_in_dim3A_46, %mul3A_780 : vector<16xi32>
      %and3A_782 = arith.constant 511 : i32
      %and3A_783 = vector.broadcast %and3A_782 : i32 to vector<16xi32>
      %and3A_784 = arith.andi %add3A_776, %and3A_783 : vector<16xi32>
      tpu.vector_store_idx %arg8[%add3A_107, %and3A_784], %shift_left3A_781 {add = true} : memref<64x512xi32, #tpu.memory_space<vmem>>[vector<16xi32>, vector<16xi32>], vector<16xi32>,
      %get3A_785 = arith.constant 25 : i32
      %get3A_786 = arith.index_cast %get3A_785 : i32 to index
      %get3A_787 = arith.index_cast %add3A_112 : i32 to index
      %get3A_788 = tpu.vector_load %arg5[%get3A_786, %get3A_787] {strides = array<i32>} : memref<32x128xi32, #tpu.memory_space<vmem>>, vector<16xi32>,
      %shift_right_arithmetic3A_789 = arith.constant 9 : i32
      %shift_right_arithmetic3A_790 = vector.broadcast %shift_right_arithmetic3A_789 : i32 to vector<16xi32>
      %shift_right_arithmetic3A_791 = arith.shrsi %get3A_788, %shift_right_arithmetic3A_790 : vector<16xi32>
      %mul3A_792 = arith.muli %shift_right_arithmetic3A_791, %broadcast_in_dim3A_48 : vector<16xi32>
      %shift_left3A_793 = arith.shli %broadcast_in_dim3A_46, %mul3A_792 : vector<16xi32>
      %and3A_794 = arith.constant 511 : i32
      %and3A_795 = vector.broadcast %and3A_794 : i32 to vector<16xi32>
      %and3A_796 = arith.andi %get3A_788, %and3A_795 : vector<16xi32>
      tpu.vector_store_idx %arg8[%add3A_107, %and3A_796], %shift_left3A_793 {add = true} : memref<64x512xi32, #tpu.memory_space<vmem>>[vector<16xi32>, vector<16xi32>], vector<16xi32>,
      %get3A_797 = arith.constant 25 : i32
      %get3A_798 = arith.index_cast %get3A_797 : i32 to index
      %get3A_799 = arith.index_cast %add3A_112 : i32 to index
      %get3A_800 = tpu.vector_load %arg6[%get3A_798, %get3A_799] {strides = array<i32>} : memref<32x128xi32, #tpu.memory_space<vmem>>, vector<16xi32>,
      %add3A_801 = arith.constant 1024 : i32
      %add3A_802 = vector.broadcast %add3A_801 : i32 to vector<16xi32>
      %add3A_803 = arith.addi %get3A_800, %add3A_802 : vector<16xi32>
      %shift_right_arithmetic3A_804 = arith.constant 9 : i32
      %shift_right_arithmetic3A_805 = vector.broadcast %shift_right_arithmetic3A_804 : i32 to vector<16xi32>
      %shift_right_arithmetic3A_806 = arith.shrsi %add3A_803, %shift_right_arithmetic3A_805 : vector<16xi32>
      %mul3A_807 = arith.muli %shift_right_arithmetic3A_806, %broadcast_in_dim3A_48 : vector<16xi32>
      %shift_left3A_808 = arith.shli %broadcast_in_dim3A_46, %mul3A_807 : vector<16xi32>
      %and3A_809 = arith.constant 511 : i32
      %and3A_810 = vector.broadcast %and3A_809 : i32 to vector<16xi32>
      %and3A_811 = arith.andi %add3A_803, %and3A_810 : vector<16xi32>
      tpu.vector_store_idx %arg8[%add3A_107, %and3A_811], %shift_left3A_808 {add = true} : memref<64x512xi32, #tpu.memory_space<vmem>>[vector<16xi32>, vector<16xi32>], vector<16xi32>,
      %get3A_812 = arith.constant 26 : i32
      %get3A_813 = arith.index_cast %get3A_812 : i32 to index
      %get3A_814 = arith.index_cast %add3A_112 : i32 to index
      %get3A_815 = tpu.vector_load %arg5[%get3A_813, %get3A_814] {strides = array<i32>} : memref<32x128xi32, #tpu.memory_space<vmem>>, vector<16xi32>,
      %shift_right_arithmetic3A_816 = arith.constant 9 : i32
      %shift_right_arithmetic3A_817 = vector.broadcast %shift_right_arithmetic3A_816 : i32 to vector<16xi32>
      %shift_right_arithmetic3A_818 = arith.shrsi %get3A_815, %shift_right_arithmetic3A_817 : vector<16xi32>
      %mul3A_819 = arith.muli %shift_right_arithmetic3A_818, %broadcast_in_dim3A_48 : vector<16xi32>
      %shift_left3A_820 = arith.shli %broadcast_in_dim3A_46, %mul3A_819 : vector<16xi32>
      %and3A_821 = arith.constant 511 : i32
      %and3A_822 = vector.broadcast %and3A_821 : i32 to vector<16xi32>
      %and3A_823 = arith.andi %get3A_815, %and3A_822 : vector<16xi32>
      tpu.vector_store_idx %arg8[%add3A_107, %and3A_823], %shift_left3A_820 {add = true} : memref<64x512xi32, #tpu.memory_space<vmem>>[vector<16xi32>, vector<16xi32>], vector<16xi32>,
      %get3A_824 = arith.constant 26 : i32
      %get3A_825 = arith.index_cast %get3A_824 : i32 to index
      %get3A_826 = arith.index_cast %add3A_112 : i32 to index
      %get3A_827 = tpu.vector_load %arg6[%get3A_825, %get3A_826] {strides = array<i32>} : memref<32x128xi32, #tpu.memory_space<vmem>>, vector<16xi32>,
      %add3A_828 = arith.constant 1024 : i32
      %add3A_829 = vector.broadcast %add3A_828 : i32 to vector<16xi32>
      %add3A_830 = arith.addi %get3A_827, %add3A_829 : vector<16xi32>
      %shift_right_arithmetic3A_831 = arith.constant 9 : i32
      %shift_right_arithmetic3A_832 = vector.broadcast %shift_right_arithmetic3A_831 : i32 to vector<16xi32>
      %shift_right_arithmetic3A_833 = arith.shrsi %add3A_830, %shift_right_arithmetic3A_832 : vector<16xi32>
      %mul3A_834 = arith.muli %shift_right_arithmetic3A_833, %broadcast_in_dim3A_48 : vector<16xi32>
      %shift_left3A_835 = arith.shli %broadcast_in_dim3A_46, %mul3A_834 : vector<16xi32>
      %and3A_836 = arith.constant 511 : i32
      %and3A_837 = vector.broadcast %and3A_836 : i32 to vector<16xi32>
      %and3A_838 = arith.andi %add3A_830, %and3A_837 : vector<16xi32>
      tpu.vector_store_idx %arg8[%add3A_107, %and3A_838], %shift_left3A_835 {add = true} : memref<64x512xi32, #tpu.memory_space<vmem>>[vector<16xi32>, vector<16xi32>], vector<16xi32>,
      %get3A_839 = arith.constant 27 : i32
      %get3A_840 = arith.index_cast %get3A_839 : i32 to index
      %get3A_841 = arith.index_cast %add3A_112 : i32 to index
      %get3A_842 = tpu.vector_load %arg5[%get3A_840, %get3A_841] {strides = array<i32>} : memref<32x128xi32, #tpu.memory_space<vmem>>, vector<16xi32>,
      %shift_right_arithmetic3A_843 = arith.constant 9 : i32
      %shift_right_arithmetic3A_844 = vector.broadcast %shift_right_arithmetic3A_843 : i32 to vector<16xi32>
      %shift_right_arithmetic3A_845 = arith.shrsi %get3A_842, %shift_right_arithmetic3A_844 : vector<16xi32>
      %mul3A_846 = arith.muli %shift_right_arithmetic3A_845, %broadcast_in_dim3A_48 : vector<16xi32>
      %shift_left3A_847 = arith.shli %broadcast_in_dim3A_46, %mul3A_846 : vector<16xi32>
      %and3A_848 = arith.constant 511 : i32
      %and3A_849 = vector.broadcast %and3A_848 : i32 to vector<16xi32>
      %and3A_850 = arith.andi %get3A_842, %and3A_849 : vector<16xi32>
      tpu.vector_store_idx %arg8[%add3A_107, %and3A_850], %shift_left3A_847 {add = true} : memref<64x512xi32, #tpu.memory_space<vmem>>[vector<16xi32>, vector<16xi32>], vector<16xi32>,
      %get3A_851 = arith.constant 27 : i32
      %get3A_852 = arith.index_cast %get3A_851 : i32 to index
      %get3A_853 = arith.index_cast %add3A_112 : i32 to index
      %get3A_854 = tpu.vector_load %arg6[%get3A_852, %get3A_853] {strides = array<i32>} : memref<32x128xi32, #tpu.memory_space<vmem>>, vector<16xi32>,
      %add3A_855 = arith.constant 1024 : i32
      %add3A_856 = vector.broadcast %add3A_855 : i32 to vector<16xi32>
      %add3A_857 = arith.addi %get3A_854, %add3A_856 : vector<16xi32>
      %shift_right_arithmetic3A_858 = arith.constant 9 : i32
      %shift_right_arithmetic3A_859 = vector.broadcast %shift_right_arithmetic3A_858 : i32 to vector<16xi32>
      %shift_right_arithmetic3A_860 = arith.shrsi %add3A_857, %shift_right_arithmetic3A_859 : vector<16xi32>
      %mul3A_861 = arith.muli %shift_right_arithmetic3A_860, %broadcast_in_dim3A_48 : vector<16xi32>
      %shift_left3A_862 = arith.shli %broadcast_in_dim3A_46, %mul3A_861 : vector<16xi32>
      %and3A_863 = arith.constant 511 : i32
      %and3A_864 = vector.broadcast %and3A_863 : i32 to vector<16xi32>
      %and3A_865 = arith.andi %add3A_857, %and3A_864 : vector<16xi32>
      tpu.vector_store_idx %arg8[%add3A_107, %and3A_865], %shift_left3A_862 {add = true} : memref<64x512xi32, #tpu.memory_space<vmem>>[vector<16xi32>, vector<16xi32>], vector<16xi32>,
      %get3A_866 = arith.constant 28 : i32
      %get3A_867 = arith.index_cast %get3A_866 : i32 to index
      %get3A_868 = arith.index_cast %add3A_112 : i32 to index
      %get3A_869 = tpu.vector_load %arg5[%get3A_867, %get3A_868] {strides = array<i32>} : memref<32x128xi32, #tpu.memory_space<vmem>>, vector<16xi32>,
      %shift_right_arithmetic3A_870 = arith.constant 9 : i32
      %shift_right_arithmetic3A_871 = vector.broadcast %shift_right_arithmetic3A_870 : i32 to vector<16xi32>
      %shift_right_arithmetic3A_872 = arith.shrsi %get3A_869, %shift_right_arithmetic3A_871 : vector<16xi32>
      %mul3A_873 = arith.muli %shift_right_arithmetic3A_872, %broadcast_in_dim3A_48 : vector<16xi32>
      %shift_left3A_874 = arith.shli %broadcast_in_dim3A_46, %mul3A_873 : vector<16xi32>
      %and3A_875 = arith.constant 511 : i32
      %and3A_876 = vector.broadcast %and3A_875 : i32 to vector<16xi32>
      %and3A_877 = arith.andi %get3A_869, %and3A_876 : vector<16xi32>
      tpu.vector_store_idx %arg8[%add3A_107, %and3A_877], %shift_left3A_874 {add = true} : memref<64x512xi32, #tpu.memory_space<vmem>>[vector<16xi32>, vector<16xi32>], vector<16xi32>,
      %get3A_878 = arith.constant 28 : i32
      %get3A_879 = arith.index_cast %get3A_878 : i32 to index
      %get3A_880 = arith.index_cast %add3A_112 : i32 to index
      %get3A_881 = tpu.vector_load %arg6[%get3A_879, %get3A_880] {strides = array<i32>} : memref<32x128xi32, #tpu.memory_space<vmem>>, vector<16xi32>,
      %add3A_882 = arith.constant 1024 : i32
      %add3A_883 = vector.broadcast %add3A_882 : i32 to vector<16xi32>
      %add3A_884 = arith.addi %get3A_881, %add3A_883 : vector<16xi32>
      %shift_right_arithmetic3A_885 = arith.constant 9 : i32
      %shift_right_arithmetic3A_886 = vector.broadcast %shift_right_arithmetic3A_885 : i32 to vector<16xi32>
      %shift_right_arithmetic3A_887 = arith.shrsi %add3A_884, %shift_right_arithmetic3A_886 : vector<16xi32>
      %mul3A_888 = arith.muli %shift_right_arithmetic3A_887, %broadcast_in_dim3A_48 : vector<16xi32>
      %shift_left3A_889 = arith.shli %broadcast_in_dim3A_46, %mul3A_888 : vector<16xi32>
      %and3A_890 = arith.constant 511 : i32
      %and3A_891 = vector.broadcast %and3A_890 : i32 to vector<16xi32>
      %and3A_892 = arith.andi %add3A_884, %and3A_891 : vector<16xi32>
      tpu.vector_store_idx %arg8[%add3A_107, %and3A_892], %shift_left3A_889 {add = true} : memref<64x512xi32, #tpu.memory_space<vmem>>[vector<16xi32>, vector<16xi32>], vector<16xi32>,
      %get3A_893 = arith.constant 29 : i32
      %get3A_894 = arith.index_cast %get3A_893 : i32 to index
      %get3A_895 = arith.index_cast %add3A_112 : i32 to index
      %get3A_896 = tpu.vector_load %arg5[%get3A_894, %get3A_895] {strides = array<i32>} : memref<32x128xi32, #tpu.memory_space<vmem>>, vector<16xi32>,
      %shift_right_arithmetic3A_897 = arith.constant 9 : i32
      %shift_right_arithmetic3A_898 = vector.broadcast %shift_right_arithmetic3A_897 : i32 to vector<16xi32>
      %shift_right_arithmetic3A_899 = arith.shrsi %get3A_896, %shift_right_arithmetic3A_898 : vector<16xi32>
      %mul3A_900 = arith.muli %shift_right_arithmetic3A_899, %broadcast_in_dim3A_48 : vector<16xi32>
      %shift_left3A_901 = arith.shli %broadcast_in_dim3A_46, %mul3A_900 : vector<16xi32>
      %and3A_902 = arith.constant 511 : i32
      %and3A_903 = vector.broadcast %and3A_902 : i32 to vector<16xi32>
      %and3A_904 = arith.andi %get3A_896, %and3A_903 : vector<16xi32>
      tpu.vector_store_idx %arg8[%add3A_107, %and3A_904], %shift_left3A_901 {add = true} : memref<64x512xi32, #tpu.memory_space<vmem>>[vector<16xi32>, vector<16xi32>], vector<16xi32>,
      %get3A_905 = arith.constant 29 : i32
      %get3A_906 = arith.index_cast %get3A_905 : i32 to index
      %get3A_907 = arith.index_cast %add3A_112 : i32 to index
      %get3A_908 = tpu.vector_load %arg6[%get3A_906, %get3A_907] {strides = array<i32>} : memref<32x128xi32, #tpu.memory_space<vmem>>, vector<16xi32>,
      %add3A_909 = arith.constant 1024 : i32
      %add3A_910 = vector.broadcast %add3A_909 : i32 to vector<16xi32>
      %add3A_911 = arith.addi %get3A_908, %add3A_910 : vector<16xi32>
      %shift_right_arithmetic3A_912 = arith.constant 9 : i32
      %shift_right_arithmetic3A_913 = vector.broadcast %shift_right_arithmetic3A_912 : i32 to vector<16xi32>
      %shift_right_arithmetic3A_914 = arith.shrsi %add3A_911, %shift_right_arithmetic3A_913 : vector<16xi32>
      %mul3A_915 = arith.muli %shift_right_arithmetic3A_914, %broadcast_in_dim3A_48 : vector<16xi32>
      %shift_left3A_916 = arith.shli %broadcast_in_dim3A_46, %mul3A_915 : vector<16xi32>
      %and3A_917 = arith.constant 511 : i32
      %and3A_918 = vector.broadcast %and3A_917 : i32 to vector<16xi32>
      %and3A_919 = arith.andi %add3A_911, %and3A_918 : vector<16xi32>
      tpu.vector_store_idx %arg8[%add3A_107, %and3A_919], %shift_left3A_916 {add = true} : memref<64x512xi32, #tpu.memory_space<vmem>>[vector<16xi32>, vector<16xi32>], vector<16xi32>,
      %get3A_920 = arith.constant 30 : i32
      %get3A_921 = arith.index_cast %get3A_920 : i32 to index
      %get3A_922 = arith.index_cast %add3A_112 : i32 to index
      %get3A_923 = tpu.vector_load %arg5[%get3A_921, %get3A_922] {strides = array<i32>} : memref<32x128xi32, #tpu.memory_space<vmem>>, vector<16xi32>,
      %shift_right_arithmetic3A_924 = arith.constant 9 : i32
      %shift_right_arithmetic3A_925 = vector.broadcast %shift_right_arithmetic3A_924 : i32 to vector<16xi32>
      %shift_right_arithmetic3A_926 = arith.shrsi %get3A_923, %shift_right_arithmetic3A_925 : vector<16xi32>
      %mul3A_927 = arith.muli %shift_right_arithmetic3A_926, %broadcast_in_dim3A_48 : vector<16xi32>
      %shift_left3A_928 = arith.shli %broadcast_in_dim3A_46, %mul3A_927 : vector<16xi32>
      %and3A_929 = arith.constant 511 : i32
      %and3A_930 = vector.broadcast %and3A_929 : i32 to vector<16xi32>
      %and3A_931 = arith.andi %get3A_923, %and3A_930 : vector<16xi32>
      tpu.vector_store_idx %arg8[%add3A_107, %and3A_931], %shift_left3A_928 {add = true} : memref<64x512xi32, #tpu.memory_space<vmem>>[vector<16xi32>, vector<16xi32>], vector<16xi32>,
      %get3A_932 = arith.constant 30 : i32
      %get3A_933 = arith.index_cast %get3A_932 : i32 to index
      %get3A_934 = arith.index_cast %add3A_112 : i32 to index
      %get3A_935 = tpu.vector_load %arg6[%get3A_933, %get3A_934] {strides = array<i32>} : memref<32x128xi32, #tpu.memory_space<vmem>>, vector<16xi32>,
      %add3A_936 = arith.constant 1024 : i32
      %add3A_937 = vector.broadcast %add3A_936 : i32 to vector<16xi32>
      %add3A_938 = arith.addi %get3A_935, %add3A_937 : vector<16xi32>
      %shift_right_arithmetic3A_939 = arith.constant 9 : i32
      %shift_right_arithmetic3A_940 = vector.broadcast %shift_right_arithmetic3A_939 : i32 to vector<16xi32>
      %shift_right_arithmetic3A_941 = arith.shrsi %add3A_938, %shift_right_arithmetic3A_940 : vector<16xi32>
      %mul3A_942 = arith.muli %shift_right_arithmetic3A_941, %broadcast_in_dim3A_48 : vector<16xi32>
      %shift_left3A_943 = arith.shli %broadcast_in_dim3A_46, %mul3A_942 : vector<16xi32>
      %and3A_944 = arith.constant 511 : i32
      %and3A_945 = vector.broadcast %and3A_944 : i32 to vector<16xi32>
      %and3A_946 = arith.andi %add3A_938, %and3A_945 : vector<16xi32>
      tpu.vector_store_idx %arg8[%add3A_107, %and3A_946], %shift_left3A_943 {add = true} : memref<64x512xi32, #tpu.memory_space<vmem>>[vector<16xi32>, vector<16xi32>], vector<16xi32>,
      %get3A_947 = arith.constant 31 : i32
      %get3A_948 = arith.index_cast %get3A_947 : i32 to index
      %get3A_949 = arith.index_cast %add3A_112 : i32 to index
      %get3A_950 = tpu.vector_load %arg5[%get3A_948, %get3A_949] {strides = array<i32>} : memref<32x128xi32, #tpu.memory_space<vmem>>, vector<16xi32>,
      %shift_right_arithmetic3A_951 = arith.constant 9 : i32
      %shift_right_arithmetic3A_952 = vector.broadcast %shift_right_arithmetic3A_951 : i32 to vector<16xi32>
      %shift_right_arithmetic3A_953 = arith.shrsi %get3A_950, %shift_right_arithmetic3A_952 : vector<16xi32>
      %mul3A_954 = arith.muli %shift_right_arithmetic3A_953, %broadcast_in_dim3A_48 : vector<16xi32>
      %shift_left3A_955 = arith.shli %broadcast_in_dim3A_46, %mul3A_954 : vector<16xi32>
      %and3A_956 = arith.constant 511 : i32
      %and3A_957 = vector.broadcast %and3A_956 : i32 to vector<16xi32>
      %and3A_958 = arith.andi %get3A_950, %and3A_957 : vector<16xi32>
      tpu.vector_store_idx %arg8[%add3A_107, %and3A_958], %shift_left3A_955 {add = true} : memref<64x512xi32, #tpu.memory_space<vmem>>[vector<16xi32>, vector<16xi32>], vector<16xi32>,
      %get3A_959 = arith.constant 31 : i32
      %get3A_960 = arith.index_cast %get3A_959 : i32 to index
      %get3A_961 = arith.index_cast %add3A_112 : i32 to index
      %get3A_962 = tpu.vector_load %arg6[%get3A_960, %get3A_961] {strides = array<i32>} : memref<32x128xi32, #tpu.memory_space<vmem>>, vector<16xi32>,
      %add3A_963 = arith.constant 1024 : i32
      %add3A_964 = vector.broadcast %add3A_963 : i32 to vector<16xi32>
      %add3A_965 = arith.addi %get3A_962, %add3A_964 : vector<16xi32>
      %shift_right_arithmetic3A_966 = arith.constant 9 : i32
      %shift_right_arithmetic3A_967 = vector.broadcast %shift_right_arithmetic3A_966 : i32 to vector<16xi32>
      %shift_right_arithmetic3A_968 = arith.shrsi %add3A_965, %shift_right_arithmetic3A_967 : vector<16xi32>
      %mul3A_969 = arith.muli %shift_right_arithmetic3A_968, %broadcast_in_dim3A_48 : vector<16xi32>
      %shift_left3A_970 = arith.shli %broadcast_in_dim3A_46, %mul3A_969 : vector<16xi32>
      %and3A_971 = arith.constant 511 : i32
      %and3A_972 = vector.broadcast %and3A_971 : i32 to vector<16xi32>
      %and3A_973 = arith.andi %add3A_965, %and3A_972 : vector<16xi32>
      tpu.vector_store_idx %arg8[%add3A_107, %and3A_973], %shift_left3A_970 {add = true} : memref<64x512xi32, #tpu.memory_space<vmem>>[vector<16xi32>, vector<16xi32>], vector<16xi32>,
    }
    %scan3A_86 = arith.constant 4 : i32
    %mul3A_87 = arith.constant 128 : i32
    %mul3A_88 = arith.muli %add3A, %mul3A_87 : i32
    %add3A_89 = arith.constant 64 : i32
    %add3A_90 = arith.addi %mul3A_88, %add3A_89 : i32
    %dma_start3A_91 = arith.constant 0 : i32
    %dma_start3A_92 = tpu.memref_slice %arg4[%add3A_90, %dma_start3A_91] : memref<4096x512xi32, #tpu.memory_space<hbm>> -> memref<64x512xi32, #tpu.memory_space<hbm>>
    %dma_start3A_93 = arith.constant 0 : i32
    %dma_start3A_94 = tpu.memref_slice %arg4[%add3A_90, %dma_start3A_93] : memref<4096x512xi32, #tpu.memory_space<hbm>> -> memref<64x512xi32, #tpu.memory_space<hbm>>
    tpu.enqueue_dma source(%arg8 : memref<64x512xi32, #tpu.memory_space<vmem>>) target(%dma_start3A_94 : memref<64x512xi32, #tpu.memory_space<hbm>>) target_semaphore(%arg10 : memref<!tpu.dma_semaphore, #tpu.memory_space<semaphore_mem>>)
    %dma_wait3A_95 = arith.constant 0 : i32
    %dma_wait3A_96 = tpu.memref_slice %arg4[%add3A_70, %dma_wait3A_95] : memref<4096x512xi32, #tpu.memory_space<hbm>> -> memref<64x512xi32, #tpu.memory_space<hbm>>
    %dma_wait3A_97 = arith.constant 0 : i32
    %dma_wait3A_98 = tpu.memref_slice %arg4[%add3A_70, %dma_wait3A_97] : memref<4096x512xi32, #tpu.memory_space<hbm>> -> memref<64x512xi32, #tpu.memory_space<hbm>>
    tpu.wait_dma2 semaphore(%arg9 : memref<!tpu.dma_semaphore, #tpu.memory_space<semaphore_mem>>) src(%arg7 : memref<64x512xi32, #tpu.memory_space<vmem>>) dst(%dma_wait3A_98 : memref<64x512xi32, #tpu.memory_space<hbm>>)
    %dma_wait3A_99 = arith.constant 0 : i32
    %dma_wait3A_100 = tpu.memref_slice %arg4[%add3A_90, %dma_wait3A_99] : memref<4096x512xi32, #tpu.memory_space<hbm>> -> memref<64x512xi32, #tpu.memory_space<hbm>>
    %dma_wait3A_101 = arith.constant 0 : i32
    %dma_wait3A_102 = tpu.memref_slice %arg4[%add3A_90, %dma_wait3A_101] : memref<4096x512xi32, #tpu.memory_space<hbm>> -> memref<64x512xi32, #tpu.memory_space<hbm>>
    tpu.wait_dma2 semaphore(%arg10 : memref<!tpu.dma_semaphore, #tpu.memory_space<semaphore_mem>>) src(%arg8 : memref<64x512xi32, #tpu.memory_space<vmem>>) dst(%dma_wait3A_102 : memref<64x512xi32, #tpu.memory_space<hbm>>)
    return
  }
}

module attributes {stable_mosaic.version = 14 : i64} {
  func.func @_tc_dense_body(%arg0: i32, %arg1: memref<512x512xi32, #tpu.memory_space<vmem>>, %arg2: memref<512xi32, #tpu.memory_space<vmem>>, %arg3: memref<768x512xf32, #tpu.memory_space<vmem>>, %arg4: memref<1x512xf32, #tpu.memory_space<vmem>>, %arg5: memref<1x1024xf32, #tpu.memory_space<vmem>>, %arg6: memref<1x1xf32, #tpu.memory_space<vmem>>, %arg7: memref<512xf32, #tpu.memory_space<vmem>>) attributes {dimension_semantics = [#tpu.dimension_semantics<arbitrary>], iteration_bounds = array<i64: 8>, scalar_prefetch = 0 : i64, scratch_operands = 0 : i64, tpu.core_type = #tpu.core_type<tc>, window_params = [{transform_indices = @transform_0, window_bounds = array<i64: 512, 512>}, {transform_indices = @transform_1, window_bounds = array<i64: 512>}, {pipeline_mode = #tpu.pipeline_mode<synchronous>, transform_indices = @transform_2, window_bounds = array<i64: 768, 512>}, {pipeline_mode = #tpu.pipeline_mode<synchronous>, transform_indices = @transform_3, window_bounds = array<i64: 1, 512>}, {pipeline_mode = #tpu.pipeline_mode<synchronous>, transform_indices = @transform_4, window_bounds = array<i64: 1, 1024>}, {pipeline_mode = #tpu.pipeline_mode<synchronous>, transform_indices = @transform_5, window_bounds = array<i64: 1, 1>}, {transform_indices = @transform_6, window_bounds = array<i64: 512>}]} {
    %get3A = arith.constant 0 : index
    %get3A_0 = arith.constant 0 : index
    %get3A_1 = vector.load %arg1[%get3A, %get3A_0] : memref<512x512xi32, #tpu.memory_space<vmem>>, vector<512x512xi32>
    %get3A_2 = arith.constant 0 : index
    %get3A_3 = arith.constant 0 : index
    %get3A_4 = vector.load %arg3[%get3A_2, %get3A_3] : memref<768x512xf32, #tpu.memory_space<vmem>>, vector<512x512xf32>
    %convert_element_type3A = arith.truncf %get3A_4 : vector<512x512xf32> to vector<512x512xbf16>
    %get3A_5 = arith.constant 512 : index
    %get3A_6 = arith.constant 0 : index
    %get3A_7 = vector.load %arg3[%get3A_5, %get3A_6] : memref<768x512xf32, #tpu.memory_space<vmem>>, vector<256x512xf32>
    %convert_element_type3A_8 = arith.truncf %get3A_7 : vector<256x512xf32> to vector<256x512xbf16>
    %get3A_9 = arith.constant 0 : index
    %get3A_10 = arith.constant 0 : index
    %get3A_11 = vector.load %arg4[%get3A_9, %get3A_10] : memref<1x512xf32, #tpu.memory_space<vmem>>, vector<1x512xf32>
    %get3A_12 = vector.shape_cast %get3A_11 : vector<1x512xf32> to vector<512xf32>
    %broadcast_in_dim3A = vector.shape_cast %get3A_12 : vector<512xf32> to vector<1x512xf32>
    %shift_right_arithmetic3A = arith.constant 8 : i32
    %shift_right_arithmetic3A_13 = vector.broadcast %shift_right_arithmetic3A : i32 to vector<512x512xi32>
    %shift_right_arithmetic3A_14 = arith.shrsi %get3A_1, %shift_right_arithmetic3A_13 : vector<512x512xi32>
    %and3A = arith.constant 255 : i32
    %and3A_15 = vector.broadcast %and3A : i32 to vector<512x512xi32>
    %and3A_16 = arith.andi %get3A_1, %and3A_15 : vector<512x512xi32>
    %convert_element_type3A_17 = arith.sitofp %and3A_16 : vector<512x512xi32> to vector<512x512xbf16>
    %and3A_18 = arith.constant 255 : i32
    %and3A_19 = vector.broadcast %and3A_18 : i32 to vector<512x512xi32>
    %and3A_20 = arith.andi %shift_right_arithmetic3A_14, %and3A_19 : vector<512x512xi32>
    %convert_element_type3A_21 = arith.sitofp %and3A_20 : vector<512x512xi32> to vector<512x512xbf16>
    %dot_general3A = arith.constant dense<0.000000e+00> : vector<512x512xf32>
    %dot_general3A_22 = tpu.matmul %convert_element_type3A_17, %convert_element_type3A, %dot_general3A {dimension_numbers = #tpu.dot_dimension_numbers<[1], [0], [0], [1], [0, 0, 1, 1], [], []>, transpose_lhs_hint = false} : vector<512x512xbf16>, vector<512x512xbf16>, vector<512x512xf32> -> vector<512x512xf32>
    %slice3A = vector.extract_strided_slice %convert_element_type3A_21 {offsets = [0, 0], sizes = [512, 256], strides = [1, 1]} : vector<512x512xbf16> to vector<512x256xbf16>
    %dot_general3A_23 = arith.constant dense<0.000000e+00> : vector<512x512xf32>
    %dot_general3A_24 = tpu.matmul %slice3A, %convert_element_type3A_8, %dot_general3A_23 {dimension_numbers = #tpu.dot_dimension_numbers<[1], [0], [0], [1], [0, 0, 1, 1], [], []>, transpose_lhs_hint = false} : vector<512x256xbf16>, vector<256x512xbf16>, vector<512x512xf32> -> vector<512x512xf32>
    %add3A = arith.addf %dot_general3A_22, %dot_general3A_24 : vector<512x512xf32>
    %add3A_25 = vector.broadcast %broadcast_in_dim3A : vector<1x512xf32> to vector<512x512xf32>
    %add3A_26 = arith.addf %add3A, %add3A_25 : vector<512x512xf32>
    %shift_right_arithmetic3A_27 = arith.constant 16 : i32
    %shift_right_arithmetic3A_28 = vector.broadcast %shift_right_arithmetic3A_27 : i32 to vector<512x512xi32>
    %shift_right_arithmetic3A_29 = arith.shrsi %get3A_1, %shift_right_arithmetic3A_28 : vector<512x512xi32>
    %shift_right_arithmetic3A_30 = arith.constant 24 : i32
    %shift_right_arithmetic3A_31 = vector.broadcast %shift_right_arithmetic3A_30 : i32 to vector<512x512xi32>
    %shift_right_arithmetic3A_32 = arith.shrsi %get3A_1, %shift_right_arithmetic3A_31 : vector<512x512xi32>
    %and3A_33 = arith.constant 255 : i32
    %and3A_34 = vector.broadcast %and3A_33 : i32 to vector<512x512xi32>
    %and3A_35 = arith.andi %shift_right_arithmetic3A_29, %and3A_34 : vector<512x512xi32>
    %convert_element_type3A_36 = arith.sitofp %and3A_35 : vector<512x512xi32> to vector<512x512xbf16>
    %and3A_37 = arith.constant 255 : i32
    %and3A_38 = vector.broadcast %and3A_37 : i32 to vector<512x512xi32>
    %and3A_39 = arith.andi %shift_right_arithmetic3A_32, %and3A_38 : vector<512x512xi32>
    %convert_element_type3A_40 = arith.sitofp %and3A_39 : vector<512x512xi32> to vector<512x512xbf16>
    %dot_general3A_41 = arith.constant dense<0.000000e+00> : vector<512x512xf32>
    %dot_general3A_42 = tpu.matmul %convert_element_type3A_36, %convert_element_type3A, %dot_general3A_41 {dimension_numbers = #tpu.dot_dimension_numbers<[1], [0], [0], [1], [0, 0, 1, 1], [], []>, transpose_lhs_hint = false} : vector<512x512xbf16>, vector<512x512xbf16>, vector<512x512xf32> -> vector<512x512xf32>
    %slice3A_43 = vector.extract_strided_slice %convert_element_type3A_40 {offsets = [0, 0], sizes = [512, 256], strides = [1, 1]} : vector<512x512xbf16> to vector<512x256xbf16>
    %dot_general3A_44 = arith.constant dense<0.000000e+00> : vector<512x512xf32>
    %dot_general3A_45 = tpu.matmul %slice3A_43, %convert_element_type3A_8, %dot_general3A_44 {dimension_numbers = #tpu.dot_dimension_numbers<[1], [0], [0], [1], [0, 0, 1, 1], [], []>, transpose_lhs_hint = false} : vector<512x256xbf16>, vector<256x512xbf16>, vector<512x512xf32> -> vector<512x512xf32>
    %add3A_46 = arith.addf %dot_general3A_42, %dot_general3A_45 : vector<512x512xf32>
    %add3A_47 = vector.broadcast %broadcast_in_dim3A : vector<1x512xf32> to vector<512x512xf32>
    %add3A_48 = arith.addf %add3A_46, %add3A_47 : vector<512x512xf32>
    %jit3A = arith.constant 0.000000e+00 : f32
    %jit3A_49 = arith.constant 1.000000e+00 : f32
    %max3A = vector.broadcast %jit3A : f32 to vector<512x512xf32>
    %max3A_50 = arith.maximumf %max3A, %add3A_26 : vector<512x512xf32>
    %min3A = vector.broadcast %jit3A_49 : f32 to vector<512x512xf32>
    %min3A_51 = arith.minimumf %min3A, %max3A_50 : vector<512x512xf32>
    %square3A = arith.mulf %min3A_51, %min3A_51 : vector<512x512xf32>
    %jit3A_52 = arith.constant 0.000000e+00 : f32
    %jit3A_53 = arith.constant 1.000000e+00 : f32
    %max3A_54 = vector.broadcast %jit3A_52 : f32 to vector<512x512xf32>
    %max3A_55 = arith.maximumf %max3A_54, %add3A_48 : vector<512x512xf32>
    %min3A_56 = vector.broadcast %jit3A_53 : f32 to vector<512x512xf32>
    %min3A_57 = arith.minimumf %min3A_56, %max3A_55 : vector<512x512xf32>
    %square3A_58 = arith.mulf %min3A_57, %min3A_57 : vector<512x512xf32>
    %get3A_59 = arith.constant 0 : index
    %get3A_60 = arith.constant 0 : index
    %get3A_61 = vector.load %arg5[%get3A_59, %get3A_60] : memref<1x1024xf32, #tpu.memory_space<vmem>>, vector<1x512xf32>
    %get3A_62 = vector.shape_cast %get3A_61 : vector<1x512xf32> to vector<512xf32>
    %broadcast_in_dim3A_63 = vector.shape_cast %get3A_62 : vector<512xf32> to vector<1x512xf32>
    %get3A_64 = arith.constant 0 : index
    %get3A_65 = arith.constant 512 : index
    %get3A_66 = vector.load %arg5[%get3A_64, %get3A_65] : memref<1x1024xf32, #tpu.memory_space<vmem>>, vector<1x512xf32>
    %get3A_67 = vector.shape_cast %get3A_66 : vector<1x512xf32> to vector<512xf32>
    %broadcast_in_dim3A_68 = vector.shape_cast %get3A_67 : vector<512xf32> to vector<1x512xf32>
    %add3A_69 = arith.addf %broadcast_in_dim3A_63, %broadcast_in_dim3A_68 : vector<1x512xf32>
    %mul3A = arith.constant 5.000000e-01 : f32
    %mul3A_70 = vector.broadcast %mul3A : f32 to vector<1x512xf32>
    %mul3A_71 = arith.mulf %add3A_69, %mul3A_70 : vector<1x512xf32>
    %sub3A = arith.subf %broadcast_in_dim3A_63, %broadcast_in_dim3A_68 : vector<1x512xf32>
    %mul3A_72 = arith.constant 5.000000e-01 : f32
    %mul3A_73 = vector.broadcast %mul3A_72 : f32 to vector<1x512xf32>
    %mul3A_74 = arith.mulf %sub3A, %mul3A_73 : vector<1x512xf32>
    %add3A_75 = arith.addf %square3A, %square3A_58 : vector<512x512xf32>
    %sub3A_76 = arith.subf %square3A, %square3A_58 : vector<512x512xf32>
    %mul3A_77 = vector.broadcast %mul3A_74 : vector<1x512xf32> to vector<512x512xf32>
    %mul3A_78 = arith.mulf %sub3A_76, %mul3A_77 : vector<512x512xf32>
    %reduce_sum3A = arith.constant dense<0.000000e+00> : vector<512xf32>
    %reduce_sum3A_79 = vector.multi_reduction <add>, %mul3A_78, %reduce_sum3A [1] : vector<512x512xf32> to vector<512xf32>
    %mul3A_80 = vector.broadcast %mul3A_71 : vector<1x512xf32> to vector<512x512xf32>
    %mul3A_81 = arith.mulf %add3A_75, %mul3A_80 : vector<512x512xf32>
    %add3A_82 = arith.addf %mul3A_81, %mul3A_78 : vector<512x512xf32>
    %reduce_sum3A_83 = arith.constant dense<0.000000e+00> : vector<512xf32>
    %reduce_sum3A_84 = vector.multi_reduction <add>, %add3A_82, %reduce_sum3A_83 [1] : vector<512x512xf32> to vector<512xf32>
    %get3A_85 = arith.constant 0 : index
    %get3A_86 = vector.load %arg2[%get3A_85] : memref<512xi32, #tpu.memory_space<vmem>>, vector<512xi32>
    %convert_element_type3A_87 = arith.sitofp %get3A_86 : vector<512xi32> to vector<512xf32>
    %mul3A_88 = arith.constant 2.000000e+00 : f32
    %mul3A_89 = vector.broadcast %mul3A_88 : f32 to vector<512xf32>
    %mul3A_90 = arith.mulf %mul3A_89, %convert_element_type3A_87 : vector<512xf32>
    %mul3A_91 = arith.mulf %mul3A_90, %reduce_sum3A_79 : vector<512xf32>
    %sub3A_92 = arith.subf %reduce_sum3A_84, %mul3A_91 : vector<512xf32>
    %get3A_93 = arith.constant 0 : index
    %get3A_94 = arith.constant 0 : index
    %get3A_95 = vector.load %arg6[%get3A_93, %get3A_94] : memref<1x1xf32, #tpu.memory_space<vmem>>, vector<1x1xf32>
    %get3A_96 = vector.extract %get3A_95[0, 0] : f32 from vector<1x1xf32>
    %add3A_97 = vector.broadcast %get3A_96 : f32 to vector<512xf32>
    %add3A_98 = arith.addf %sub3A_92, %add3A_97 : vector<512xf32>
    %swap3A = arith.constant 0 : index
    %swap3A_99 = vector.load %arg7[%swap3A] : memref<512xf32, #tpu.memory_space<vmem>>, vector<512xf32>
    tpu.vector_store %arg7[%swap3A], %add3A_98 {strides = array<i32>} : memref<512xf32, #tpu.memory_space<vmem>>, vector<512xf32>,
    return
  }
  func.func @transform_0(%arg0: i32) -> (i32, i32) {
    %c0_i32 = arith.constant 0 : i32
    %c0_i32_0 = arith.constant 0 : i32
    return %arg0, %c0_i32 : i32, i32
  }
  func.func @transform_1(%arg0: i32) -> i32 {
    %c0_i32 = arith.constant 0 : i32
    return %arg0 : i32
  }
  func.func @transform_2(%arg0: i32) -> (i32, i32) {
    %c0_i32 = arith.constant 0 : i32
    %c0_i32_0 = arith.constant 0 : i32
    %c0_i32_1 = arith.constant 0 : i32
    return %c0_i32, %c0_i32_0 : i32, i32
  }
  func.func @transform_3(%arg0: i32) -> (i32, i32) {
    %c0_i32 = arith.constant 0 : i32
    %c0_i32_0 = arith.constant 0 : i32
    %c0_i32_1 = arith.constant 0 : i32
    return %c0_i32, %c0_i32_0 : i32, i32
  }
  func.func @transform_4(%arg0: i32) -> (i32, i32) {
    %c0_i32 = arith.constant 0 : i32
    %c0_i32_0 = arith.constant 0 : i32
    %c0_i32_1 = arith.constant 0 : i32
    return %c0_i32, %c0_i32_0 : i32, i32
  }
  func.func @transform_5(%arg0: i32) -> (i32, i32) {
    %c0_i32 = arith.constant 0 : i32
    %c0_i32_0 = arith.constant 0 : i32
    %c0_i32_1 = arith.constant 0 : i32
    return %c0_i32, %c0_i32_0 : i32, i32
  }
  func.func @transform_6(%arg0: i32) -> i32 {
    %c0_i32 = arith.constant 0 : i32
    return %arg0 : i32
  }
}

</mosaic_0001>

<sc_bundles>
// kernel: kernel.4.cloned.1.call-start
scs
__scs_entry_jumppad:
0x0: {  	(pc) =	sbr.rel $0x88, $3  }
0x1: {  	(tag) =	ssettag $0x0;
	lr =	simm.s32 $0x1  }
0x2: {  	[smem:$0x3F9A] =	sst lr;
	_ =	strace $0xD0000000  }
0x3: {  	_ = 	snop  }
0x4: {  	_ = 	snop  }
0x5: {  	_ = 	snop  }
0x6: {  	_ = 	snop  }
0x7: {  	_ = 	snop  }
__scs_overlays_trampoline_lowered:
0x8: {  	[smem:$0x3FA9] =	sst s0  }
0x9: {  	[smem:$0x3FAA] =	sst s1  }
0xa: {  	[smem:$0x3FAB] =	sst s2  }
0xb: {  	[smem:$0x3FAC] =	sst s3  }
0xc: {  	[smem:$0x3FAD] =	sst s4  }
0xd: {  	[smem:$0x3FAE] =	sst s5  }
0xe: {  	[smem:$0x3FAF] =	sst s6  }
0xf: {  	[smem:$0x3FB0] =	sst s7  }
0x10: {  	[smem:$0x3FB1] =	sst s8  }
0x11: {  	[smem:$0x3FB2] =	sst s9;
	s0 =	simm.s32 @!p0 $0x0  }
0x12: {  	s1 =	sld [smem:$0x3F98];
	s0 =	simm.s32 @p0 $0x1  }
0x13: {  	[smem:$0x3FB3] =	sst s0;
	s0 =	simm.s32 @!p1 $0x0  }
0x14: {  	s2 =	sld [smem:$0x3F97];
	s0 =	simm.s32 @p1 $0x1  }
0x15: {  	[smem:$0x3FB4] =	sst s0;
	s0 =	simm.s32 @!p2 $0x0  }
0x16: {  	s3 =	sld [smem:$0x3FDB];
	s0 =	simm.s32 @p2 $0x1  }
0x17: {  	s4 =	simm.s32 $0x1BF5;
	[smem:$0x3FB6] =	sst s0  }
0x18: {  	s0 =	sld [smem:$0x3F99];
	_ =	swait.ge [sflag:s4], $0x0  }
0x19: {  	s7 =	sld [smem:$0x3F9A]  }
0x1a: {  	s8 =	sadd.s32 $0xFFFFE003, lr  }
0x1b: {  	s9 =	sadd.s32 $0xFFFFFEF7, lr;
	s5 =	simm.s32 $0xFFFFFFFF;
	p2 =	slt.u32 s8, $0xFFFFF086  }
0x1c: {  	p1 =	slt.u32 s9, $0xF7A;
	s5 =	simm.s32 @!p2 $0x0  }
0x1d: {  	s5 =	simm.s32 @p1 $0x1;
	p0 =	seq.s32 s7, s2  }
0x1e: {  	s7 =	smul.u32 @!p0 $0xF7A, s2;
	p2 =	seq.s32 @!p0 s5, $0x0  }
0x1f: {  	s9 =	smul.u32 $0xF7A, s1;
	s8 =	simm.s32 @!p0 $0x1BF5;
	p2 =	por !p2, p0  }
0x20: {  	[sflag:s8] =	ssyncset.s32 @!p0 $0xFFFFF086;
	s6 =	sadd.s32 @!p0 s3, s7;
	s7 =	simm.s32 @!p0 $0x108  }
0x21: {  	s3 =	sadd.s32 s3, s9;
	s6 =	sadd.s32 @!p0 $0x88, s6;
	s7 =	simm.s32 @p2 $0x1082  }
0x22: {  	[simem:s7], [sflag:s8] =	dma.local @!p0 [hbm:s6], $0xF7A  }
0x23: {  	s9 =	sor.u32 $0xD0000000, s2;
	s6 =	simm.s32 $0x108;
	_ =	swait.ge @!p0 [sflag:s8], $0x0  }
0x24: {  	s3 =	sadd.s32 $0x88, s3;
	s6 =	simm.s32 @!p1 $0x1082;
	[sflag:s4] =	ssyncset.s32 $0xFFFFF086  }
0x25: {  	[simem:s6], [sflag:s4] =	dma.local [hbm:s3], $0xF7A  }
0x26: {  	[smem:$0x3F9A] =	sst s1;
	(tag) =	ssettag s2;
	_ =	strace s9  }
0x27: {  	s1 =	sld [smem:$0x3FAA]  }
0x28: {  	s2 =	sld [smem:$0x3FAB]  }
0x29: {  	s4 =	sld [smem:$0x3FAD]  }
0x2a: {  	p0 =	seq.s32 s5, $0x0;
	s5 =	sld [smem:$0x3FAE]  }
0x2b: {  	s6 =	sld [smem:$0x3FAF]  }
0x2c: {  	s7 =	sld [smem:$0x3FB0]  }
0x2d: {  	s3 =	simm.s32 $0x108;
	s8 =	sld [smem:$0x3FB1]  }
0x2e: {  	s3 =	simm.s32 @!p0 $0x1082;
	s9 =	sld [smem:$0x3FB2]  }
0x2f: {  	lr =	sadd.s32 s0, s3;
	s0 =	sld [smem:$0x3FA9]  }
0x30: {  	s3 =	sld [smem:$0x3FAC]  }
0x31: {  	[smem:$0x3FB5] =	sst s10  }
0x32: {  	s10 =	sld [smem:$0x3FB3];
	_ =	sdelay $0x3  }
0x33: {  	p0 =	seq.s32 s10, $0x1;
	s10 =	sld [smem:$0x3FB5];
	_ =	sdelay $0x3  }
0x34: {  	[smem:$0x3FB5] =	sst s10  }
0x35: {  	s10 =	sld [smem:$0x3FB4];
	_ =	sdelay $0x3  }
0x36: {  	p1 =	seq.s32 s10, $0x1;
	s10 =	sld [smem:$0x3FB5];
	_ =	sdelay $0x3  }
0x37: {  	[smem:$0x3FB5] =	sst s10  }
0x38: {  	s10 =	sld [smem:$0x3FB6]  }
0x39: {  	_ = 	snop;
	(pc) =	sbr.ind lr, $3  }
0x3a: {  	_ = 	snop  }
0x3b: {  	_ = 	snop  }
0x3c: {  	p2 =	seq.s32 s10, $0x1;
	s10 =	sld [smem:$0x3FB5]  }
0x3d: {  	_ =	shalt  }
0x3e: {  	_ =	shalt  }
0x3f: {  	_ =	shalt  }
0x40: {  	_ =	shalt  }
0x41: {  	_ =	shalt  }
0x42: {  	_ =	shalt  }
0x43: {  	_ =	shalt  }
0x44: {  	_ =	shalt  }
0x45: {  	_ =	shalt  }
0x46: {  	_ =	shalt  }
0x47: {  	_ =	shalt  }
0x48: {  	_ =	shalt  }
0x49: {  	_ =	shalt  }
0x4a: {  	_ =	shalt  }
0x4b: {  	_ =	shalt  }
0x4c: {  	_ =	shalt  }
0x4d: {  	_ =	shalt  }
0x4e: {  	_ =	shalt  }
0x4f: {  	_ =	shalt  }
0x50: {  	_ =	shalt  }
0x51: {  	_ =	shalt  }
0x52: {  	_ =	shalt  }
0x53: {  	_ =	shalt  }
0x54: {  	_ =	shalt  }
0x55: {  	_ =	shalt  }
0x56: {  	_ =	shalt  }
0x57: {  	_ =	shalt  }
0x58: {  	_ =	shalt  }
0x59: {  	_ =	shalt  }
0x5a: {  	_ =	shalt  }
0x5b: {  	_ =	shalt  }
0x5c: {  	_ =	shalt  }
0x5d: {  	_ =	shalt  }
0x5e: {  	_ =	shalt  }
0x5f: {  	_ =	shalt  }
0x60: {  	_ =	shalt  }
0x61: {  	_ =	shalt  }
0x62: {  	_ =	shalt  }
0x63: {  	_ =	shalt  }
0x64: {  	_ =	shalt  }
0x65: {  	_ =	shalt  }
0x66: {  	_ =	shalt  }
0x67: {  	_ =	shalt  }
0x68: {  	_ =	shalt  }
0x69: {  	_ =	shalt  }
0x6a: {  	_ =	shalt  }
0x6b: {  	_ =	shalt  }
0x6c: {  	_ =	shalt  }
0x6d: {  	_ =	shalt  }
0x6e: {  	_ =	shalt  }
0x6f: {  	_ =	shalt  }
0x70: {  	_ =	shalt  }
0x71: {  	_ =	shalt  }
0x72: {  	_ =	shalt  }
0x73: {  	_ =	shalt  }
0x74: {  	_ =	shalt  }
0x75: {  	_ =	shalt  }
0x76: {  	_ =	shalt  }
0x77: {  	_ =	shalt  }
0x78: {  	_ =	shalt  }
0x79: {  	_ =	shalt  }
0x7a: {  	_ =	shalt  }
0x7b: {  	_ =	shalt  }
0x7c: {  	_ =	shalt  }
0x7d: {  	_ =	shalt  }
0x7e: {  	_ =	shalt  }
0x7f: {  	_ =	shalt  }
0x80: {  	_ =	shalt  }
0x81: {  	_ =	shalt  }
0x82: {  	_ =	shalt  }
0x83: {  	_ =	shalt  }
0x84: {  	_ =	shalt  }
0x85: {  	_ =	shalt  }
0x86: {  	_ =	shalt  }
0x87: {  	_ =	shalt  }
.Lfunc_end0:
.L_simem_size_0:
called_computation_lowered:
.L_overlay_start_0:
0x88: {  	s2 =	sld [smem:$0x3FD9]  }
0x89: {  	s3 =	sld [smem:$0x3FFE];
	_ =	sdelay $0x1  }
0x8a: {  	s1 =	srdreg.scid  }
0x8b: {  	s0 =	sand.u32 $0x1, s1  }
0x8c: {  	s17 =	sshll.u32 s0, $0xA;
	s2 =	sadd.s32 s3, s2  }
0x8d: {  	s2 =	sadd.s32 s2, s17  }
0x8e: {  	[smem:$0x3FC1] =	sst s2  }
0x8f: {  	_ = 	snop  }
0x90: {  	s2 =	sld [smem:$0x3FC9]  }
0x91: {  	s18 =	sld [smem:$0x3FC8];
	(tm) =	ssettm $0x1  }
0x92: {  	s4 =	sld [smem:$0x3FFB];
	_ =	sdelay $0x3  }
0x93: {  	_ =	strace s4  }
0x94: {  	s4 =	sld [smem:$0x3FFC];
	_ =	sdelay $0x3  }
0x95: {  	_ =	strace s4  }
0x96: {  	s4 =	sld [smem:$0x3FFD];
	_ =	sdelay $0x3  }
0x97: {  	_ =	strace s4  }
0x98: {  	_ =	strace $0x8FFFFFFF  }
0x99: {  	s19 =	sld [smem:$0x3FDB];
	_ =	sdelay $0x1  }
0x9a: {  	s5 =	simm.s32 $_scs_section_size  }
0x9b: {  	s6 =	simm.s32 $_size__tile_overlayer_lowered;
	s7 =	simm.s32 $_tile_overlayer_lowered  }
0x9c: {  	s22 =	simm.s32 $0x1BFF;
	s21 =	sshll.u32 s7, $0x1;
	s4 =	sadd.s32 s5, s19  }
0x9d: {  	s8 =	simm.s32 $0x0;
	s20 =	sshll.u32 s6, $0x1;
	s6 =	sadd.s32 s21, s4  }
0x9e: {  	[timem:s8], [sflag:s22] =	dma.local [hbm:s6], s20  }
0x9f: {  	_ =	swait.ge [sflag:s22], s20  }
0xa0: {  	s5 =	ssub.s32 $0x0, s20;
	[sflag:s22] =	ssyncset.done $0x0  }
0xa1: {  	[sflag:s22] =	ssyncadd.s32 s5;
	_ =	sdelay $0x1  }
0xa2: {  	s23 =	simm.s32 $0x1B8B  }
0xa3: {  	_ =	swait.ge [sflag:s23], $0x1  }
0xa4: {  	[sflag:s23] =	ssyncset.done $0x0  }
0xa5: {  	s25 =	simm.s32 $0x1B8E;
	s24 =	sld [smem:$0x3FFE];
	[sflag:s23] =	ssyncadd.s32 $0xFFFFFFFF  }
0xa6: {  	s26 =	simm.s32 $execute0_lowered;
	[smem:$0x3FD2] =	sst s25  }
0xa7: {  	s6 =	sshll.u32 s26, $0x1;
	_ =	strace $0x80000046;
	[dreg:$0x1] =	wrdreg $0xFFFFFFFF  }
0xa8: {  	s28 =	simm.s32 $_size_execute0_lowered;
	s4 =	sadd.s32 s4, s6;
	[dreg:$0x0] =	wrdreg $0x0  }
0xa9: {  	s6 =	sshll.u32 s28, $0x1;
	[dreg:$0x2] =	wrdreg s4  }
0xaa: {  	[dreg:$0x3] =	wrdreg s6  }
0xab: {  	[dreg:$0x4] =	wrdreg $0xC0  }
0xac: {  	_ =	task [dreg:s8], $0x5FFFF  }
0xad: {  	[dreg:$0x1] =	wrdreg $0xFFFFFFFF  }
0xae: {  	[dreg:$0x0] =	wrdreg $0x60  }
0xaf: {  	[dreg:$0x2] =	wrdreg s2  }
0xb0: {  	[dreg:$0x3] =	wrdreg s18  }
0xb1: {  	[dreg:$0x4] =	wrdreg s24  }
0xb2: {  	[dreg:$0x5] =	wrdreg $0x9  }
0xb3: {  	_ =	task.clear_ibuf [dreg:s8], $0x6FFFF;
	_ =	strace $0x90000046  }
0xb4: {  	s29 =	simm.s32 $0x9;
	_ =	strace $0x80000048  }
0xb5: {  	_ =	swait.ge [sflag:s29], $0x1  }
0xb6: {  	[sflag:s29] =	ssyncadd.s32 $0xFFFFFFFF  }
0xb7: {  	_ =	strace $0x90000048  }
0xb8: {  	_ =	sfence  }
0xb9: {  	s30 =	sld [smem:$0x0];
	_ =	sdelay $0x2  }
0xba: {  	s31 =	sshll.u32 s1, $0xD;
	s1 =	sshrl.u32 s1, $0x2  }
0xbb: {  	s3 =	sand.u32 $0x4000, s31;
	s1 =	sadd.s32 s1, s30  }
0xbc: {  	s0 =	sor.u32 s3, s0;
	s1 =	sshll.u32 s1, $0x11  }
0xbd: {  	s0 =	sor.u32 s1, s0  }
0xbe: {  	s0 =	sadd.s32 $0x8F2B, s0  }
0xbf: {  	[sflag:s0] =	ssyncadd.remote.s32 $0x1  }
0xc0: {  	_ =	sfence.sel $0xFFFF  }
0xc1: {  	[dreg:$0x0] =	wrdreg $0xFFFFFFFF;
	(pc) =	sbr.abs _section_cstart, $3  }
0xc2: {  	[dreg:$0x1] =	wrdreg $0xFFFFFFFF  }
0xc3: {  	_ =	task.clear_ibuf [dreg:s8], $0x2FFFF;
	_ =	strace $0x9FFFFFFF  }
0xc4: {  	(tm) =	ssettm $0x7FFFFFFF  }
0xc5: {  	_ =	shalt  }
tec
execute0_lowered:
.L_overlay_start_1:
0x0: {  	(tag) =	ssettag $0x1  }
0x1: {  	s3 =	rddreg [dreg:$0x0]  }
0x2: {  	s1 =	srdreg.scid;
	s4 =	rddreg [dreg:$0x1]  }
0x3: {  	s0 =	stileid.u32;
	s6 =	rddreg [dreg:$0x2]  }
0x4: {  	s2 =	simm.s32 $0x0;
	s9 =	simm.s32 $0x8000;
	s10 =	simm.s32 $0x1000  }
0x5: {  	s11 =	simm.s32 $0x3;
	s12 =	simm.s32 $0x2000;
	s13 =	simm.s32 $0xA000  }
0x6: {  	s14 =	simm.s32 $0x1;
	s15 =	simm.s32 $0x2;
	s5 =	sand.u32 $0x1, s1  }
0x7: {  	s7 =	sshll.u32 s0, $0x8;
	s1 =	rddreg [dreg:$0x3];
	s8 =	sshll.u32 s5, $0x7  }
0x8: {  	s16 =	simm.s32 $0x0;
	[smem:$0x7FF] =	sst s2;
	s7 =	sor.u32 s8, s7  }
0x9: {  	s5 =	ssub.s32 $0x2, s5;
	_ =	strace $0x80000047;
	s8 =	sshll.u32 s7, $0x6  }
0xa: {  	v2 =	vlaneseq.u32;
	s31 =	sshrl.u32 s5, $0x1;
	s3 =	sadd.s32 s3, s7;
	s6 =	sadd.s32 s8, s6  }
0xb: {  	v0 =	vimm.s32 $0x0;
	v3 =	vand.u32 $0x7, v2;
	s4 =	sadd.s32 s4, s7;
	s8 =	ssub.s32 s5, s31;
	s5 =	sadd.s32 $0xE00, s6  }
0xc: {  	v1 =	vimm.s32 $0x1;
	v2 =	vmul.u32 $0x200, v2;
	v3 =	vmul.u32 $0x80, v3;
	s6 =	sadd.s32 $0x1E00, s6;
	s7 =	smax.u32 s8, $0x1;
	s8 =	simm.s32 $0x400  }
.LBB2_1:
0xd: {  	[tilespmem:s2], [sflag:$0x3] =	stream.strided.gather [hbm4b:s3+s8], $0x1000, s9, s8, $0x38;
	[tilespmem:$0x12000] =	vst v63  }
0xe: {  	s17 =	sand.u32 $0x7000, s2;
	s18 =	sand.u32 $0x380, s2  }
0xf: {  	s17 =	sor.u32 s18, s17  }
0x10: {  	[tilespmem:s10], [sflag:$0x3] =	stream.strided.gather [hbm4b:s4+s8], $0x1000, s9, s8, $0x38;
	[tilespmem:$0x12000] =	vst v63  }
0x11: {  	[tilespmem:s17+$0x2C70] =	vst v0  }
0x12: {  	[tilespmem:s17+$0x2000] =	vst v0  }
0x13: {  	[tilespmem:s17+$0x2010] =	vst v0  }
0x14: {  	[tilespmem:s17+$0x2020] =	vst v0  }
0x15: {  	[tilespmem:s17+$0x2030] =	vst v0  }
0x16: {  	[tilespmem:s17+$0x2040] =	vst v0  }
0x17: {  	[tilespmem:s17+$0x2050] =	vst v0  }
0x18: {  	[tilespmem:s17+$0x2060] =	vst v0  }
0x19: {  	[tilespmem:s17+$0x2070] =	vst v0  }
0x1a: {  	[tilespmem:s17+$0x2400] =	vst v0  }
0x1b: {  	[tilespmem:s17+$0x2410] =	vst v0  }
0x1c: {  	[tilespmem:s17+$0x2420] =	vst v0  }
0x1d: {  	[tilespmem:s17+$0x2430] =	vst v0  }
0x1e: {  	[tilespmem:s17+$0x2440] =	vst v0  }
0x1f: {  	[tilespmem:s17+$0x2450] =	vst v0  }
0x20: {  	[tilespmem:s17+$0x2460] =	vst v0  }
0x21: {  	[tilespmem:s17+$0x2470] =	vst v0  }
0x22: {  	[tilespmem:s17+$0x2800] =	vst v0  }
0x23: {  	[tilespmem:s17+$0x2810] =	vst v0  }
0x24: {  	[tilespmem:s17+$0x2820] =	vst v0  }
0x25: {  	[tilespmem:s17+$0x2830] =	vst v0  }
0x26: {  	[tilespmem:s17+$0x2840] =	vst v0  }
0x27: {  	[tilespmem:s17+$0x2850] =	vst v0  }
0x28: {  	[tilespmem:s17+$0x2860] =	vst v0  }
0x29: {  	[tilespmem:s17+$0x2870] =	vst v0  }
0x2a: {  	[tilespmem:s17+$0x2C00] =	vst v0  }
0x2b: {  	[tilespmem:s17+$0x2C10] =	vst v0  }
0x2c: {  	[tilespmem:s17+$0x2C20] =	vst v0  }
0x2d: {  	[tilespmem:s17+$0x2C30] =	vst v0  }
0x2e: {  	s19 =	simm.s32 $0x200;
	s18 =	simm.s32 $0x80;
	[tilespmem:s17+$0x2C40] =	vst v0  }
0x2f: {  	s20 =	sand.u32 $0x7000, s19;
	s19 =	simm.s32 $0x400;
	s21 =	sand.u32 $0x380, s18;
	[tilespmem:s17+$0x2C50] =	vst v0  }
.LBB2_2:
0x30: {  	p0 =	sne.s32 s19, $0x7E00;
	[tilespmem:s17+$0x2C60] =	vst v0;
	s17 =	sor.u32 s21, s20  }
0x31: {  	[tilespmem:s17+$0x2C70] =	vst v0  }
0x32: {  	[tilespmem:s17+$0x2000] =	vst v0  }
0x33: {  	[tilespmem:s17+$0x2010] =	vst v0  }
0x34: {  	[tilespmem:s17+$0x2020] =	vst v0  }
0x35: {  	[tilespmem:s17+$0x2030] =	vst v0  }
0x36: {  	[tilespmem:s17+$0x2040] =	vst v0  }
0x37: {  	[tilespmem:s17+$0x2050] =	vst v0  }
0x38: {  	[tilespmem:s17+$0x2060] =	vst v0  }
0x39: {  	[tilespmem:s17+$0x2070] =	vst v0  }
0x3a: {  	[tilespmem:s17+$0x2400] =	vst v0  }
0x3b: {  	[tilespmem:s17+$0x2410] =	vst v0  }
0x3c: {  	[tilespmem:s17+$0x2420] =	vst v0  }
0x3d: {  	[tilespmem:s17+$0x2430] =	vst v0  }
0x3e: {  	[tilespmem:s17+$0x2440] =	vst v0  }
0x3f: {  	[tilespmem:s17+$0x2450] =	vst v0  }
0x40: {  	[tilespmem:s17+$0x2460] =	vst v0  }
0x41: {  	[tilespmem:s17+$0x2470] =	vst v0  }
0x42: {  	[tilespmem:s17+$0x2800] =	vst v0  }
0x43: {  	[tilespmem:s17+$0x2810] =	vst v0  }
0x44: {  	[tilespmem:s17+$0x2820] =	vst v0  }
0x45: {  	[tilespmem:s17+$0x2830] =	vst v0  }
0x46: {  	[tilespmem:s17+$0x2840] =	vst v0  }
0x47: {  	[tilespmem:s17+$0x2850] =	vst v0  }
0x48: {  	[tilespmem:s17+$0x2860] =	vst v0  }
0x49: {  	[tilespmem:s17+$0x2870] =	vst v0  }
0x4a: {  	[tilespmem:s17+$0x2C00] =	vst v0  }
.Ltmp0:
0x4b: {  	[tilespmem:s17+$0x2C10] =	vst v0;
	(pc) =	sbr.rel @p0 .LBB2_2-.Ltmp0, $4  }
0x4c: {  	[tilespmem:s17+$0x2C20] =	vst v0  }
0x4d: {  	[tilespmem:s17+$0x2C30] =	vst v0  }
0x4e: {  	s18 =	sadd.s32 $0x80, s18;
	[tilespmem:s17+$0x2C40] =	vst v0  }
0x4f: {  	s20 =	sand.u32 $0x7000, s19;
	s19 =	sadd.s32 $0x200, s19;
	s21 =	sand.u32 $0x380, s18;
	[tilespmem:s17+$0x2C50] =	vst v0  }
0x50: {  	s18 =	sor.u32 s21, s20;
	[tilespmem:s17+$0x2C60] =	vst v0  }
0x51: {  	[tilespmem:s18+$0x2C70] =	vst v0  }
0x52: {  	[tilespmem:s18+$0x2000] =	vst v0  }
0x53: {  	[tilespmem:s18+$0x2010] =	vst v0  }
0x54: {  	[tilespmem:s18+$0x2020] =	vst v0  }
0x55: {  	[tilespmem:s18+$0x2030] =	vst v0  }
0x56: {  	[tilespmem:s18+$0x2040] =	vst v0  }
0x57: {  	[tilespmem:s18+$0x2050] =	vst v0  }
0x58: {  	[tilespmem:s18+$0x2060] =	vst v0  }
0x59: {  	[tilespmem:s18+$0x2070] =	vst v0  }
0x5a: {  	[tilespmem:s18+$0x2400] =	vst v0  }
0x5b: {  	[tilespmem:s18+$0x2410] =	vst v0  }
0x5c: {  	[tilespmem:s18+$0x2420] =	vst v0  }
0x5d: {  	[tilespmem:s18+$0x2430] =	vst v0  }
0x5e: {  	[tilespmem:s18+$0x2440] =	vst v0  }
0x5f: {  	[tilespmem:s18+$0x2450] =	vst v0  }
0x60: {  	[tilespmem:s18+$0x2460] =	vst v0  }
0x61: {  	[tilespmem:s18+$0x2470] =	vst v0  }
0x62: {  	[tilespmem:s18+$0x2800] =	vst v0  }
0x63: {  	[tilespmem:s18+$0x2810] =	vst v0  }
0x64: {  	[tilespmem:s18+$0x2820] =	vst v0  }
0x65: {  	[tilespmem:s18+$0x2830] =	vst v0  }
0x66: {  	[tilespmem:s18+$0x2840] =	vst v0  }
0x67: {  	[tilespmem:s18+$0x2850] =	vst v0  }
0x68: {  	[tilespmem:s18+$0x2860] =	vst v0  }
0x69: {  	[tilespmem:s18+$0x2870] =	vst v0  }
0x6a: {  	[tilespmem:s18+$0x2C00] =	vst v0  }
0x6b: {  	[tilespmem:s18+$0x2C10] =	vst v0  }
0x6c: {  	[tilespmem:s18+$0x2C20] =	vst v0  }
0x6d: {  	[tilespmem:s18+$0x2C30] =	vst v0  }
0x6e: {  	[tilespmem:s18+$0x2C40] =	vst v0  }
0x6f: {  	[tilespmem:s18+$0x2C50] =	vst v0  }
0x70: {  	[tilespmem:s18+$0x2C60] =	vst v0  }
0x71: {  	_ =	swait.ge [sflag:s11], $0x1000  }
0x72: {  	[sflag:s11] =	ssyncset.done $0x0  }
0x73: {  	[sflag:s11] =	ssyncadd.s32 $0xFFFFF000  }
0x74: {  	_ =	swait.ge [sflag:s11], $0x1000  }
0x75: {  	s17 =	simm.s32 $0x0;
	[sflag:s11] =	ssyncset.done $0x0  }
0x76: {  	s19 =	simm.s32 $0x800;
	s18 =	simm.s32 $0x1800;
	[sflag:s11] =	ssyncadd.s32 $0xFFFFF000  }
.LBB2_4:
0x77: {  	v5 =	vld [tilespmem:s19+$0xFFFFF800];
	_ =	sdelay $0x2  }
0x78: {  	v4 =	vmov s17  }
0x79: {  	v4 =	vshll.u32 v4, $0x9  }
0x7a: {  	v4 =	vor.u32 v2, v4;
	v6 =	vshll.u32 v5, $0x3  }
0x7b: {  	v4 =	vand.u32 $0x7000, v4;
	v7 =	vand.u32 $0x7F, v5;
	v6 =	vand.u32 $0xC00, v6  }
0x7c: {  	v4 =	vor.u32 v3, v4;
	v6 =	vor.u32 v6, v7  }
0x7d: {  	v6 =	vor.u32 v4, v6;
	_ =	sdelay $0x1  }
0x7e: {  	v5 =	vshra.s32 v5, $0x6  }
0x7f: {  	v5 =	vand.u32 $0xFFFFFFF8, v5  }
0x80: {  	v5 =	vshll.u32 v1, v5  }
0x81: {  	[tilespmem:v6+s12+$0x0] =	vst.idx.add.s32.msk $0xffff, v5  }
0x82: {  	v5 =	vld [tilespmem:s18+$0xFFFFF800];
	_ =	sdelay $0x4  }
0x83: {  	v48 =	vshll.u32 v5, $0x3  }
0x84: {  	v49 =	vand.u32 $0x7F, v5;
	v6 =	vand.u32 $0xC00, v48  }
0x85: {  	v6 =	vor.u32 v6, v49  }
0x86: {  	v6 =	vor.u32 v4, v6  }
0x87: {  	v5 =	vadd.s32 $0x400, v5  }
0x88: {  	v5 =	vshra.s32 v5, $0x6  }
0x89: {  	v5 =	vand.u32 $0xFFFFFFF8, v5  }
0x8a: {  	v5 =	vshll.u32 v1, v5  }
0x8b: {  	[tilespmem:v6+s12+$0x0] =	vst.idx.add.s32.msk $0xffff, v5  }
0x8c: {  	v5 =	vld [tilespmem:s19+$0xFFFFF880];
	_ =	sdelay $0x4  }
0x8d: {  	v50 =	vshll.u32 v5, $0x3  }
0x8e: {  	v51 =	vand.u32 $0x7F, v5;
	v6 =	vand.u32 $0xC00, v50  }
0x8f: {  	v6 =	vor.u32 v6, v51  }
0x90: {  	v6 =	vor.u32 v4, v6;
	_ =	sdelay $0x1  }
0x91: {  	v5 =	vshra.s32 v5, $0x6  }
0x92: {  	v5 =	vand.u32 $0xFFFFFFF8, v5  }
0x93: {  	v5 =	vshll.u32 v1, v5  }
0x94: {  	[tilespmem:v6+s12+$0x0] =	vst.idx.add.s32.msk $0xffff, v5  }
0x95: {  	v5 =	vld [tilespmem:s18+$0xFFFFF880];
	_ =	sdelay $0x4  }
0x96: {  	v52 =	vshll.u32 v5, $0x3  }
0x97: {  	v53 =	vand.u32 $0x7F, v5;
	v6 =	vand.u32 $0xC00, v52  }
0x98: {  	v6 =	vor.u32 v6, v53  }
0x99: {  	v6 =	vor.u32 v4, v6  }
0x9a: {  	v5 =	vadd.s32 $0x400, v5  }
0x9b: {  	v5 =	vshra.s32 v5, $0x6  }
0x9c: {  	v5 =	vand.u32 $0xFFFFFFF8, v5  }
0x9d: {  	v5 =	vshll.u32 v1, v5  }
0x9e: {  	[tilespmem:v6+s12+$0x0] =	vst.idx.add.s32.msk $0xffff, v5  }
0x9f: {  	v5 =	vld [tilespmem:s19+$0xFFFFF900];
	_ =	sdelay $0x4  }
0xa0: {  	v54 =	vshll.u32 v5, $0x3  }
0xa1: {  	v55 =	vand.u32 $0x7F, v5;
	v6 =	vand.u32 $0xC00, v54  }
0xa2: {  	v6 =	vor.u32 v6, v55  }
0xa3: {  	v6 =	vor.u32 v4, v6;
	_ =	sdelay $0x1  }
0xa4: {  	v5 =	vshra.s32 v5, $0x6  }
0xa5: {  	v5 =	vand.u32 $0xFFFFFFF8, v5  }
0xa6: {  	v5 =	vshll.u32 v1, v5  }
0xa7: {  	[tilespmem:v6+s12+$0x0] =	vst.idx.add.s32.msk $0xffff, v5  }
0xa8: {  	v5 =	vld [tilespmem:s18+$0xFFFFF900];
	_ =	sdelay $0x4  }
0xa9: {  	v56 =	vshll.u32 v5, $0x3  }
0xaa: {  	v57 =	vand.u32 $0x7F, v5;
	v6 =	vand.u32 $0xC00, v56  }
0xab: {  	v6 =	vor.u32 v6, v57  }
0xac: {  	v6 =	vor.u32 v4, v6  }
0xad: {  	v5 =	vadd.s32 $0x400, v5  }
0xae: {  	v5 =	vshra.s32 v5, $0x6  }
0xaf: {  	v5 =	vand.u32 $0xFFFFFFF8, v5  }
0xb0: {  	v5 =	vshll.u32 v1, v5  }
0xb1: {  	[tilespmem:v6+s12+$0x0] =	vst.idx.add.s32.msk $0xffff, v5  }
0xb2: {  	v5 =	vld [tilespmem:s19+$0xFFFFF980];
	_ =	sdelay $0x4  }
0xb3: {  	v58 =	vshll.u32 v5, $0x3  }
0xb4: {  	v59 =	vand.u32 $0x7F, v5;
	v6 =	vand.u32 $0xC00, v58  }
0xb5: {  	v6 =	vor.u32 v6, v59  }
0xb6: {  	v6 =	vor.u32 v4, v6;
	_ =	sdelay $0x1  }
0xb7: {  	v5 =	vshra.s32 v5, $0x6  }
0xb8: {  	v5 =	vand.u32 $0xFFFFFFF8, v5  }
0xb9: {  	v5 =	vshll.u32 v1, v5  }
0xba: {  	[tilespmem:v6+s12+$0x0] =	vst.idx.add.s32.msk $0xffff, v5  }
0xbb: {  	v5 =	vld [tilespmem:s18+$0xFFFFF980];
	_ =	sdelay $0x4  }
0xbc: {  	v60 =	vshll.u32 v5, $0x3  }
0xbd: {  	v61 =	vand.u32 $0x7F, v5;
	v6 =	vand.u32 $0xC00, v60  }
0xbe: {  	v6 =	vor.u32 v6, v61  }
0xbf: {  	v6 =	vor.u32 v4, v6  }
0xc0: {  	v5 =	vadd.s32 $0x400, v5  }
0xc1: {  	v5 =	vshra.s32 v5, $0x6  }
0xc2: {  	v5 =	vand.u32 $0xFFFFFFF8, v5  }
0xc3: {  	v5 =	vshll.u32 v1, v5  }
0xc4: {  	[tilespmem:v6+s12+$0x0] =	vst.idx.add.s32.msk $0xffff, v5  }
0xc5: {  	v5 =	vld [tilespmem:s19+$0xFFFFFA00];
	_ =	sdelay $0x4  }
0xc6: {  	v62 =	vshll.u32 v5, $0x3  }
0xc7: {  	v63 =	vand.u32 $0x7F, v5;
	v6 =	vand.u32 $0xC00, v62  }
0xc8: {  	v6 =	vor.u32 v6, v63  }
0xc9: {  	v6 =	vor.u32 v4, v6;
	_ =	sdelay $0x1  }
0xca: {  	v5 =	vshra.s32 v5, $0x6  }
0xcb: {  	v5 =	vand.u32 $0xFFFFFFF8, v5  }
0xcc: {  	v5 =	vshll.u32 v1, v5  }
0xcd: {  	[tilespmem:v6+s12+$0x0] =	vst.idx.add.s32.msk $0xffff, v5  }
0xce: {  	v5 =	vld [tilespmem:s18+$0xFFFFFA00];
	_ =	sdelay $0x4  }
0xcf: {  	v9 =	vshll.u32 v5, $0x3  }
0xd0: {  	v10 =	vand.u32 $0x7F, v5;
	v6 =	vand.u32 $0xC00, v9  }
0xd1: {  	v6 =	vor.u32 v6, v10  }
0xd2: {  	v6 =	vor.u32 v4, v6  }
0xd3: {  	v5 =	vadd.s32 $0x400, v5  }
0xd4: {  	v5 =	vshra.s32 v5, $0x6  }
0xd5: {  	v5 =	vand.u32 $0xFFFFFFF8, v5  }
0xd6: {  	v5 =	vshll.u32 v1, v5  }
0xd7: {  	[tilespmem:v6+s12+$0x0] =	vst.idx.add.s32.msk $0xffff, v5  }
0xd8: {  	v5 =	vld [tilespmem:s19+$0xFFFFFA80];
	_ =	sdelay $0x4  }
0xd9: {  	v11 =	vshll.u32 v5, $0x3  }
0xda: {  	v12 =	vand.u32 $0x7F, v5;
	v6 =	vand.u32 $0xC00, v11  }
0xdb: {  	v6 =	vor.u32 v6, v12  }
0xdc: {  	v6 =	vor.u32 v4, v6;
	_ =	sdelay $0x1  }
0xdd: {  	v5 =	vshra.s32 v5, $0x6  }
0xde: {  	v5 =	vand.u32 $0xFFFFFFF8, v5  }
0xdf: {  	v5 =	vshll.u32 v1, v5  }
0xe0: {  	[tilespmem:v6+s12+$0x0] =	vst.idx.add.s32.msk $0xffff, v5  }
0xe1: {  	v5 =	vld [tilespmem:s18+$0xFFFFFA80];
	_ =	sdelay $0x4  }
0xe2: {  	v13 =	vshll.u32 v5, $0x3  }
0xe3: {  	v14 =	vand.u32 $0x7F, v5;
	v6 =	vand.u32 $0xC00, v13  }
0xe4: {  	v6 =	vor.u32 v6, v14  }
0xe5: {  	v6 =	vor.u32 v4, v6  }
0xe6: {  	v5 =	vadd.s32 $0x400, v5  }
0xe7: {  	v5 =	vshra.s32 v5, $0x6  }
0xe8: {  	v5 =	vand.u32 $0xFFFFFFF8, v5  }
0xe9: {  	v5 =	vshll.u32 v1, v5  }
0xea: {  	[tilespmem:v6+s12+$0x0] =	vst.idx.add.s32.msk $0xffff, v5  }
0xeb: {  	v5 =	vld [tilespmem:s19+$0xFFFFFB00];
	_ =	sdelay $0x4  }
0xec: {  	v15 =	vshll.u32 v5, $0x3  }
0xed: {  	v16 =	vand.u32 $0x7F, v5;
	v6 =	vand.u32 $0xC00, v15  }
0xee: {  	v6 =	vor.u32 v6, v16  }
0xef: {  	v6 =	vor.u32 v4, v6;
	_ =	sdelay $0x1  }
0xf0: {  	v5 =	vshra.s32 v5, $0x6  }
0xf1: {  	v5 =	vand.u32 $0xFFFFFFF8, v5  }
0xf2: {  	v5 =	vshll.u32 v1, v5  }
0xf3: {  	[tilespmem:v6+s12+$0x0] =	vst.idx.add.s32.msk $0xffff, v5  }
0xf4: {  	v5 =	vld [tilespmem:s18+$0xFFFFFB00];
	_ =	sdelay $0x4  }
0xf5: {  	v17 =	vshll.u32 v5, $0x3  }
0xf6: {  	v18 =	vand.u32 $0x7F, v5;
	v6 =	vand.u32 $0xC00, v17  }
0xf7: {  	v6 =	vor.u32 v6, v18  }
0xf8: {  	v6 =	vor.u32 v4, v6  }
0xf9: {  	v5 =	vadd.s32 $0x400, v5  }
0xfa: {  	v5 =	vshra.s32 v5, $0x6  }
0xfb: {  	v5 =	vand.u32 $0xFFFFFFF8, v5  }
0xfc: {  	v5 =	vshll.u32 v1, v5  }
0xfd: {  	[tilespmem:v6+s12+$0x0] =	vst.idx.add.s32.msk $0xffff, v5  }
0xfe: {  	v5 =	vld [tilespmem:s19+$0xFFFFFB80];
	_ =	sdelay $0x4  }
0xff: {  	v19 =	vshll.u32 v5, $0x3  }
0x100: {  	v20 =	vand.u32 $0x7F, v5;
	v6 =	vand.u32 $0xC00, v19  }
0x101: {  	v6 =	vor.u32 v6, v20  }
0x102: {  	v6 =	vor.u32 v4, v6;
	_ =	sdelay $0x1  }
0x103: {  	v5 =	vshra.s32 v5, $0x6  }
0x104: {  	v5 =	vand.u32 $0xFFFFFFF8, v5  }
0x105: {  	v5 =	vshll.u32 v1, v5  }
0x106: {  	[tilespmem:v6+s12+$0x0] =	vst.idx.add.s32.msk $0xffff, v5  }
0x107: {  	v5 =	vld [tilespmem:s18+$0xFFFFFB80];
	_ =	sdelay $0x4  }
0x108: {  	v21 =	vshll.u32 v5, $0x3  }
0x109: {  	v22 =	vand.u32 $0x7F, v5;
	v6 =	vand.u32 $0xC00, v21  }
0x10a: {  	v6 =	vor.u32 v6, v22  }
0x10b: {  	v6 =	vor.u32 v4, v6  }
0x10c: {  	v5 =	vadd.s32 $0x400, v5  }
0x10d: {  	v5 =	vshra.s32 v5, $0x6  }
0x10e: {  	v5 =	vand.u32 $0xFFFFFFF8, v5  }
0x10f: {  	v5 =	vshll.u32 v1, v5  }
0x110: {  	[tilespmem:v6+s12+$0x0] =	vst.idx.add.s32.msk $0xffff, v5  }
0x111: {  	v5 =	vld [tilespmem:s19+$0xFFFFFC00];
	_ =	sdelay $0x4  }
0x112: {  	v23 =	vshll.u32 v5, $0x3  }
0x113: {  	v24 =	vand.u32 $0x7F, v5;
	v6 =	vand.u32 $0xC00, v23  }
0x114: {  	v6 =	vor.u32 v6, v24  }
0x115: {  	v6 =	vor.u32 v4, v6;
	_ =	sdelay $0x1  }
0x116: {  	v5 =	vshra.s32 v5, $0x6  }
0x117: {  	v5 =	vand.u32 $0xFFFFFFF8, v5  }
0x118: {  	v5 =	vshll.u32 v1, v5  }
0x119: {  	[tilespmem:v6+s12+$0x0] =	vst.idx.add.s32.msk $0xffff, v5  }
0x11a: {  	v5 =	vld [tilespmem:s18+$0xFFFFFC00];
	_ =	sdelay $0x4  }
0x11b: {  	v25 =	vshll.u32 v5, $0x3  }
0x11c: {  	v26 =	vand.u32 $0x7F, v5;
	v6 =	vand.u32 $0xC00, v25  }
0x11d: {  	v6 =	vor.u32 v6, v26  }
0x11e: {  	v6 =	vor.u32 v4, v6  }
0x11f: {  	v5 =	vadd.s32 $0x400, v5  }
0x120: {  	v5 =	vshra.s32 v5, $0x6  }
0x121: {  	v5 =	vand.u32 $0xFFFFFFF8, v5  }
0x122: {  	v5 =	vshll.u32 v1, v5  }
0x123: {  	[tilespmem:v6+s12+$0x0] =	vst.idx.add.s32.msk $0xffff, v5  }
0x124: {  	v5 =	vld [tilespmem:s19+$0xFFFFFC80];
	_ =	sdelay $0x4  }
0x125: {  	v27 =	vshll.u32 v5, $0x3  }
0x126: {  	v28 =	vand.u32 $0x7F, v5;
	v6 =	vand.u32 $0xC00, v27  }
0x127: {  	v6 =	vor.u32 v6, v28  }
0x128: {  	v6 =	vor.u32 v4, v6;
	_ =	sdelay $0x1  }
0x129: {  	v5 =	vshra.s32 v5, $0x6  }
0x12a: {  	v5 =	vand.u32 $0xFFFFFFF8, v5  }
0x12b: {  	v5 =	vshll.u32 v1, v5  }
0x12c: {  	[tilespmem:v6+s12+$0x0] =	vst.idx.add.s32.msk $0xffff, v5  }
0x12d: {  	v5 =	vld [tilespmem:s18+$0xFFFFFC80];
	_ =	sdelay $0x4  }
0x12e: {  	v29 =	vshll.u32 v5, $0x3  }
0x12f: {  	v30 =	vand.u32 $0x7F, v5;
	v6 =	vand.u32 $0xC00, v29  }
0x130: {  	v6 =	vor.u32 v6, v30  }
0x131: {  	v6 =	vor.u32 v4, v6  }
0x132: {  	v5 =	vadd.s32 $0x400, v5  }
0x133: {  	v5 =	vshra.s32 v5, $0x6  }
0x134: {  	v5 =	vand.u32 $0xFFFFFFF8, v5  }
0x135: {  	v5 =	vshll.u32 v1, v5  }
0x136: {  	[tilespmem:v6+s12+$0x0] =	vst.idx.add.s32.msk $0xffff, v5  }
0x137: {  	v5 =	vld [tilespmem:s19+$0xFFFFFD00];
	_ =	sdelay $0x4  }
0x138: {  	v31 =	vshll.u32 v5, $0x3  }
0x139: {  	v32 =	vand.u32 $0x7F, v5;
	v6 =	vand.u32 $0xC00, v31  }
0x13a: {  	v6 =	vor.u32 v6, v32  }
0x13b: {  	v6 =	vor.u32 v4, v6;
	_ =	sdelay $0x1  }
0x13c: {  	v5 =	vshra.s32 v5, $0x6  }
0x13d: {  	v5 =	vand.u32 $0xFFFFFFF8, v5  }
0x13e: {  	v5 =	vshll.u32 v1, v5  }
0x13f: {  	[tilespmem:v6+s12+$0x0] =	vst.idx.add.s32.msk $0xffff, v5  }
0x140: {  	v5 =	vld [tilespmem:s18+$0xFFFFFD00];
	_ =	sdelay $0x4  }
0x141: {  	v33 =	vshll.u32 v5, $0x3  }
0x142: {  	v34 =	vand.u32 $0x7F, v5;
	v6 =	vand.u32 $0xC00, v33  }
0x143: {  	v6 =	vor.u32 v6, v34  }
0x144: {  	v6 =	vor.u32 v4, v6  }
0x145: {  	v5 =	vadd.s32 $0x400, v5  }
0x146: {  	v5 =	vshra.s32 v5, $0x6  }
0x147: {  	v5 =	vand.u32 $0xFFFFFFF8, v5  }
0x148: {  	v5 =	vshll.u32 v1, v5  }
0x149: {  	[tilespmem:v6+s12+$0x0] =	vst.idx.add.s32.msk $0xffff, v5  }
0x14a: {  	v5 =	vld [tilespmem:s19+$0xFFFFFD80];
	_ =	sdelay $0x4  }
0x14b: {  	v35 =	vshll.u32 v5, $0x3  }
0x14c: {  	v36 =	vand.u32 $0x7F, v5;
	v6 =	vand.u32 $0xC00, v35  }
0x14d: {  	v6 =	vor.u32 v6, v36  }
0x14e: {  	v6 =	vor.u32 v4, v6;
	_ =	sdelay $0x1  }
0x14f: {  	v5 =	vshra.s32 v5, $0x6  }
0x150: {  	v5 =	vand.u32 $0xFFFFFFF8, v5  }
0x151: {  	v5 =	vshll.u32 v1, v5  }
0x152: {  	[tilespmem:v6+s12+$0x0] =	vst.idx.add.s32.msk $0xffff, v5  }
0x153: {  	v5 =	vld [tilespmem:s18+$0xFFFFFD80];
	_ =	sdelay $0x4  }
0x154: {  	v37 =	vshll.u32 v5, $0x3  }
0x155: {  	v38 =	vand.u32 $0x7F, v5;
	v6 =	vand.u32 $0xC00, v37  }
0x156: {  	v6 =	vor.u32 v6, v38  }
0x157: {  	v6 =	vor.u32 v4, v6  }
0x158: {  	v5 =	vadd.s32 $0x400, v5  }
0x159: {  	v5 =	vshra.s32 v5, $0x6  }
0x15a: {  	v5 =	vand.u32 $0xFFFFFFF8, v5  }
0x15b: {  	v5 =	vshll.u32 v1, v5  }
0x15c: {  	[tilespmem:v6+s12+$0x0] =	vst.idx.add.s32.msk $0xffff, v5  }
0x15d: {  	v5 =	vld [tilespmem:s19+$0xFFFFFE00];
	_ =	sdelay $0x4  }
0x15e: {  	v39 =	vshll.u32 v5, $0x3  }
0x15f: {  	v40 =	vand.u32 $0x7F, v5;
	v6 =	vand.u32 $0xC00, v39  }
0x160: {  	v6 =	vor.u32 v6, v40  }
0x161: {  	v6 =	vor.u32 v4, v6;
	_ =	sdelay $0x1  }
0x162: {  	v5 =	vshra.s32 v5, $0x6  }
0x163: {  	v5 =	vand.u32 $0xFFFFFFF8, v5  }
0x164: {  	v5 =	vshll.u32 v1, v5  }
0x165: {  	[tilespmem:v6+s12+$0x0] =	vst.idx.add.s32.msk $0xffff, v5  }
0x166: {  	v5 =	vld [tilespmem:s18+$0xFFFFFE00];
	_ =	sdelay $0x4  }
0x167: {  	v41 =	vshll.u32 v5, $0x3  }
0x168: {  	v42 =	vand.u32 $0x7F, v5;
	v6 =	vand.u32 $0xC00, v41  }
0x169: {  	v6 =	vor.u32 v6, v42  }
0x16a: {  	v6 =	vor.u32 v4, v6  }
0x16b: {  	v5 =	vadd.s32 $0x400, v5  }
0x16c: {  	v5 =	vshra.s32 v5, $0x6  }
0x16d: {  	v5 =	vand.u32 $0xFFFFFFF8, v5  }
0x16e: {  	v5 =	vshll.u32 v1, v5  }
0x16f: {  	[tilespmem:v6+s12+$0x0] =	vst.idx.add.s32.msk $0xffff, v5  }
0x170: {  	v5 =	vld [tilespmem:s19+$0xFFFFFE80];
	_ =	sdelay $0x4  }
0x171: {  	v43 =	vshll.u32 v5, $0x3  }
0x172: {  	v44 =	vand.u32 $0x7F, v5;
	v6 =	vand.u32 $0xC00, v43  }
0x173: {  	v6 =	vor.u32 v6, v44  }
0x174: {  	v6 =	vor.u32 v4, v6;
	_ =	sdelay $0x1  }
0x175: {  	v5 =	vshra.s32 v5, $0x6  }
0x176: {  	v5 =	vand.u32 $0xFFFFFFF8, v5  }
0x177: {  	v5 =	vshll.u32 v1, v5  }
0x178: {  	[tilespmem:v6+s12+$0x0] =	vst.idx.add.s32.msk $0xffff, v5  }
0x179: {  	v5 =	vld [tilespmem:s18+$0xFFFFFE80];
	_ =	sdelay $0x4  }
0x17a: {  	v45 =	vshll.u32 v5, $0x3  }
0x17b: {  	v46 =	vand.u32 $0x7F, v5;
	v6 =	vand.u32 $0xC00, v45  }
0x17c: {  	v6 =	vor.u32 v6, v46  }
0x17d: {  	v6 =	vor.u32 v4, v6  }
0x17e: {  	v5 =	vadd.s32 $0x400, v5  }
0x17f: {  	v5 =	vshra.s32 v5, $0x6  }
0x180: {  	v5 =	vand.u32 $0xFFFFFFF8, v5  }
0x181: {  	v5 =	vshll.u32 v1, v5  }
0x182: {  	[tilespmem:v6+s12+$0x0] =	vst.idx.add.s32.msk $0xffff, v5  }
0x183: {  	v5 =	vld [tilespmem:s19+$0xFFFFFF00];
	_ =	sdelay $0x4  }
0x184: {  	v47 =	vshll.u32 v5, $0x3  }
0x185: {  	v48 =	vand.u32 $0x7F, v5;
	v6 =	vand.u32 $0xC00, v47  }
0x186: {  	v6 =	vor.u32 v6, v48  }
0x187: {  	v6 =	vor.u32 v4, v6;
	_ =	sdelay $0x1  }
0x188: {  	v5 =	vshra.s32 v5, $0x6  }
0x189: {  	v5 =	vand.u32 $0xFFFFFFF8, v5  }
0x18a: {  	v5 =	vshll.u32 v1, v5  }
0x18b: {  	[tilespmem:v6+s12+$0x0] =	vst.idx.add.s32.msk $0xffff, v5  }
0x18c: {  	v5 =	vld [tilespmem:s18+$0xFFFFFF00];
	_ =	sdelay $0x4  }
0x18d: {  	v49 =	vshll.u32 v5, $0x3  }
0x18e: {  	v50 =	vand.u32 $0x7F, v5;
	v6 =	vand.u32 $0xC00, v49  }
0x18f: {  	v6 =	vor.u32 v6, v50  }
0x190: {  	v6 =	vor.u32 v4, v6  }
0x191: {  	v5 =	vadd.s32 $0x400, v5  }
0x192: {  	v5 =	vshra.s32 v5, $0x6  }
0x193: {  	v5 =	vand.u32 $0xFFFFFFF8, v5  }
0x194: {  	v5 =	vshll.u32 v1, v5  }
0x195: {  	[tilespmem:v6+s12+$0x0] =	vst.idx.add.s32.msk $0xffff, v5  }
0x196: {  	v5 =	vld [tilespmem:s19+$0xFFFFFF80];
	_ =	sdelay $0x4  }
0x197: {  	v51 =	vshll.u32 v5, $0x3  }
0x198: {  	v52 =	vand.u32 $0x7F, v5;
	v6 =	vand.u32 $0xC00, v51  }
0x199: {  	v6 =	vor.u32 v6, v52  }
0x19a: {  	v6 =	vor.u32 v4, v6;
	_ =	sdelay $0x1  }
0x19b: {  	v5 =	vshra.s32 v5, $0x6  }
0x19c: {  	v5 =	vand.u32 $0xFFFFFFF8, v5  }
0x19d: {  	v5 =	vshll.u32 v1, v5  }
0x19e: {  	[tilespmem:v6+s12+$0x0] =	vst.idx.add.s32.msk $0xffff, v5  }
0x19f: {  	v5 =	vld [tilespmem:s18+$0xFFFFFF80];
	_ =	sdelay $0x4  }
0x1a0: {  	v53 =	vshll.u32 v5, $0x3  }
0x1a1: {  	v54 =	vand.u32 $0x7F, v5;
	v6 =	vand.u32 $0xC00, v53  }
0x1a2: {  	v6 =	vor.u32 v6, v54  }
0x1a3: {  	v6 =	vor.u32 v4, v6  }
0x1a4: {  	v5 =	vadd.s32 $0x400, v5  }
0x1a5: {  	v5 =	vshra.s32 v5, $0x6  }
0x1a6: {  	v5 =	vand.u32 $0xFFFFFFF8, v5  }
0x1a7: {  	v5 =	vshll.u32 v1, v5  }
0x1a8: {  	[tilespmem:v6+s12+$0x0] =	vst.idx.add.s32.msk $0xffff, v5  }
0x1a9: {  	v5 =	vld [tilespmem:s19+$0x0];
	_ =	sdelay $0x4  }
0x1aa: {  	v55 =	vshll.u32 v5, $0x3  }
0x1ab: {  	v56 =	vand.u32 $0x7F, v5;
	v6 =	vand.u32 $0xC00, v55  }
0x1ac: {  	v6 =	vor.u32 v6, v56  }
0x1ad: {  	v6 =	vor.u32 v4, v6;
	_ =	sdelay $0x1  }
0x1ae: {  	v5 =	vshra.s32 v5, $0x6  }
0x1af: {  	v5 =	vand.u32 $0xFFFFFFF8, v5  }
0x1b0: {  	v5 =	vshll.u32 v1, v5  }
0x1b1: {  	[tilespmem:v6+s12+$0x0] =	vst.idx.add.s32.msk $0xffff, v5  }
0x1b2: {  	v5 =	vld [tilespmem:s18+$0x0];
	_ =	sdelay $0x4  }
0x1b3: {  	v57 =	vshll.u32 v5, $0x3  }
0x1b4: {  	v58 =	vand.u32 $0x7F, v5;
	v6 =	vand.u32 $0xC00, v57  }
0x1b5: {  	v6 =	vor.u32 v6, v58  }
0x1b6: {  	v6 =	vor.u32 v4, v6  }
0x1b7: {  	v5 =	vadd.s32 $0x400, v5  }
0x1b8: {  	v5 =	vshra.s32 v5, $0x6  }
0x1b9: {  	v5 =	vand.u32 $0xFFFFFFF8, v5  }
0x1ba: {  	v5 =	vshll.u32 v1, v5  }
0x1bb: {  	[tilespmem:v6+s12+$0x0] =	vst.idx.add.s32.msk $0xffff, v5  }
0x1bc: {  	v5 =	vld [tilespmem:s19+$0x80];
	_ =	sdelay $0x4  }
0x1bd: {  	v59 =	vshll.u32 v5, $0x3  }
0x1be: {  	v60 =	vand.u32 $0x7F, v5;
	v6 =	vand.u32 $0xC00, v59  }
0x1bf: {  	v6 =	vor.u32 v6, v60  }
0x1c0: {  	v6 =	vor.u32 v4, v6;
	_ =	sdelay $0x1  }
0x1c1: {  	v5 =	vshra.s32 v5, $0x6  }
0x1c2: {  	v5 =	vand.u32 $0xFFFFFFF8, v5  }
0x1c3: {  	v5 =	vshll.u32 v1, v5  }
0x1c4: {  	[tilespmem:v6+s12+$0x0] =	vst.idx.add.s32.msk $0xffff, v5  }
0x1c5: {  	v5 =	vld [tilespmem:s18+$0x80];
	_ =	sdelay $0x4  }
0x1c6: {  	v61 =	vshll.u32 v5, $0x3  }
0x1c7: {  	v62 =	vand.u32 $0x7F, v5;
	v6 =	vand.u32 $0xC00, v61  }
0x1c8: {  	v6 =	vor.u32 v6, v62  }
0x1c9: {  	v6 =	vor.u32 v4, v6  }
0x1ca: {  	v5 =	vadd.s32 $0x400, v5  }
0x1cb: {  	v5 =	vshra.s32 v5, $0x6  }
0x1cc: {  	v5 =	vand.u32 $0xFFFFFFF8, v5  }
0x1cd: {  	v5 =	vshll.u32 v1, v5  }
0x1ce: {  	[tilespmem:v6+s12+$0x0] =	vst.idx.add.s32.msk $0xffff, v5  }
0x1cf: {  	v5 =	vld [tilespmem:s19+$0x100];
	_ =	sdelay $0x4  }
0x1d0: {  	v63 =	vshll.u32 v5, $0x3  }
0x1d1: {  	v9 =	vand.u32 $0x7F, v5;
	v6 =	vand.u32 $0xC00, v63  }
0x1d2: {  	v6 =	vor.u32 v6, v9  }
0x1d3: {  	v6 =	vor.u32 v4, v6;
	_ =	sdelay $0x1  }
0x1d4: {  	v5 =	vshra.s32 v5, $0x6  }
0x1d5: {  	v5 =	vand.u32 $0xFFFFFFF8, v5  }
0x1d6: {  	v5 =	vshll.u32 v1, v5  }
0x1d7: {  	[tilespmem:v6+s12+$0x0] =	vst.idx.add.s32.msk $0xffff, v5  }
0x1d8: {  	v5 =	vld [tilespmem:s18+$0x100];
	_ =	sdelay $0x4  }
0x1d9: {  	v10 =	vshll.u32 v5, $0x3  }
0x1da: {  	v11 =	vand.u32 $0x7F, v5;
	v6 =	vand.u32 $0xC00, v10  }
0x1db: {  	v6 =	vor.u32 v6, v11  }
0x1dc: {  	v6 =	vor.u32 v4, v6  }
0x1dd: {  	v5 =	vadd.s32 $0x400, v5  }
0x1de: {  	v5 =	vshra.s32 v5, $0x6  }
0x1df: {  	v5 =	vand.u32 $0xFFFFFFF8, v5  }
0x1e0: {  	v5 =	vshll.u32 v1, v5  }
0x1e1: {  	[tilespmem:v6+s12+$0x0] =	vst.idx.add.s32.msk $0xffff, v5  }
0x1e2: {  	v5 =	vld [tilespmem:s19+$0x180];
	_ =	sdelay $0x4  }
0x1e3: {  	v12 =	vshll.u32 v5, $0x3  }
0x1e4: {  	v13 =	vand.u32 $0x7F, v5;
	v6 =	vand.u32 $0xC00, v12  }
0x1e5: {  	v6 =	vor.u32 v6, v13  }
0x1e6: {  	v6 =	vor.u32 v4, v6;
	_ =	sdelay $0x1  }
0x1e7: {  	v5 =	vshra.s32 v5, $0x6  }
0x1e8: {  	v5 =	vand.u32 $0xFFFFFFF8, v5  }
0x1e9: {  	v5 =	vshll.u32 v1, v5  }
0x1ea: {  	[tilespmem:v6+s12+$0x0] =	vst.idx.add.s32.msk $0xffff, v5  }
0x1eb: {  	v5 =	vld [tilespmem:s18+$0x180];
	_ =	sdelay $0x4  }
0x1ec: {  	v14 =	vshll.u32 v5, $0x3  }
0x1ed: {  	v15 =	vand.u32 $0x7F, v5;
	v6 =	vand.u32 $0xC00, v14  }
0x1ee: {  	v6 =	vor.u32 v6, v15  }
0x1ef: {  	v6 =	vor.u32 v4, v6  }
0x1f0: {  	v5 =	vadd.s32 $0x400, v5  }
0x1f1: {  	v5 =	vshra.s32 v5, $0x6  }
0x1f2: {  	v5 =	vand.u32 $0xFFFFFFF8, v5  }
0x1f3: {  	v5 =	vshll.u32 v1, v5  }
0x1f4: {  	[tilespmem:v6+s12+$0x0] =	vst.idx.add.s32.msk $0xffff, v5  }
0x1f5: {  	v5 =	vld [tilespmem:s19+$0x200];
	_ =	sdelay $0x4  }
0x1f6: {  	v16 =	vshll.u32 v5, $0x3  }
0x1f7: {  	v17 =	vand.u32 $0x7F, v5;
	v6 =	vand.u32 $0xC00, v16  }
0x1f8: {  	v6 =	vor.u32 v6, v17  }
0x1f9: {  	v6 =	vor.u32 v4, v6;
	_ =	sdelay $0x1  }
0x1fa: {  	v5 =	vshra.s32 v5, $0x6  }
0x1fb: {  	v5 =	vand.u32 $0xFFFFFFF8, v5  }
0x1fc: {  	v5 =	vshll.u32 v1, v5  }
0x1fd: {  	[tilespmem:v6+s12+$0x0] =	vst.idx.add.s32.msk $0xffff, v5  }
0x1fe: {  	v5 =	vld [tilespmem:s18+$0x200];
	_ =	sdelay $0x4  }
0x1ff: {  	v18 =	vshll.u32 v5, $0x3  }
0x200: {  	v19 =	vand.u32 $0x7F, v5;
	v6 =	vand.u32 $0xC00, v18  }
0x201: {  	v6 =	vor.u32 v6, v19  }
0x202: {  	v6 =	vor.u32 v4, v6  }
0x203: {  	v5 =	vadd.s32 $0x400, v5  }
0x204: {  	v5 =	vshra.s32 v5, $0x6  }
0x205: {  	v5 =	vand.u32 $0xFFFFFFF8, v5  }
0x206: {  	v5 =	vshll.u32 v1, v5  }
0x207: {  	[tilespmem:v6+s12+$0x0] =	vst.idx.add.s32.msk $0xffff, v5  }
0x208: {  	v5 =	vld [tilespmem:s19+$0x280];
	_ =	sdelay $0x4  }
0x209: {  	v20 =	vshll.u32 v5, $0x3  }
0x20a: {  	v21 =	vand.u32 $0x7F, v5;
	v6 =	vand.u32 $0xC00, v20  }
0x20b: {  	v6 =	vor.u32 v6, v21  }
0x20c: {  	v6 =	vor.u32 v4, v6;
	_ =	sdelay $0x1  }
0x20d: {  	v5 =	vshra.s32 v5, $0x6  }
0x20e: {  	v5 =	vand.u32 $0xFFFFFFF8, v5  }
0x20f: {  	v5 =	vshll.u32 v1, v5  }
0x210: {  	[tilespmem:v6+s12+$0x0] =	vst.idx.add.s32.msk $0xffff, v5  }
0x211: {  	v5 =	vld [tilespmem:s18+$0x280];
	_ =	sdelay $0x4  }
0x212: {  	v22 =	vshll.u32 v5, $0x3  }
0x213: {  	v23 =	vand.u32 $0x7F, v5;
	v6 =	vand.u32 $0xC00, v22  }
0x214: {  	v6 =	vor.u32 v6, v23  }
0x215: {  	v6 =	vor.u32 v4, v6  }
0x216: {  	v5 =	vadd.s32 $0x400, v5  }
0x217: {  	v5 =	vshra.s32 v5, $0x6  }
0x218: {  	v5 =	vand.u32 $0xFFFFFFF8, v5  }
0x219: {  	v5 =	vshll.u32 v1, v5  }
0x21a: {  	[tilespmem:v6+s12+$0x0] =	vst.idx.add.s32.msk $0xffff, v5  }
0x21b: {  	v5 =	vld [tilespmem:s19+$0x300];
	_ =	sdelay $0x4  }
0x21c: {  	v24 =	vshll.u32 v5, $0x3  }
0x21d: {  	v25 =	vand.u32 $0x7F, v5;
	v6 =	vand.u32 $0xC00, v24  }
0x21e: {  	v6 =	vor.u32 v6, v25  }
0x21f: {  	v6 =	vor.u32 v4, v6;
	_ =	sdelay $0x1  }
0x220: {  	v5 =	vshra.s32 v5, $0x6  }
0x221: {  	v5 =	vand.u32 $0xFFFFFFF8, v5  }
0x222: {  	v5 =	vshll.u32 v1, v5  }
0x223: {  	[tilespmem:v6+s12+$0x0] =	vst.idx.add.s32.msk $0xffff, v5  }
0x224: {  	v5 =	vld [tilespmem:s18+$0x300];
	_ =	sdelay $0x4  }
0x225: {  	v26 =	vshll.u32 v5, $0x3  }
0x226: {  	v27 =	vand.u32 $0x7F, v5;
	v6 =	vand.u32 $0xC00, v26  }
0x227: {  	v6 =	vor.u32 v6, v27  }
0x228: {  	v6 =	vor.u32 v4, v6  }
0x229: {  	v5 =	vadd.s32 $0x400, v5  }
0x22a: {  	v5 =	vshra.s32 v5, $0x6  }
0x22b: {  	v5 =	vand.u32 $0xFFFFFFF8, v5  }
0x22c: {  	v5 =	vshll.u32 v1, v5  }
0x22d: {  	[tilespmem:v6+s12+$0x0] =	vst.idx.add.s32.msk $0xffff, v5  }
0x22e: {  	v5 =	vld [tilespmem:s19+$0x380];
	_ =	sdelay $0x4  }
0x22f: {  	v28 =	vshll.u32 v5, $0x3  }
0x230: {  	v29 =	vand.u32 $0x7F, v5;
	v6 =	vand.u32 $0xC00, v28  }
0x231: {  	v6 =	vor.u32 v6, v29  }
0x232: {  	v6 =	vor.u32 v4, v6;
	_ =	sdelay $0x1  }
0x233: {  	v5 =	vshra.s32 v5, $0x6  }
0x234: {  	v5 =	vand.u32 $0xFFFFFFF8, v5  }
0x235: {  	v5 =	vshll.u32 v1, v5  }
0x236: {  	[tilespmem:v6+s12+$0x0] =	vst.idx.add.s32.msk $0xffff, v5  }
0x237: {  	v5 =	vld [tilespmem:s18+$0x380];
	_ =	sdelay $0x4  }
0x238: {  	v30 =	vshll.u32 v5, $0x3  }
0x239: {  	v31 =	vand.u32 $0x7F, v5;
	v6 =	vand.u32 $0xC00, v30  }
0x23a: {  	v6 =	vor.u32 v6, v31  }
0x23b: {  	v6 =	vor.u32 v4, v6  }
0x23c: {  	v5 =	vadd.s32 $0x400, v5  }
0x23d: {  	v5 =	vshra.s32 v5, $0x6  }
0x23e: {  	v5 =	vand.u32 $0xFFFFFFF8, v5  }
0x23f: {  	v5 =	vshll.u32 v1, v5  }
0x240: {  	[tilespmem:v6+s12+$0x0] =	vst.idx.add.s32.msk $0xffff, v5  }
0x241: {  	v5 =	vld [tilespmem:s19+$0x400];
	_ =	sdelay $0x4  }
0x242: {  	v32 =	vshll.u32 v5, $0x3  }
0x243: {  	v33 =	vand.u32 $0x7F, v5;
	v6 =	vand.u32 $0xC00, v32  }
0x244: {  	v6 =	vor.u32 v6, v33  }
0x245: {  	v6 =	vor.u32 v4, v6;
	_ =	sdelay $0x1  }
0x246: {  	v5 =	vshra.s32 v5, $0x6  }
0x247: {  	v5 =	vand.u32 $0xFFFFFFF8, v5  }
0x248: {  	v5 =	vshll.u32 v1, v5  }
0x249: {  	[tilespmem:v6+s12+$0x0] =	vst.idx.add.s32.msk $0xffff, v5  }
0x24a: {  	v5 =	vld [tilespmem:s18+$0x400];
	_ =	sdelay $0x4  }
0x24b: {  	v34 =	vshll.u32 v5, $0x3  }
0x24c: {  	v35 =	vand.u32 $0x7F, v5;
	v6 =	vand.u32 $0xC00, v34  }
0x24d: {  	v6 =	vor.u32 v6, v35  }
0x24e: {  	v6 =	vor.u32 v4, v6  }
0x24f: {  	v5 =	vadd.s32 $0x400, v5  }
0x250: {  	v5 =	vshra.s32 v5, $0x6  }
0x251: {  	v5 =	vand.u32 $0xFFFFFFF8, v5  }
0x252: {  	v5 =	vshll.u32 v1, v5  }
0x253: {  	[tilespmem:v6+s12+$0x0] =	vst.idx.add.s32.msk $0xffff, v5  }
0x254: {  	v5 =	vld [tilespmem:s19+$0x480];
	_ =	sdelay $0x4  }
0x255: {  	v36 =	vshll.u32 v5, $0x3  }
0x256: {  	v37 =	vand.u32 $0x7F, v5;
	v6 =	vand.u32 $0xC00, v36  }
0x257: {  	v6 =	vor.u32 v6, v37  }
0x258: {  	v6 =	vor.u32 v4, v6;
	_ =	sdelay $0x1  }
0x259: {  	v5 =	vshra.s32 v5, $0x6  }
0x25a: {  	v5 =	vand.u32 $0xFFFFFFF8, v5  }
0x25b: {  	v5 =	vshll.u32 v1, v5  }
0x25c: {  	[tilespmem:v6+s12+$0x0] =	vst.idx.add.s32.msk $0xffff, v5  }
0x25d: {  	v5 =	vld [tilespmem:s18+$0x480];
	_ =	sdelay $0x4  }
0x25e: {  	v38 =	vshll.u32 v5, $0x3  }
0x25f: {  	v39 =	vand.u32 $0x7F, v5;
	v6 =	vand.u32 $0xC00, v38  }
0x260: {  	v6 =	vor.u32 v6, v39  }
0x261: {  	v6 =	vor.u32 v4, v6  }
0x262: {  	v5 =	vadd.s32 $0x400, v5  }
0x263: {  	v5 =	vshra.s32 v5, $0x6  }
0x264: {  	v5 =	vand.u32 $0xFFFFFFF8, v5  }
0x265: {  	v5 =	vshll.u32 v1, v5  }
0x266: {  	[tilespmem:v6+s12+$0x0] =	vst.idx.add.s32.msk $0xffff, v5  }
0x267: {  	v5 =	vld [tilespmem:s19+$0x500];
	_ =	sdelay $0x4  }
0x268: {  	v40 =	vshll.u32 v5, $0x3  }
0x269: {  	v41 =	vand.u32 $0x7F, v5;
	v6 =	vand.u32 $0xC00, v40  }
0x26a: {  	v6 =	vor.u32 v6, v41  }
0x26b: {  	v6 =	vor.u32 v4, v6;
	_ =	sdelay $0x1  }
0x26c: {  	v5 =	vshra.s32 v5, $0x6  }
0x26d: {  	v5 =	vand.u32 $0xFFFFFFF8, v5  }
0x26e: {  	v5 =	vshll.u32 v1, v5  }
0x26f: {  	[tilespmem:v6+s12+$0x0] =	vst.idx.add.s32.msk $0xffff, v5  }
0x270: {  	v5 =	vld [tilespmem:s18+$0x500];
	_ =	sdelay $0x4  }
0x271: {  	v42 =	vshll.u32 v5, $0x3  }
0x272: {  	v43 =	vand.u32 $0x7F, v5;
	v6 =	vand.u32 $0xC00, v42  }
0x273: {  	v6 =	vor.u32 v6, v43  }
0x274: {  	v6 =	vor.u32 v4, v6  }
0x275: {  	v5 =	vadd.s32 $0x400, v5  }
0x276: {  	v5 =	vshra.s32 v5, $0x6  }
0x277: {  	v5 =	vand.u32 $0xFFFFFFF8, v5  }
0x278: {  	v5 =	vshll.u32 v1, v5  }
0x279: {  	[tilespmem:v6+s12+$0x0] =	vst.idx.add.s32.msk $0xffff, v5  }
0x27a: {  	v5 =	vld [tilespmem:s19+$0x580];
	_ =	sdelay $0x4  }
0x27b: {  	v44 =	vshll.u32 v5, $0x3  }
0x27c: {  	v45 =	vand.u32 $0x7F, v5;
	v6 =	vand.u32 $0xC00, v44  }
0x27d: {  	v6 =	vor.u32 v6, v45  }
0x27e: {  	v6 =	vor.u32 v4, v6;
	_ =	sdelay $0x1  }
0x27f: {  	v5 =	vshra.s32 v5, $0x6  }
0x280: {  	v5 =	vand.u32 $0xFFFFFFF8, v5  }
0x281: {  	v5 =	vshll.u32 v1, v5  }
0x282: {  	[tilespmem:v6+s12+$0x0] =	vst.idx.add.s32.msk $0xffff, v5  }
0x283: {  	v5 =	vld [tilespmem:s18+$0x580];
	_ =	sdelay $0x4  }
0x284: {  	v46 =	vshll.u32 v5, $0x3  }
0x285: {  	v47 =	vand.u32 $0x7F, v5;
	v6 =	vand.u32 $0xC00, v46  }
0x286: {  	v6 =	vor.u32 v6, v47  }
0x287: {  	v6 =	vor.u32 v4, v6  }
0x288: {  	v5 =	vadd.s32 $0x400, v5  }
0x289: {  	v5 =	vshra.s32 v5, $0x6  }
0x28a: {  	v5 =	vand.u32 $0xFFFFFFF8, v5  }
0x28b: {  	v5 =	vshll.u32 v1, v5  }
0x28c: {  	[tilespmem:v6+s12+$0x0] =	vst.idx.add.s32.msk $0xffff, v5  }
0x28d: {  	v5 =	vld [tilespmem:s19+$0x600];
	_ =	sdelay $0x4  }
0x28e: {  	v48 =	vshll.u32 v5, $0x3  }
0x28f: {  	v49 =	vand.u32 $0x7F, v5;
	v6 =	vand.u32 $0xC00, v48  }
0x290: {  	v6 =	vor.u32 v6, v49  }
0x291: {  	v6 =	vor.u32 v4, v6;
	_ =	sdelay $0x1  }
0x292: {  	v5 =	vshra.s32 v5, $0x6  }
0x293: {  	v5 =	vand.u32 $0xFFFFFFF8, v5  }
0x294: {  	v5 =	vshll.u32 v1, v5  }
0x295: {  	[tilespmem:v6+s12+$0x0] =	vst.idx.add.s32.msk $0xffff, v5  }
0x296: {  	v5 =	vld [tilespmem:s18+$0x600];
	_ =	sdelay $0x4  }
0x297: {  	v50 =	vshll.u32 v5, $0x3  }
0x298: {  	v51 =	vand.u32 $0x7F, v5;
	v6 =	vand.u32 $0xC00, v50  }
0x299: {  	v6 =	vor.u32 v6, v51  }
0x29a: {  	v6 =	vor.u32 v4, v6  }
0x29b: {  	v5 =	vadd.s32 $0x400, v5  }
0x29c: {  	v5 =	vshra.s32 v5, $0x6  }
0x29d: {  	v5 =	vand.u32 $0xFFFFFFF8, v5  }
0x29e: {  	v5 =	vshll.u32 v1, v5  }
0x29f: {  	[tilespmem:v6+s12+$0x0] =	vst.idx.add.s32.msk $0xffff, v5  }
0x2a0: {  	v5 =	vld [tilespmem:s19+$0x680];
	_ =	sdelay $0x4  }
0x2a1: {  	v52 =	vshll.u32 v5, $0x3  }
0x2a2: {  	v53 =	vand.u32 $0x7F, v5;
	v6 =	vand.u32 $0xC00, v52  }
0x2a3: {  	v6 =	vor.u32 v6, v53  }
0x2a4: {  	v6 =	vor.u32 v4, v6;
	_ =	sdelay $0x1  }
0x2a5: {  	v5 =	vshra.s32 v5, $0x6  }
0x2a6: {  	v5 =	vand.u32 $0xFFFFFFF8, v5  }
0x2a7: {  	v5 =	vshll.u32 v1, v5  }
0x2a8: {  	[tilespmem:v6+s12+$0x0] =	vst.idx.add.s32.msk $0xffff, v5  }
0x2a9: {  	v5 =	vld [tilespmem:s18+$0x680];
	_ =	sdelay $0x4  }
0x2aa: {  	v54 =	vshll.u32 v5, $0x3  }
0x2ab: {  	v55 =	vand.u32 $0x7F, v5;
	v6 =	vand.u32 $0xC00, v54  }
0x2ac: {  	v6 =	vor.u32 v6, v55  }
0x2ad: {  	v6 =	vor.u32 v4, v6  }
0x2ae: {  	v5 =	vadd.s32 $0x400, v5  }
0x2af: {  	v5 =	vshra.s32 v5, $0x6  }
0x2b0: {  	v5 =	vand.u32 $0xFFFFFFF8, v5  }
0x2b1: {  	v5 =	vshll.u32 v1, v5  }
0x2b2: {  	[tilespmem:v6+s12+$0x0] =	vst.idx.add.s32.msk $0xffff, v5  }
0x2b3: {  	v5 =	vld [tilespmem:s19+$0x700];
	_ =	sdelay $0x4  }
0x2b4: {  	v56 =	vshll.u32 v5, $0x3  }
0x2b5: {  	v57 =	vand.u32 $0x7F, v5;
	v6 =	vand.u32 $0xC00, v56  }
0x2b6: {  	v6 =	vor.u32 v6, v57  }
0x2b7: {  	v6 =	vor.u32 v4, v6;
	_ =	sdelay $0x1  }
0x2b8: {  	v5 =	vshra.s32 v5, $0x6  }
0x2b9: {  	v5 =	vand.u32 $0xFFFFFFF8, v5  }
0x2ba: {  	v5 =	vshll.u32 v1, v5  }
0x2bb: {  	[tilespmem:v6+s12+$0x0] =	vst.idx.add.s32.msk $0xffff, v5  }
0x2bc: {  	v5 =	vld [tilespmem:s18+$0x700];
	_ =	sdelay $0x4  }
0x2bd: {  	v58 =	vshll.u32 v5, $0x3  }
0x2be: {  	v59 =	vand.u32 $0x7F, v5;
	v6 =	vand.u32 $0xC00, v58  }
0x2bf: {  	v6 =	vor.u32 v6, v59  }
0x2c0: {  	v6 =	vor.u32 v4, v6  }
0x2c1: {  	v5 =	vadd.s32 $0x400, v5  }
0x2c2: {  	v5 =	vshra.s32 v5, $0x6  }
0x2c3: {  	v5 =	vand.u32 $0xFFFFFFF8, v5  }
0x2c4: {  	v5 =	vshll.u32 v1, v5  }
0x2c5: {  	[tilespmem:v6+s12+$0x0] =	vst.idx.add.s32.msk $0xffff, v5  }
0x2c6: {  	v5 =	vld [tilespmem:s19+$0x780];
	_ =	sdelay $0x4  }
0x2c7: {  	v60 =	vshll.u32 v5, $0x3  }
0x2c8: {  	v61 =	vand.u32 $0x7F, v5;
	v6 =	vand.u32 $0xC00, v60  }
0x2c9: {  	v6 =	vor.u32 v6, v61  }
0x2ca: {  	v6 =	vor.u32 v4, v6;
	_ =	sdelay $0x1  }
0x2cb: {  	v5 =	vshra.s32 v5, $0x6  }
0x2cc: {  	v5 =	vand.u32 $0xFFFFFFF8, v5  }
0x2cd: {  	v5 =	vshll.u32 v1, v5  }
0x2ce: {  	[tilespmem:v6+s12+$0x0] =	vst.idx.add.s32.msk $0xffff, v5  }
0x2cf: {  	v5 =	vld [tilespmem:s18+$0x780];
	_ =	sdelay $0x4  }
0x2d0: {  	v62 =	vshll.u32 v5, $0x3  }
0x2d1: {  	v63 =	vand.u32 $0x7F, v5;
	v6 =	vand.u32 $0xC00, v62  }
0x2d2: {  	v6 =	vor.u32 v6, v63  }
0x2d3: {  	p0 =	sne.s32 s17, $0x30;
	v4 =	vor.u32 v4, v6  }
.Ltmp1:
0x2d4: {  	v5 =	vadd.s32 $0x400, v5;
	(pc) =	sbr.rel @p0 .LBB2_4-.Ltmp1, $4  }
0x2d5: {  	v5 =	vshra.s32 v5, $0x6  }
0x2d6: {  	v5 =	vand.u32 $0xFFFFFFF8, v5  }
0x2d7: {  	v5 =	vshll.u32 v1, v5  }
0x2d8: {  	s17 =	sadd.s32 $0x10, s17;
	s19 =	sadd.s32 $0x10, s19;
	s18 =	sadd.s32 $0x10, s18;
	[tilespmem:v4+s12+$0x0] =	vst.idx.add.s32.msk $0xffff, v5  }
0x2d9: {  	s17 =	simm.s32 $0x0  }
0x2da: {  	[hbm4b:s5+s17] =	stream.linear.scatter [tilespmem:s12], [sflag:$0x1], $0x8000, $0x38;
	[tilespmem:$0x12000] =	vst v63  }
0x2db: {  	s18 =	sand.u32 $0x7000, s17;
	s19 =	sand.u32 $0x380, s17  }
0x2dc: {  	s18 =	sor.u32 s19, s18  }
0x2dd: {  	[tilespmem:s18+$0xAC70] =	vst v0  }
0x2de: {  	[tilespmem:s18+$0xA000] =	vst v0  }
0x2df: {  	[tilespmem:s18+$0xA010] =	vst v0  }
0x2e0: {  	[tilespmem:s18+$0xA020] =	vst v0  }
0x2e1: {  	[tilespmem:s18+$0xA030] =	vst v0  }
0x2e2: {  	[tilespmem:s18+$0xA040] =	vst v0  }
0x2e3: {  	[tilespmem:s18+$0xA050] =	vst v0  }
0x2e4: {  	[tilespmem:s18+$0xA060] =	vst v0  }
0x2e5: {  	[tilespmem:s18+$0xA070] =	vst v0  }
0x2e6: {  	[tilespmem:s18+$0xA400] =	vst v0  }
0x2e7: {  	[tilespmem:s18+$0xA410] =	vst v0  }
0x2e8: {  	[tilespmem:s18+$0xA420] =	vst v0  }
0x2e9: {  	[tilespmem:s18+$0xA430] =	vst v0  }
0x2ea: {  	[tilespmem:s18+$0xA440] =	vst v0  }
0x2eb: {  	[tilespmem:s18+$0xA450] =	vst v0  }
0x2ec: {  	[tilespmem:s18+$0xA460] =	vst v0  }
0x2ed: {  	[tilespmem:s18+$0xA470] =	vst v0  }
0x2ee: {  	[tilespmem:s18+$0xA800] =	vst v0  }
0x2ef: {  	[tilespmem:s18+$0xA810] =	vst v0  }
0x2f0: {  	[tilespmem:s18+$0xA820] =	vst v0  }
0x2f1: {  	[tilespmem:s18+$0xA830] =	vst v0  }
0x2f2: {  	[tilespmem:s18+$0xA840] =	vst v0  }
0x2f3: {  	[tilespmem:s18+$0xA850] =	vst v0  }
0x2f4: {  	[tilespmem:s18+$0xA860] =	vst v0  }
0x2f5: {  	[tilespmem:s18+$0xA870] =	vst v0  }
0x2f6: {  	[tilespmem:s18+$0xAC00] =	vst v0  }
0x2f7: {  	[tilespmem:s18+$0xAC10] =	vst v0  }
0x2f8: {  	[tilespmem:s18+$0xAC20] =	vst v0  }
0x2f9: {  	[tilespmem:s18+$0xAC30] =	vst v0  }
0x2fa: {  	s20 =	simm.s32 $0x200;
	s19 =	simm.s32 $0x80;
	[tilespmem:s18+$0xAC40] =	vst v0  }
0x2fb: {  	s21 =	sand.u32 $0x7000, s20;
	s20 =	simm.s32 $0x400;
	s22 =	sand.u32 $0x380, s19;
	[tilespmem:s18+$0xAC50] =	vst v0  }
.LBB2_6:
0x2fc: {  	p0 =	sne.s32 s20, $0x7E00;
	[tilespmem:s18+$0xAC60] =	vst v0;
	s18 =	sor.u32 s22, s21  }
0x2fd: {  	[tilespmem:s18+$0xAC70] =	vst v0  }
0x2fe: {  	[tilespmem:s18+$0xA000] =	vst v0  }
0x2ff: {  	[tilespmem:s18+$0xA010] =	vst v0  }
0x300: {  	[tilespmem:s18+$0xA020] =	vst v0  }
0x301: {  	[tilespmem:s18+$0xA030] =	vst v0  }
0x302: {  	[tilespmem:s18+$0xA040] =	vst v0  }
0x303: {  	[tilespmem:s18+$0xA050] =	vst v0  }
0x304: {  	[tilespmem:s18+$0xA060] =	vst v0  }
0x305: {  	[tilespmem:s18+$0xA070] =	vst v0  }
0x306: {  	[tilespmem:s18+$0xA400] =	vst v0  }
0x307: {  	[tilespmem:s18+$0xA410] =	vst v0  }
0x308: {  	[tilespmem:s18+$0xA420] =	vst v0  }
0x309: {  	[tilespmem:s18+$0xA430] =	vst v0  }
0x30a: {  	[tilespmem:s18+$0xA440] =	vst v0  }
0x30b: {  	[tilespmem:s18+$0xA450] =	vst v0  }
0x30c: {  	[tilespmem:s18+$0xA460] =	vst v0  }
0x30d: {  	[tilespmem:s18+$0xA470] =	vst v0  }
0x30e: {  	[tilespmem:s18+$0xA800] =	vst v0  }
0x30f: {  	[tilespmem:s18+$0xA810] =	vst v0  }
0x310: {  	[tilespmem:s18+$0xA820] =	vst v0  }
0x311: {  	[tilespmem:s18+$0xA830] =	vst v0  }
0x312: {  	[tilespmem:s18+$0xA840] =	vst v0  }
0x313: {  	[tilespmem:s18+$0xA850] =	vst v0  }
0x314: {  	[tilespmem:s18+$0xA860] =	vst v0  }
0x315: {  	[tilespmem:s18+$0xA870] =	vst v0  }
0x316: {  	[tilespmem:s18+$0xAC00] =	vst v0  }
.Ltmp2:
0x317: {  	[tilespmem:s18+$0xAC10] =	vst v0;
	(pc) =	sbr.rel @p0 .LBB2_6-.Ltmp2, $4  }
0x318: {  	[tilespmem:s18+$0xAC20] =	vst v0  }
0x319: {  	[tilespmem:s18+$0xAC30] =	vst v0  }
0x31a: {  	s19 =	sadd.s32 $0x80, s19;
	[tilespmem:s18+$0xAC40] =	vst v0  }
0x31b: {  	s21 =	sand.u32 $0x7000, s20;
	s20 =	sadd.s32 $0x200, s20;
	s22 =	sand.u32 $0x380, s19;
	[tilespmem:s18+$0xAC50] =	vst v0  }
0x31c: {  	s19 =	sor.u32 s22, s21;
	[tilespmem:s18+$0xAC60] =	vst v0  }
0x31d: {  	[tilespmem:s19+$0xAC70] =	vst v0  }
0x31e: {  	[tilespmem:s19+$0xA000] =	vst v0  }
0x31f: {  	[tilespmem:s19+$0xA010] =	vst v0  }
0x320: {  	[tilespmem:s19+$0xA020] =	vst v0  }
0x321: {  	[tilespmem:s19+$0xA030] =	vst v0  }
0x322: {  	[tilespmem:s19+$0xA040] =	vst v0  }
0x323: {  	[tilespmem:s19+$0xA050] =	vst v0  }
0x324: {  	[tilespmem:s19+$0xA060] =	vst v0  }
0x325: {  	[tilespmem:s19+$0xA070] =	vst v0  }
0x326: {  	[tilespmem:s19+$0xA400] =	vst v0  }
0x327: {  	[tilespmem:s19+$0xA410] =	vst v0  }
0x328: {  	[tilespmem:s19+$0xA420] =	vst v0  }
0x329: {  	[tilespmem:s19+$0xA430] =	vst v0  }
0x32a: {  	[tilespmem:s19+$0xA440] =	vst v0  }
0x32b: {  	[tilespmem:s19+$0xA450] =	vst v0  }
0x32c: {  	[tilespmem:s19+$0xA460] =	vst v0  }
0x32d: {  	[tilespmem:s19+$0xA470] =	vst v0  }
0x32e: {  	[tilespmem:s19+$0xA800] =	vst v0  }
0x32f: {  	[tilespmem:s19+$0xA810] =	vst v0  }
0x330: {  	[tilespmem:s19+$0xA820] =	vst v0  }
0x331: {  	[tilespmem:s19+$0xA830] =	vst v0  }
0x332: {  	[tilespmem:s19+$0xA840] =	vst v0  }
0x333: {  	[tilespmem:s19+$0xA850] =	vst v0  }
0x334: {  	[tilespmem:s19+$0xA860] =	vst v0  }
0x335: {  	[tilespmem:s19+$0xA870] =	vst v0  }
0x336: {  	[tilespmem:s19+$0xAC00] =	vst v0  }
0x337: {  	[tilespmem:s19+$0xAC10] =	vst v0  }
0x338: {  	[tilespmem:s19+$0xAC20] =	vst v0  }
0x339: {  	[tilespmem:s19+$0xAC30] =	vst v0  }
0x33a: {  	[tilespmem:s19+$0xAC40] =	vst v0  }
0x33b: {  	[tilespmem:s19+$0xAC50] =	vst v0  }
0x33c: {  	s18 =	simm.s32 $0x1840;
	[tilespmem:s19+$0xAC60] =	vst v0;
	s19 =	simm.s32 $0x840  }
.LBB2_8:
0x33d: {  	v5 =	vld [tilespmem:s19+$0xFFFFF800];
	_ =	sdelay $0x2  }
0x33e: {  	v4 =	vmov s17  }
0x33f: {  	v4 =	vshll.u32 v4, $0x9  }
0x340: {  	v4 =	vor.u32 v2, v4;
	v6 =	vshll.u32 v5, $0x3  }
0x341: {  	v4 =	vand.u32 $0x7000, v4;
	v7 =	vand.u32 $0x7F, v5;
	v6 =	vand.u32 $0xC00, v6  }
0x342: {  	v4 =	vor.u32 v3, v4;
	v6 =	vor.u32 v6, v7  }
0x343: {  	v6 =	vor.u32 v4, v6;
	_ =	sdelay $0x1  }
0x344: {  	v5 =	vshra.s32 v5, $0x6  }
0x345: {  	v5 =	vand.u32 $0xFFFFFFF8, v5  }
0x346: {  	v5 =	vshll.u32 v1, v5  }
0x347: {  	[tilespmem:v6+s13+$0x0] =	vst.idx.add.s32.msk $0xffff, v5  }
0x348: {  	v5 =	vld [tilespmem:s18+$0xFFFFF800];
	_ =	sdelay $0x4  }
0x349: {  	v48 =	vshll.u32 v5, $0x3  }
0x34a: {  	v49 =	vand.u32 $0x7F, v5;
	v6 =	vand.u32 $0xC00, v48  }
0x34b: {  	v6 =	vor.u32 v6, v49  }
0x34c: {  	v6 =	vor.u32 v4, v6  }
0x34d: {  	v5 =	vadd.s32 $0x400, v5  }
0x34e: {  	v5 =	vshra.s32 v5, $0x6  }
0x34f: {  	v5 =	vand.u32 $0xFFFFFFF8, v5  }
0x350: {  	v5 =	vshll.u32 v1, v5  }
0x351: {  	[tilespmem:v6+s13+$0x0] =	vst.idx.add.s32.msk $0xffff, v5  }
0x352: {  	v5 =	vld [tilespmem:s19+$0xFFFFF880];
	_ =	sdelay $0x4  }
0x353: {  	v50 =	vshll.u32 v5, $0x3  }
0x354: {  	v51 =	vand.u32 $0x7F, v5;
	v6 =	vand.u32 $0xC00, v50  }
0x355: {  	v6 =	vor.u32 v6, v51  }
0x356: {  	v6 =	vor.u32 v4, v6;
	_ =	sdelay $0x1  }
0x357: {  	v5 =	vshra.s32 v5, $0x6  }
0x358: {  	v5 =	vand.u32 $0xFFFFFFF8, v5  }
0x359: {  	v5 =	vshll.u32 v1, v5  }
0x35a: {  	[tilespmem:v6+s13+$0x0] =	vst.idx.add.s32.msk $0xffff, v5  }
0x35b: {  	v5 =	vld [tilespmem:s18+$0xFFFFF880];
	_ =	sdelay $0x4  }
0x35c: {  	v52 =	vshll.u32 v5, $0x3  }
0x35d: {  	v53 =	vand.u32 $0x7F, v5;
	v6 =	vand.u32 $0xC00, v52  }
0x35e: {  	v6 =	vor.u32 v6, v53  }
0x35f: {  	v6 =	vor.u32 v4, v6  }
0x360: {  	v5 =	vadd.s32 $0x400, v5  }
0x361: {  	v5 =	vshra.s32 v5, $0x6  }
0x362: {  	v5 =	vand.u32 $0xFFFFFFF8, v5  }
0x363: {  	v5 =	vshll.u32 v1, v5  }
0x364: {  	[tilespmem:v6+s13+$0x0] =	vst.idx.add.s32.msk $0xffff, v5  }
0x365: {  	v5 =	vld [tilespmem:s19+$0xFFFFF900];
	_ =	sdelay $0x4  }
0x366: {  	v54 =	vshll.u32 v5, $0x3  }
0x367: {  	v55 =	vand.u32 $0x7F, v5;
	v6 =	vand.u32 $0xC00, v54  }
0x368: {  	v6 =	vor.u32 v6, v55  }
0x369: {  	v6 =	vor.u32 v4, v6;
	_ =	sdelay $0x1  }
0x36a: {  	v5 =	vshra.s32 v5, $0x6  }
0x36b: {  	v5 =	vand.u32 $0xFFFFFFF8, v5  }
0x36c: {  	v5 =	vshll.u32 v1, v5  }
0x36d: {  	[tilespmem:v6+s13+$0x0] =	vst.idx.add.s32.msk $0xffff, v5  }
0x36e: {  	v5 =	vld [tilespmem:s18+$0xFFFFF900];
	_ =	sdelay $0x4  }
0x36f: {  	v56 =	vshll.u32 v5, $0x3  }
0x370: {  	v57 =	vand.u32 $0x7F, v5;
	v6 =	vand.u32 $0xC00, v56  }
0x371: {  	v6 =	vor.u32 v6, v57  }
0x372: {  	v6 =	vor.u32 v4, v6  }
0x373: {  	v5 =	vadd.s32 $0x400, v5  }
0x374: {  	v5 =	vshra.s32 v5, $0x6  }
0x375: {  	v5 =	vand.u32 $0xFFFFFFF8, v5  }
0x376: {  	v5 =	vshll.u32 v1, v5  }
0x377: {  	[tilespmem:v6+s13+$0x0] =	vst.idx.add.s32.msk $0xffff, v5  }
0x378: {  	v5 =	vld [tilespmem:s19+$0xFFFFF980];
	_ =	sdelay $0x4  }
0x379: {  	v58 =	vshll.u32 v5, $0x3  }
0x37a: {  	v59 =	vand.u32 $0x7F, v5;
	v6 =	vand.u32 $0xC00, v58  }
0x37b: {  	v6 =	vor.u32 v6, v59  }
0x37c: {  	v6 =	vor.u32 v4, v6;
	_ =	sdelay $0x1  }
0x37d: {  	v5 =	vshra.s32 v5, $0x6  }
0x37e: {  	v5 =	vand.u32 $0xFFFFFFF8, v5  }
0x37f: {  	v5 =	vshll.u32 v1, v5  }
0x380: {  	[tilespmem:v6+s13+$0x0] =	vst.idx.add.s32.msk $0xffff, v5  }
0x381: {  	v5 =	vld [tilespmem:s18+$0xFFFFF980];
	_ =	sdelay $0x4  }
0x382: {  	v60 =	vshll.u32 v5, $0x3  }
0x383: {  	v61 =	vand.u32 $0x7F, v5;
	v6 =	vand.u32 $0xC00, v60  }
0x384: {  	v6 =	vor.u32 v6, v61  }
0x385: {  	v6 =	vor.u32 v4, v6  }
0x386: {  	v5 =	vadd.s32 $0x400, v5  }
0x387: {  	v5 =	vshra.s32 v5, $0x6  }
0x388: {  	v5 =	vand.u32 $0xFFFFFFF8, v5  }
0x389: {  	v5 =	vshll.u32 v1, v5  }
0x38a: {  	[tilespmem:v6+s13+$0x0] =	vst.idx.add.s32.msk $0xffff, v5  }
0x38b: {  	v5 =	vld [tilespmem:s19+$0xFFFFFA00];
	_ =	sdelay $0x4  }
0x38c: {  	v62 =	vshll.u32 v5, $0x3  }
0x38d: {  	v63 =	vand.u32 $0x7F, v5;
	v6 =	vand.u32 $0xC00, v62  }
0x38e: {  	v6 =	vor.u32 v6, v63  }
0x38f: {  	v6 =	vor.u32 v4, v6;
	_ =	sdelay $0x1  }
0x390: {  	v5 =	vshra.s32 v5, $0x6  }
0x391: {  	v5 =	vand.u32 $0xFFFFFFF8, v5  }
0x392: {  	v5 =	vshll.u32 v1, v5  }
0x393: {  	[tilespmem:v6+s13+$0x0] =	vst.idx.add.s32.msk $0xffff, v5  }
0x394: {  	v5 =	vld [tilespmem:s18+$0xFFFFFA00];
	_ =	sdelay $0x4  }
0x395: {  	v9 =	vshll.u32 v5, $0x3  }
0x396: {  	v10 =	vand.u32 $0x7F, v5;
	v6 =	vand.u32 $0xC00, v9  }
0x397: {  	v6 =	vor.u32 v6, v10  }
0x398: {  	v6 =	vor.u32 v4, v6  }
0x399: {  	v5 =	vadd.s32 $0x400, v5  }
0x39a: {  	v5 =	vshra.s32 v5, $0x6  }
0x39b: {  	v5 =	vand.u32 $0xFFFFFFF8, v5  }
0x39c: {  	v5 =	vshll.u32 v1, v5  }
0x39d: {  	[tilespmem:v6+s13+$0x0] =	vst.idx.add.s32.msk $0xffff, v5  }
0x39e: {  	v5 =	vld [tilespmem:s19+$0xFFFFFA80];
	_ =	sdelay $0x4  }
0x39f: {  	v11 =	vshll.u32 v5, $0x3  }
0x3a0: {  	v12 =	vand.u32 $0x7F, v5;
	v6 =	vand.u32 $0xC00, v11  }
0x3a1: {  	v6 =	vor.u32 v6, v12  }
0x3a2: {  	v6 =	vor.u32 v4, v6;
	_ =	sdelay $0x1  }
0x3a3: {  	v5 =	vshra.s32 v5, $0x6  }
0x3a4: {  	v5 =	vand.u32 $0xFFFFFFF8, v5  }
0x3a5: {  	v5 =	vshll.u32 v1, v5  }
0x3a6: {  	[tilespmem:v6+s13+$0x0] =	vst.idx.add.s32.msk $0xffff, v5  }
0x3a7: {  	v5 =	vld [tilespmem:s18+$0xFFFFFA80];
	_ =	sdelay $0x4  }
0x3a8: {  	v13 =	vshll.u32 v5, $0x3  }
0x3a9: {  	v14 =	vand.u32 $0x7F, v5;
	v6 =	vand.u32 $0xC00, v13  }
0x3aa: {  	v6 =	vor.u32 v6, v14  }
0x3ab: {  	v6 =	vor.u32 v4, v6  }
0x3ac: {  	v5 =	vadd.s32 $0x400, v5  }
0x3ad: {  	v5 =	vshra.s32 v5, $0x6  }
0x3ae: {  	v5 =	vand.u32 $0xFFFFFFF8, v5  }
0x3af: {  	v5 =	vshll.u32 v1, v5  }
0x3b0: {  	[tilespmem:v6+s13+$0x0] =	vst.idx.add.s32.msk $0xffff, v5  }
0x3b1: {  	v5 =	vld [tilespmem:s19+$0xFFFFFB00];
	_ =	sdelay $0x4  }
0x3b2: {  	v15 =	vshll.u32 v5, $0x3  }
0x3b3: {  	v16 =	vand.u32 $0x7F, v5;
	v6 =	vand.u32 $0xC00, v15  }
0x3b4: {  	v6 =	vor.u32 v6, v16  }
0x3b5: {  	v6 =	vor.u32 v4, v6;
	_ =	sdelay $0x1  }
0x3b6: {  	v5 =	vshra.s32 v5, $0x6  }
0x3b7: {  	v5 =	vand.u32 $0xFFFFFFF8, v5  }
0x3b8: {  	v5 =	vshll.u32 v1, v5  }
0x3b9: {  	[tilespmem:v6+s13+$0x0] =	vst.idx.add.s32.msk $0xffff, v5  }
0x3ba: {  	v5 =	vld [tilespmem:s18+$0xFFFFFB00];
	_ =	sdelay $0x4  }
0x3bb: {  	v17 =	vshll.u32 v5, $0x3  }
0x3bc: {  	v18 =	vand.u32 $0x7F, v5;
	v6 =	vand.u32 $0xC00, v17  }
0x3bd: {  	v6 =	vor.u32 v6, v18  }
0x3be: {  	v6 =	vor.u32 v4, v6  }
0x3bf: {  	v5 =	vadd.s32 $0x400, v5  }
0x3c0: {  	v5 =	vshra.s32 v5, $0x6  }
0x3c1: {  	v5 =	vand.u32 $0xFFFFFFF8, v5  }
0x3c2: {  	v5 =	vshll.u32 v1, v5  }
0x3c3: {  	[tilespmem:v6+s13+$0x0] =	vst.idx.add.s32.msk $0xffff, v5  }
0x3c4: {  	v5 =	vld [tilespmem:s19+$0xFFFFFB80];
	_ =	sdelay $0x4  }
0x3c5: {  	v19 =	vshll.u32 v5, $0x3  }
0x3c6: {  	v20 =	vand.u32 $0x7F, v5;
	v6 =	vand.u32 $0xC00, v19  }
0x3c7: {  	v6 =	vor.u32 v6, v20  }
0x3c8: {  	v6 =	vor.u32 v4, v6;
	_ =	sdelay $0x1  }
0x3c9: {  	v5 =	vshra.s32 v5, $0x6  }
0x3ca: {  	v5 =	vand.u32 $0xFFFFFFF8, v5  }
0x3cb: {  	v5 =	vshll.u32 v1, v5  }
0x3cc: {  	[tilespmem:v6+s13+$0x0] =	vst.idx.add.s32.msk $0xffff, v5  }
0x3cd: {  	v5 =	vld [tilespmem:s18+$0xFFFFFB80];
	_ =	sdelay $0x4  }
0x3ce: {  	v21 =	vshll.u32 v5, $0x3  }
0x3cf: {  	v22 =	vand.u32 $0x7F, v5;
	v6 =	vand.u32 $0xC00, v21  }
0x3d0: {  	v6 =	vor.u32 v6, v22  }
0x3d1: {  	v6 =	vor.u32 v4, v6  }
0x3d2: {  	v5 =	vadd.s32 $0x400, v5  }
0x3d3: {  	v5 =	vshra.s32 v5, $0x6  }
0x3d4: {  	v5 =	vand.u32 $0xFFFFFFF8, v5  }
0x3d5: {  	v5 =	vshll.u32 v1, v5  }
0x3d6: {  	[tilespmem:v6+s13+$0x0] =	vst.idx.add.s32.msk $0xffff, v5  }
0x3d7: {  	v5 =	vld [tilespmem:s19+$0xFFFFFC00];
	_ =	sdelay $0x4  }
0x3d8: {  	v23 =	vshll.u32 v5, $0x3  }
0x3d9: {  	v24 =	vand.u32 $0x7F, v5;
	v6 =	vand.u32 $0xC00, v23  }
0x3da: {  	v6 =	vor.u32 v6, v24  }
0x3db: {  	v6 =	vor.u32 v4, v6;
	_ =	sdelay $0x1  }
0x3dc: {  	v5 =	vshra.s32 v5, $0x6  }
0x3dd: {  	v5 =	vand.u32 $0xFFFFFFF8, v5  }
0x3de: {  	v5 =	vshll.u32 v1, v5  }
0x3df: {  	[tilespmem:v6+s13+$0x0] =	vst.idx.add.s32.msk $0xffff, v5  }
0x3e0: {  	v5 =	vld [tilespmem:s18+$0xFFFFFC00];
	_ =	sdelay $0x4  }
0x3e1: {  	v25 =	vshll.u32 v5, $0x3  }
0x3e2: {  	v26 =	vand.u32 $0x7F, v5;
	v6 =	vand.u32 $0xC00, v25  }
0x3e3: {  	v6 =	vor.u32 v6, v26  }
0x3e4: {  	v6 =	vor.u32 v4, v6  }
0x3e5: {  	v5 =	vadd.s32 $0x400, v5  }
0x3e6: {  	v5 =	vshra.s32 v5, $0x6  }
0x3e7: {  	v5 =	vand.u32 $0xFFFFFFF8, v5  }
0x3e8: {  	v5 =	vshll.u32 v1, v5  }
0x3e9: {  	[tilespmem:v6+s13+$0x0] =	vst.idx.add.s32.msk $0xffff, v5  }
0x3ea: {  	v5 =	vld [tilespmem:s19+$0xFFFFFC80];
	_ =	sdelay $0x4  }
0x3eb: {  	v27 =	vshll.u32 v5, $0x3  }
0x3ec: {  	v28 =	vand.u32 $0x7F, v5;
	v6 =	vand.u32 $0xC00, v27  }
0x3ed: {  	v6 =	vor.u32 v6, v28  }
0x3ee: {  	v6 =	vor.u32 v4, v6;
	_ =	sdelay $0x1  }
0x3ef: {  	v5 =	vshra.s32 v5, $0x6  }
0x3f0: {  	v5 =	vand.u32 $0xFFFFFFF8, v5  }
0x3f1: {  	v5 =	vshll.u32 v1, v5  }
0x3f2: {  	[tilespmem:v6+s13+$0x0] =	vst.idx.add.s32.msk $0xffff, v5  }
0x3f3: {  	v5 =	vld [tilespmem:s18+$0xFFFFFC80];
	_ =	sdelay $0x4  }
0x3f4: {  	v29 =	vshll.u32 v5, $0x3  }
0x3f5: {  	v30 =	vand.u32 $0x7F, v5;
	v6 =	vand.u32 $0xC00, v29  }
0x3f6: {  	v6 =	vor.u32 v6, v30  }
0x3f7: {  	v6 =	vor.u32 v4, v6  }
0x3f8: {  	v5 =	vadd.s32 $0x400, v5  }
0x3f9: {  	v5 =	vshra.s32 v5, $0x6  }
0x3fa: {  	v5 =	vand.u32 $0xFFFFFFF8, v5  }
0x3fb: {  	v5 =	vshll.u32 v1, v5  }
0x3fc: {  	[tilespmem:v6+s13+$0x0] =	vst.idx.add.s32.msk $0xffff, v5  }
0x3fd: {  	v5 =	vld [tilespmem:s19+$0xFFFFFD00];
	_ =	sdelay $0x4  }
0x3fe: {  	v31 =	vshll.u32 v5, $0x3  }
0x3ff: {  	v32 =	vand.u32 $0x7F, v5;
	v6 =	vand.u32 $0xC00, v31  }
0x400: {  	v6 =	vor.u32 v6, v32  }
0x401: {  	v6 =	vor.u32 v4, v6;
	_ =	sdelay $0x1  }
0x402: {  	v5 =	vshra.s32 v5, $0x6  }
0x403: {  	v5 =	vand.u32 $0xFFFFFFF8, v5  }
0x404: {  	v5 =	vshll.u32 v1, v5  }
0x405: {  	[tilespmem:v6+s13+$0x0] =	vst.idx.add.s32.msk $0xffff, v5  }
0x406: {  	v5 =	vld [tilespmem:s18+$0xFFFFFD00];
	_ =	sdelay $0x4  }
0x407: {  	v33 =	vshll.u32 v5, $0x3  }
0x408: {  	v34 =	vand.u32 $0x7F, v5;
	v6 =	vand.u32 $0xC00, v33  }
0x409: {  	v6 =	vor.u32 v6, v34  }
0x40a: {  	v6 =	vor.u32 v4, v6  }
0x40b: {  	v5 =	vadd.s32 $0x400, v5  }
0x40c: {  	v5 =	vshra.s32 v5, $0x6  }
0x40d: {  	v5 =	vand.u32 $0xFFFFFFF8, v5  }
0x40e: {  	v5 =	vshll.u32 v1, v5  }
0x40f: {  	[tilespmem:v6+s13+$0x0] =	vst.idx.add.s32.msk $0xffff, v5  }
0x410: {  	v5 =	vld [tilespmem:s19+$0xFFFFFD80];
	_ =	sdelay $0x4  }
0x411: {  	v35 =	vshll.u32 v5, $0x3  }
0x412: {  	v36 =	vand.u32 $0x7F, v5;
	v6 =	vand.u32 $0xC00, v35  }
0x413: {  	v6 =	vor.u32 v6, v36  }
0x414: {  	v6 =	vor.u32 v4, v6;
	_ =	sdelay $0x1  }
0x415: {  	v5 =	vshra.s32 v5, $0x6  }
0x416: {  	v5 =	vand.u32 $0xFFFFFFF8, v5  }
0x417: {  	v5 =	vshll.u32 v1, v5  }
0x418: {  	[tilespmem:v6+s13+$0x0] =	vst.idx.add.s32.msk $0xffff, v5  }
0x419: {  	v5 =	vld [tilespmem:s18+$0xFFFFFD80];
	_ =	sdelay $0x4  }
0x41a: {  	v37 =	vshll.u32 v5, $0x3  }
0x41b: {  	v38 =	vand.u32 $0x7F, v5;
	v6 =	vand.u32 $0xC00, v37  }
0x41c: {  	v6 =	vor.u32 v6, v38  }
0x41d: {  	v6 =	vor.u32 v4, v6  }
0x41e: {  	v5 =	vadd.s32 $0x400, v5  }
0x41f: {  	v5 =	vshra.s32 v5, $0x6  }
0x420: {  	v5 =	vand.u32 $0xFFFFFFF8, v5  }
0x421: {  	v5 =	vshll.u32 v1, v5  }
0x422: {  	[tilespmem:v6+s13+$0x0] =	vst.idx.add.s32.msk $0xffff, v5  }
0x423: {  	v5 =	vld [tilespmem:s19+$0xFFFFFE00];
	_ =	sdelay $0x4  }
0x424: {  	v39 =	vshll.u32 v5, $0x3  }
0x425: {  	v40 =	vand.u32 $0x7F, v5;
	v6 =	vand.u32 $0xC00, v39  }
0x426: {  	v6 =	vor.u32 v6, v40  }
0x427: {  	v6 =	vor.u32 v4, v6;
	_ =	sdelay $0x1  }
0x428: {  	v5 =	vshra.s32 v5, $0x6  }
0x429: {  	v5 =	vand.u32 $0xFFFFFFF8, v5  }
0x42a: {  	v5 =	vshll.u32 v1, v5  }
0x42b: {  	[tilespmem:v6+s13+$0x0] =	vst.idx.add.s32.msk $0xffff, v5  }
0x42c: {  	v5 =	vld [tilespmem:s18+$0xFFFFFE00];
	_ =	sdelay $0x4  }
0x42d: {  	v41 =	vshll.u32 v5, $0x3  }
0x42e: {  	v42 =	vand.u32 $0x7F, v5;
	v6 =	vand.u32 $0xC00, v41  }
0x42f: {  	v6 =	vor.u32 v6, v42  }
0x430: {  	v6 =	vor.u32 v4, v6  }
0x431: {  	v5 =	vadd.s32 $0x400, v5  }
0x432: {  	v5 =	vshra.s32 v5, $0x6  }
0x433: {  	v5 =	vand.u32 $0xFFFFFFF8, v5  }
0x434: {  	v5 =	vshll.u32 v1, v5  }
0x435: {  	[tilespmem:v6+s13+$0x0] =	vst.idx.add.s32.msk $0xffff, v5  }
0x436: {  	v5 =	vld [tilespmem:s19+$0xFFFFFE80];
	_ =	sdelay $0x4  }
0x437: {  	v43 =	vshll.u32 v5, $0x3  }
0x438: {  	v44 =	vand.u32 $0x7F, v5;
	v6 =	vand.u32 $0xC00, v43  }
0x439: {  	v6 =	vor.u32 v6, v44  }
0x43a: {  	v6 =	vor.u32 v4, v6;
	_ =	sdelay $0x1  }
0x43b: {  	v5 =	vshra.s32 v5, $0x6  }
0x43c: {  	v5 =	vand.u32 $0xFFFFFFF8, v5  }
0x43d: {  	v5 =	vshll.u32 v1, v5  }
0x43e: {  	[tilespmem:v6+s13+$0x0] =	vst.idx.add.s32.msk $0xffff, v5  }
0x43f: {  	v5 =	vld [tilespmem:s18+$0xFFFFFE80];
	_ =	sdelay $0x4  }
0x440: {  	v45 =	vshll.u32 v5, $0x3  }
0x441: {  	v46 =	vand.u32 $0x7F, v5;
	v6 =	vand.u32 $0xC00, v45  }
0x442: {  	v6 =	vor.u32 v6, v46  }
0x443: {  	v6 =	vor.u32 v4, v6  }
0x444: {  	v5 =	vadd.s32 $0x400, v5  }
0x445: {  	v5 =	vshra.s32 v5, $0x6  }
0x446: {  	v5 =	vand.u32 $0xFFFFFFF8, v5  }
0x447: {  	v5 =	vshll.u32 v1, v5  }
0x448: {  	[tilespmem:v6+s13+$0x0] =	vst.idx.add.s32.msk $0xffff, v5  }
0x449: {  	v5 =	vld [tilespmem:s19+$0xFFFFFF00];
	_ =	sdelay $0x4  }
0x44a: {  	v47 =	vshll.u32 v5, $0x3  }
0x44b: {  	v48 =	vand.u32 $0x7F, v5;
	v6 =	vand.u32 $0xC00, v47  }
0x44c: {  	v6 =	vor.u32 v6, v48  }
0x44d: {  	v6 =	vor.u32 v4, v6;
	_ =	sdelay $0x1  }
0x44e: {  	v5 =	vshra.s32 v5, $0x6  }
0x44f: {  	v5 =	vand.u32 $0xFFFFFFF8, v5  }
0x450: {  	v5 =	vshll.u32 v1, v5  }
0x451: {  	[tilespmem:v6+s13+$0x0] =	vst.idx.add.s32.msk $0xffff, v5  }
0x452: {  	v5 =	vld [tilespmem:s18+$0xFFFFFF00];
	_ =	sdelay $0x4  }
0x453: {  	v49 =	vshll.u32 v5, $0x3  }
0x454: {  	v50 =	vand.u32 $0x7F, v5;
	v6 =	vand.u32 $0xC00, v49  }
0x455: {  	v6 =	vor.u32 v6, v50  }
0x456: {  	v6 =	vor.u32 v4, v6  }
0x457: {  	v5 =	vadd.s32 $0x400, v5  }
0x458: {  	v5 =	vshra.s32 v5, $0x6  }
0x459: {  	v5 =	vand.u32 $0xFFFFFFF8, v5  }
0x45a: {  	v5 =	vshll.u32 v1, v5  }
0x45b: {  	[tilespmem:v6+s13+$0x0] =	vst.idx.add.s32.msk $0xffff, v5  }
0x45c: {  	v5 =	vld [tilespmem:s19+$0xFFFFFF80];
	_ =	sdelay $0x4  }
0x45d: {  	v51 =	vshll.u32 v5, $0x3  }
0x45e: {  	v52 =	vand.u32 $0x7F, v5;
	v6 =	vand.u32 $0xC00, v51  }
0x45f: {  	v6 =	vor.u32 v6, v52  }
0x460: {  	v6 =	vor.u32 v4, v6;
	_ =	sdelay $0x1  }
0x461: {  	v5 =	vshra.s32 v5, $0x6  }
0x462: {  	v5 =	vand.u32 $0xFFFFFFF8, v5  }
0x463: {  	v5 =	vshll.u32 v1, v5  }
0x464: {  	[tilespmem:v6+s13+$0x0] =	vst.idx.add.s32.msk $0xffff, v5  }
0x465: {  	v5 =	vld [tilespmem:s18+$0xFFFFFF80];
	_ =	sdelay $0x4  }
0x466: {  	v53 =	vshll.u32 v5, $0x3  }
0x467: {  	v54 =	vand.u32 $0x7F, v5;
	v6 =	vand.u32 $0xC00, v53  }
0x468: {  	v6 =	vor.u32 v6, v54  }
0x469: {  	v6 =	vor.u32 v4, v6  }
0x46a: {  	v5 =	vadd.s32 $0x400, v5  }
0x46b: {  	v5 =	vshra.s32 v5, $0x6  }
0x46c: {  	v5 =	vand.u32 $0xFFFFFFF8, v5  }
0x46d: {  	v5 =	vshll.u32 v1, v5  }
0x46e: {  	[tilespmem:v6+s13+$0x0] =	vst.idx.add.s32.msk $0xffff, v5  }
0x46f: {  	v5 =	vld [tilespmem:s19+$0x0];
	_ =	sdelay $0x4  }
0x470: {  	v55 =	vshll.u32 v5, $0x3  }
0x471: {  	v56 =	vand.u32 $0x7F, v5;
	v6 =	vand.u32 $0xC00, v55  }
0x472: {  	v6 =	vor.u32 v6, v56  }
0x473: {  	v6 =	vor.u32 v4, v6;
	_ =	sdelay $0x1  }
0x474: {  	v5 =	vshra.s32 v5, $0x6  }
0x475: {  	v5 =	vand.u32 $0xFFFFFFF8, v5  }
0x476: {  	v5 =	vshll.u32 v1, v5  }
0x477: {  	[tilespmem:v6+s13+$0x0] =	vst.idx.add.s32.msk $0xffff, v5  }
0x478: {  	v5 =	vld [tilespmem:s18+$0x0];
	_ =	sdelay $0x4  }
0x479: {  	v57 =	vshll.u32 v5, $0x3  }
0x47a: {  	v58 =	vand.u32 $0x7F, v5;
	v6 =	vand.u32 $0xC00, v57  }
0x47b: {  	v6 =	vor.u32 v6, v58  }
0x47c: {  	v6 =	vor.u32 v4, v6  }
0x47d: {  	v5 =	vadd.s32 $0x400, v5  }
0x47e: {  	v5 =	vshra.s32 v5, $0x6  }
0x47f: {  	v5 =	vand.u32 $0xFFFFFFF8, v5  }
0x480: {  	v5 =	vshll.u32 v1, v5  }
0x481: {  	[tilespmem:v6+s13+$0x0] =	vst.idx.add.s32.msk $0xffff, v5  }
0x482: {  	v5 =	vld [tilespmem:s19+$0x80];
	_ =	sdelay $0x4  }
0x483: {  	v59 =	vshll.u32 v5, $0x3  }
0x484: {  	v60 =	vand.u32 $0x7F, v5;
	v6 =	vand.u32 $0xC00, v59  }
0x485: {  	v6 =	vor.u32 v6, v60  }
0x486: {  	v6 =	vor.u32 v4, v6;
	_ =	sdelay $0x1  }
0x487: {  	v5 =	vshra.s32 v5, $0x6  }
0x488: {  	v5 =	vand.u32 $0xFFFFFFF8, v5  }
0x489: {  	v5 =	vshll.u32 v1, v5  }
0x48a: {  	[tilespmem:v6+s13+$0x0] =	vst.idx.add.s32.msk $0xffff, v5  }
0x48b: {  	v5 =	vld [tilespmem:s18+$0x80];
	_ =	sdelay $0x4  }
0x48c: {  	v61 =	vshll.u32 v5, $0x3  }
0x48d: {  	v62 =	vand.u32 $0x7F, v5;
	v6 =	vand.u32 $0xC00, v61  }
0x48e: {  	v6 =	vor.u32 v6, v62  }
0x48f: {  	v6 =	vor.u32 v4, v6  }
0x490: {  	v5 =	vadd.s32 $0x400, v5  }
0x491: {  	v5 =	vshra.s32 v5, $0x6  }
0x492: {  	v5 =	vand.u32 $0xFFFFFFF8, v5  }
0x493: {  	v5 =	vshll.u32 v1, v5  }
0x494: {  	[tilespmem:v6+s13+$0x0] =	vst.idx.add.s32.msk $0xffff, v5  }
0x495: {  	v5 =	vld [tilespmem:s19+$0x100];
	_ =	sdelay $0x4  }
0x496: {  	v63 =	vshll.u32 v5, $0x3  }
0x497: {  	v9 =	vand.u32 $0x7F, v5;
	v6 =	vand.u32 $0xC00, v63  }
0x498: {  	v6 =	vor.u32 v6, v9  }
0x499: {  	v6 =	vor.u32 v4, v6;
	_ =	sdelay $0x1  }
0x49a: {  	v5 =	vshra.s32 v5, $0x6  }
0x49b: {  	v5 =	vand.u32 $0xFFFFFFF8, v5  }
0x49c: {  	v5 =	vshll.u32 v1, v5  }
0x49d: {  	[tilespmem:v6+s13+$0x0] =	vst.idx.add.s32.msk $0xffff, v5  }
0x49e: {  	v5 =	vld [tilespmem:s18+$0x100];
	_ =	sdelay $0x4  }
0x49f: {  	v10 =	vshll.u32 v5, $0x3  }
0x4a0: {  	v11 =	vand.u32 $0x7F, v5;
	v6 =	vand.u32 $0xC00, v10  }
0x4a1: {  	v6 =	vor.u32 v6, v11  }
0x4a2: {  	v6 =	vor.u32 v4, v6  }
0x4a3: {  	v5 =	vadd.s32 $0x400, v5  }
0x4a4: {  	v5 =	vshra.s32 v5, $0x6  }
0x4a5: {  	v5 =	vand.u32 $0xFFFFFFF8, v5  }
0x4a6: {  	v5 =	vshll.u32 v1, v5  }
0x4a7: {  	[tilespmem:v6+s13+$0x0] =	vst.idx.add.s32.msk $0xffff, v5  }
0x4a8: {  	v5 =	vld [tilespmem:s19+$0x180];
	_ =	sdelay $0x4  }
0x4a9: {  	v12 =	vshll.u32 v5, $0x3  }
0x4aa: {  	v13 =	vand.u32 $0x7F, v5;
	v6 =	vand.u32 $0xC00, v12  }
0x4ab: {  	v6 =	vor.u32 v6, v13  }
0x4ac: {  	v6 =	vor.u32 v4, v6;
	_ =	sdelay $0x1  }
0x4ad: {  	v5 =	vshra.s32 v5, $0x6  }
0x4ae: {  	v5 =	vand.u32 $0xFFFFFFF8, v5  }
0x4af: {  	v5 =	vshll.u32 v1, v5  }
0x4b0: {  	[tilespmem:v6+s13+$0x0] =	vst.idx.add.s32.msk $0xffff, v5  }
0x4b1: {  	v5 =	vld [tilespmem:s18+$0x180];
	_ =	sdelay $0x4  }
0x4b2: {  	v14 =	vshll.u32 v5, $0x3  }
0x4b3: {  	v15 =	vand.u32 $0x7F, v5;
	v6 =	vand.u32 $0xC00, v14  }
0x4b4: {  	v6 =	vor.u32 v6, v15  }
0x4b5: {  	v6 =	vor.u32 v4, v6  }
0x4b6: {  	v5 =	vadd.s32 $0x400, v5  }
0x4b7: {  	v5 =	vshra.s32 v5, $0x6  }
0x4b8: {  	v5 =	vand.u32 $0xFFFFFFF8, v5  }
0x4b9: {  	v5 =	vshll.u32 v1, v5  }
0x4ba: {  	[tilespmem:v6+s13+$0x0] =	vst.idx.add.s32.msk $0xffff, v5  }
0x4bb: {  	v5 =	vld [tilespmem:s19+$0x200];
	_ =	sdelay $0x4  }
0x4bc: {  	v16 =	vshll.u32 v5, $0x3  }
0x4bd: {  	v17 =	vand.u32 $0x7F, v5;
	v6 =	vand.u32 $0xC00, v16  }
0x4be: {  	v6 =	vor.u32 v6, v17  }
0x4bf: {  	v6 =	vor.u32 v4, v6;
	_ =	sdelay $0x1  }
0x4c0: {  	v5 =	vshra.s32 v5, $0x6  }
0x4c1: {  	v5 =	vand.u32 $0xFFFFFFF8, v5  }
0x4c2: {  	v5 =	vshll.u32 v1, v5  }
0x4c3: {  	[tilespmem:v6+s13+$0x0] =	vst.idx.add.s32.msk $0xffff, v5  }
0x4c4: {  	v5 =	vld [tilespmem:s18+$0x200];
	_ =	sdelay $0x4  }
0x4c5: {  	v18 =	vshll.u32 v5, $0x3  }
0x4c6: {  	v19 =	vand.u32 $0x7F, v5;
	v6 =	vand.u32 $0xC00, v18  }
0x4c7: {  	v6 =	vor.u32 v6, v19  }
0x4c8: {  	v6 =	vor.u32 v4, v6  }
0x4c9: {  	v5 =	vadd.s32 $0x400, v5  }
0x4ca: {  	v5 =	vshra.s32 v5, $0x6  }
0x4cb: {  	v5 =	vand.u32 $0xFFFFFFF8, v5  }
0x4cc: {  	v5 =	vshll.u32 v1, v5  }
0x4cd: {  	[tilespmem:v6+s13+$0x0] =	vst.idx.add.s32.msk $0xffff, v5  }
0x4ce: {  	v5 =	vld [tilespmem:s19+$0x280];
	_ =	sdelay $0x4  }
0x4cf: {  	v20 =	vshll.u32 v5, $0x3  }
0x4d0: {  	v21 =	vand.u32 $0x7F, v5;
	v6 =	vand.u32 $0xC00, v20  }
0x4d1: {  	v6 =	vor.u32 v6, v21  }
0x4d2: {  	v6 =	vor.u32 v4, v6;
	_ =	sdelay $0x1  }
0x4d3: {  	v5 =	vshra.s32 v5, $0x6  }
0x4d4: {  	v5 =	vand.u32 $0xFFFFFFF8, v5  }
0x4d5: {  	v5 =	vshll.u32 v1, v5  }
0x4d6: {  	[tilespmem:v6+s13+$0x0] =	vst.idx.add.s32.msk $0xffff, v5  }
0x4d7: {  	v5 =	vld [tilespmem:s18+$0x280];
	_ =	sdelay $0x4  }
0x4d8: {  	v22 =	vshll.u32 v5, $0x3  }
0x4d9: {  	v23 =	vand.u32 $0x7F, v5;
	v6 =	vand.u32 $0xC00, v22  }
0x4da: {  	v6 =	vor.u32 v6, v23  }
0x4db: {  	v6 =	vor.u32 v4, v6  }
0x4dc: {  	v5 =	vadd.s32 $0x400, v5  }
0x4dd: {  	v5 =	vshra.s32 v5, $0x6  }
0x4de: {  	v5 =	vand.u32 $0xFFFFFFF8, v5  }
0x4df: {  	v5 =	vshll.u32 v1, v5  }
0x4e0: {  	[tilespmem:v6+s13+$0x0] =	vst.idx.add.s32.msk $0xffff, v5  }
0x4e1: {  	v5 =	vld [tilespmem:s19+$0x300];
	_ =	sdelay $0x4  }
0x4e2: {  	v24 =	vshll.u32 v5, $0x3  }
0x4e3: {  	v25 =	vand.u32 $0x7F, v5;
	v6 =	vand.u32 $0xC00, v24  }
0x4e4: {  	v6 =	vor.u32 v6, v25  }
0x4e5: {  	v6 =	vor.u32 v4, v6;
	_ =	sdelay $0x1  }
0x4e6: {  	v5 =	vshra.s32 v5, $0x6  }
0x4e7: {  	v5 =	vand.u32 $0xFFFFFFF8, v5  }
0x4e8: {  	v5 =	vshll.u32 v1, v5  }
0x4e9: {  	[tilespmem:v6+s13+$0x0] =	vst.idx.add.s32.msk $0xffff, v5  }
0x4ea: {  	v5 =	vld [tilespmem:s18+$0x300];
	_ =	sdelay $0x4  }
0x4eb: {  	v26 =	vshll.u32 v5, $0x3  }
0x4ec: {  	v27 =	vand.u32 $0x7F, v5;
	v6 =	vand.u32 $0xC00, v26  }
0x4ed: {  	v6 =	vor.u32 v6, v27  }
0x4ee: {  	v6 =	vor.u32 v4, v6  }
0x4ef: {  	v5 =	vadd.s32 $0x400, v5  }
0x4f0: {  	v5 =	vshra.s32 v5, $0x6  }
0x4f1: {  	v5 =	vand.u32 $0xFFFFFFF8, v5  }
0x4f2: {  	v5 =	vshll.u32 v1, v5  }
0x4f3: {  	[tilespmem:v6+s13+$0x0] =	vst.idx.add.s32.msk $0xffff, v5  }
0x4f4: {  	v5 =	vld [tilespmem:s19+$0x380];
	_ =	sdelay $0x4  }
0x4f5: {  	v28 =	vshll.u32 v5, $0x3  }
0x4f6: {  	v29 =	vand.u32 $0x7F, v5;
	v6 =	vand.u32 $0xC00, v28  }
0x4f7: {  	v6 =	vor.u32 v6, v29  }
0x4f8: {  	v6 =	vor.u32 v4, v6;
	_ =	sdelay $0x1  }
0x4f9: {  	v5 =	vshra.s32 v5, $0x6  }
0x4fa: {  	v5 =	vand.u32 $0xFFFFFFF8, v5  }
0x4fb: {  	v5 =	vshll.u32 v1, v5  }
0x4fc: {  	[tilespmem:v6+s13+$0x0] =	vst.idx.add.s32.msk $0xffff, v5  }
0x4fd: {  	v5 =	vld [tilespmem:s18+$0x380];
	_ =	sdelay $0x4  }
0x4fe: {  	v30 =	vshll.u32 v5, $0x3  }
0x4ff: {  	v31 =	vand.u32 $0x7F, v5;
	v6 =	vand.u32 $0xC00, v30  }
0x500: {  	v6 =	vor.u32 v6, v31  }
0x501: {  	v6 =	vor.u32 v4, v6  }
0x502: {  	v5 =	vadd.s32 $0x400, v5  }
0x503: {  	v5 =	vshra.s32 v5, $0x6  }
0x504: {  	v5 =	vand.u32 $0xFFFFFFF8, v5  }
0x505: {  	v5 =	vshll.u32 v1, v5  }
0x506: {  	[tilespmem:v6+s13+$0x0] =	vst.idx.add.s32.msk $0xffff, v5  }
0x507: {  	v5 =	vld [tilespmem:s19+$0x400];
	_ =	sdelay $0x4  }
0x508: {  	v32 =	vshll.u32 v5, $0x3  }
0x509: {  	v33 =	vand.u32 $0x7F, v5;
	v6 =	vand.u32 $0xC00, v32  }
0x50a: {  	v6 =	vor.u32 v6, v33  }
0x50b: {  	v6 =	vor.u32 v4, v6;
	_ =	sdelay $0x1  }
0x50c: {  	v5 =	vshra.s32 v5, $0x6  }
0x50d: {  	v5 =	vand.u32 $0xFFFFFFF8, v5  }
0x50e: {  	v5 =	vshll.u32 v1, v5  }
0x50f: {  	[tilespmem:v6+s13+$0x0] =	vst.idx.add.s32.msk $0xffff, v5  }
0x510: {  	v5 =	vld [tilespmem:s18+$0x400];
	_ =	sdelay $0x4  }
0x511: {  	v34 =	vshll.u32 v5, $0x3  }
0x512: {  	v35 =	vand.u32 $0x7F, v5;
	v6 =	vand.u32 $0xC00, v34  }
0x513: {  	v6 =	vor.u32 v6, v35  }
0x514: {  	v6 =	vor.u32 v4, v6  }
0x515: {  	v5 =	vadd.s32 $0x400, v5  }
0x516: {  	v5 =	vshra.s32 v5, $0x6  }
0x517: {  	v5 =	vand.u32 $0xFFFFFFF8, v5  }
0x518: {  	v5 =	vshll.u32 v1, v5  }
0x519: {  	[tilespmem:v6+s13+$0x0] =	vst.idx.add.s32.msk $0xffff, v5  }
0x51a: {  	v5 =	vld [tilespmem:s19+$0x480];
	_ =	sdelay $0x4  }
0x51b: {  	v36 =	vshll.u32 v5, $0x3  }
0x51c: {  	v37 =	vand.u32 $0x7F, v5;
	v6 =	vand.u32 $0xC00, v36  }
0x51d: {  	v6 =	vor.u32 v6, v37  }
0x51e: {  	v6 =	vor.u32 v4, v6;
	_ =	sdelay $0x1  }
0x51f: {  	v5 =	vshra.s32 v5, $0x6  }
0x520: {  	v5 =	vand.u32 $0xFFFFFFF8, v5  }
0x521: {  	v5 =	vshll.u32 v1, v5  }
0x522: {  	[tilespmem:v6+s13+$0x0] =	vst.idx.add.s32.msk $0xffff, v5  }
0x523: {  	v5 =	vld [tilespmem:s18+$0x480];
	_ =	sdelay $0x4  }
0x524: {  	v38 =	vshll.u32 v5, $0x3  }
0x525: {  	v39 =	vand.u32 $0x7F, v5;
	v6 =	vand.u32 $0xC00, v38  }
0x526: {  	v6 =	vor.u32 v6, v39  }
0x527: {  	v6 =	vor.u32 v4, v6  }
0x528: {  	v5 =	vadd.s32 $0x400, v5  }
0x529: {  	v5 =	vshra.s32 v5, $0x6  }
0x52a: {  	v5 =	vand.u32 $0xFFFFFFF8, v5  }
0x52b: {  	v5 =	vshll.u32 v1, v5  }
0x52c: {  	[tilespmem:v6+s13+$0x0] =	vst.idx.add.s32.msk $0xffff, v5  }
0x52d: {  	v5 =	vld [tilespmem:s19+$0x500];
	_ =	sdelay $0x4  }
0x52e: {  	v40 =	vshll.u32 v5, $0x3  }
0x52f: {  	v41 =	vand.u32 $0x7F, v5;
	v6 =	vand.u32 $0xC00, v40  }
0x530: {  	v6 =	vor.u32 v6, v41  }
0x531: {  	v6 =	vor.u32 v4, v6;
	_ =	sdelay $0x1  }
0x532: {  	v5 =	vshra.s32 v5, $0x6  }
0x533: {  	v5 =	vand.u32 $0xFFFFFFF8, v5  }
0x534: {  	v5 =	vshll.u32 v1, v5  }
0x535: {  	[tilespmem:v6+s13+$0x0] =	vst.idx.add.s32.msk $0xffff, v5  }
0x536: {  	v5 =	vld [tilespmem:s18+$0x500];
	_ =	sdelay $0x4  }
0x537: {  	v42 =	vshll.u32 v5, $0x3  }
0x538: {  	v43 =	vand.u32 $0x7F, v5;
	v6 =	vand.u32 $0xC00, v42  }
0x539: {  	v6 =	vor.u32 v6, v43  }
0x53a: {  	v6 =	vor.u32 v4, v6  }
0x53b: {  	v5 =	vadd.s32 $0x400, v5  }
0x53c: {  	v5 =	vshra.s32 v5, $0x6  }
0x53d: {  	v5 =	vand.u32 $0xFFFFFFF8, v5  }
0x53e: {  	v5 =	vshll.u32 v1, v5  }
0x53f: {  	[tilespmem:v6+s13+$0x0] =	vst.idx.add.s32.msk $0xffff, v5  }
0x540: {  	v5 =	vld [tilespmem:s19+$0x580];
	_ =	sdelay $0x4  }
0x541: {  	v44 =	vshll.u32 v5, $0x3  }
0x542: {  	v45 =	vand.u32 $0x7F, v5;
	v6 =	vand.u32 $0xC00, v44  }
0x543: {  	v6 =	vor.u32 v6, v45  }
0x544: {  	v6 =	vor.u32 v4, v6;
	_ =	sdelay $0x1  }
0x545: {  	v5 =	vshra.s32 v5, $0x6  }
0x546: {  	v5 =	vand.u32 $0xFFFFFFF8, v5  }
0x547: {  	v5 =	vshll.u32 v1, v5  }
0x548: {  	[tilespmem:v6+s13+$0x0] =	vst.idx.add.s32.msk $0xffff, v5  }
0x549: {  	v5 =	vld [tilespmem:s18+$0x580];
	_ =	sdelay $0x4  }
0x54a: {  	v46 =	vshll.u32 v5, $0x3  }
0x54b: {  	v47 =	vand.u32 $0x7F, v5;
	v6 =	vand.u32 $0xC00, v46  }
0x54c: {  	v6 =	vor.u32 v6, v47  }
0x54d: {  	v6 =	vor.u32 v4, v6  }
0x54e: {  	v5 =	vadd.s32 $0x400, v5  }
0x54f: {  	v5 =	vshra.s32 v5, $0x6  }
0x550: {  	v5 =	vand.u32 $0xFFFFFFF8, v5  }
0x551: {  	v5 =	vshll.u32 v1, v5  }
0x552: {  	[tilespmem:v6+s13+$0x0] =	vst.idx.add.s32.msk $0xffff, v5  }
0x553: {  	v5 =	vld [tilespmem:s19+$0x600];
	_ =	sdelay $0x4  }
0x554: {  	v48 =	vshll.u32 v5, $0x3  }
0x555: {  	v49 =	vand.u32 $0x7F, v5;
	v6 =	vand.u32 $0xC00, v48  }
0x556: {  	v6 =	vor.u32 v6, v49  }
0x557: {  	v6 =	vor.u32 v4, v6;
	_ =	sdelay $0x1  }
0x558: {  	v5 =	vshra.s32 v5, $0x6  }
0x559: {  	v5 =	vand.u32 $0xFFFFFFF8, v5  }
0x55a: {  	v5 =	vshll.u32 v1, v5  }
0x55b: {  	[tilespmem:v6+s13+$0x0] =	vst.idx.add.s32.msk $0xffff, v5  }
0x55c: {  	v5 =	vld [tilespmem:s18+$0x600];
	_ =	sdelay $0x4  }
0x55d: {  	v50 =	vshll.u32 v5, $0x3  }
0x55e: {  	v51 =	vand.u32 $0x7F, v5;
	v6 =	vand.u32 $0xC00, v50  }
0x55f: {  	v6 =	vor.u32 v6, v51  }
0x560: {  	v6 =	vor.u32 v4, v6  }
0x561: {  	v5 =	vadd.s32 $0x400, v5  }
0x562: {  	v5 =	vshra.s32 v5, $0x6  }
0x563: {  	v5 =	vand.u32 $0xFFFFFFF8, v5  }
0x564: {  	v5 =	vshll.u32 v1, v5  }
0x565: {  	[tilespmem:v6+s13+$0x0] =	vst.idx.add.s32.msk $0xffff, v5  }
0x566: {  	v5 =	vld [tilespmem:s19+$0x680];
	_ =	sdelay $0x4  }
0x567: {  	v52 =	vshll.u32 v5, $0x3  }
0x568: {  	v53 =	vand.u32 $0x7F, v5;
	v6 =	vand.u32 $0xC00, v52  }
0x569: {  	v6 =	vor.u32 v6, v53  }
0x56a: {  	v6 =	vor.u32 v4, v6;
	_ =	sdelay $0x1  }
0x56b: {  	v5 =	vshra.s32 v5, $0x6  }
0x56c: {  	v5 =	vand.u32 $0xFFFFFFF8, v5  }
0x56d: {  	v5 =	vshll.u32 v1, v5  }
0x56e: {  	[tilespmem:v6+s13+$0x0] =	vst.idx.add.s32.msk $0xffff, v5  }
0x56f: {  	v5 =	vld [tilespmem:s18+$0x680];
	_ =	sdelay $0x4  }
0x570: {  	v54 =	vshll.u32 v5, $0x3  }
0x571: {  	v55 =	vand.u32 $0x7F, v5;
	v6 =	vand.u32 $0xC00, v54  }
0x572: {  	v6 =	vor.u32 v6, v55  }
0x573: {  	v6 =	vor.u32 v4, v6  }
0x574: {  	v5 =	vadd.s32 $0x400, v5  }
0x575: {  	v5 =	vshra.s32 v5, $0x6  }
0x576: {  	v5 =	vand.u32 $0xFFFFFFF8, v5  }
0x577: {  	v5 =	vshll.u32 v1, v5  }
0x578: {  	[tilespmem:v6+s13+$0x0] =	vst.idx.add.s32.msk $0xffff, v5  }
0x579: {  	v5 =	vld [tilespmem:s19+$0x700];
	_ =	sdelay $0x4  }
0x57a: {  	v56 =	vshll.u32 v5, $0x3  }
0x57b: {  	v57 =	vand.u32 $0x7F, v5;
	v6 =	vand.u32 $0xC00, v56  }
0x57c: {  	v6 =	vor.u32 v6, v57  }
0x57d: {  	v6 =	vor.u32 v4, v6;
	_ =	sdelay $0x1  }
0x57e: {  	v5 =	vshra.s32 v5, $0x6  }
0x57f: {  	v5 =	vand.u32 $0xFFFFFFF8, v5  }
0x580: {  	v5 =	vshll.u32 v1, v5  }
0x581: {  	[tilespmem:v6+s13+$0x0] =	vst.idx.add.s32.msk $0xffff, v5  }
0x582: {  	v5 =	vld [tilespmem:s18+$0x700];
	_ =	sdelay $0x4  }
0x583: {  	v58 =	vshll.u32 v5, $0x3  }
0x584: {  	v59 =	vand.u32 $0x7F, v5;
	v6 =	vand.u32 $0xC00, v58  }
0x585: {  	v6 =	vor.u32 v6, v59  }
0x586: {  	v6 =	vor.u32 v4, v6  }
0x587: {  	v5 =	vadd.s32 $0x400, v5  }
0x588: {  	v5 =	vshra.s32 v5, $0x6  }
0x589: {  	v5 =	vand.u32 $0xFFFFFFF8, v5  }
0x58a: {  	v5 =	vshll.u32 v1, v5  }
0x58b: {  	[tilespmem:v6+s13+$0x0] =	vst.idx.add.s32.msk $0xffff, v5  }
0x58c: {  	v5 =	vld [tilespmem:s19+$0x780];
	_ =	sdelay $0x4  }
0x58d: {  	v60 =	vshll.u32 v5, $0x3  }
0x58e: {  	v61 =	vand.u32 $0x7F, v5;
	v6 =	vand.u32 $0xC00, v60  }
0x58f: {  	v6 =	vor.u32 v6, v61  }
0x590: {  	v6 =	vor.u32 v4, v6;
	_ =	sdelay $0x1  }
0x591: {  	v5 =	vshra.s32 v5, $0x6  }
0x592: {  	v5 =	vand.u32 $0xFFFFFFF8, v5  }
0x593: {  	v5 =	vshll.u32 v1, v5  }
0x594: {  	[tilespmem:v6+s13+$0x0] =	vst.idx.add.s32.msk $0xffff, v5  }
0x595: {  	v5 =	vld [tilespmem:s18+$0x780];
	_ =	sdelay $0x4  }
0x596: {  	v62 =	vshll.u32 v5, $0x3  }
0x597: {  	v63 =	vand.u32 $0x7F, v5;
	v6 =	vand.u32 $0xC00, v62  }
0x598: {  	v6 =	vor.u32 v6, v63  }
0x599: {  	p0 =	sne.s32 s17, $0x30;
	v4 =	vor.u32 v4, v6  }
.Ltmp3:
0x59a: {  	v5 =	vadd.s32 $0x400, v5;
	(pc) =	sbr.rel @p0 .LBB2_8-.Ltmp3, $4  }
0x59b: {  	v5 =	vshra.s32 v5, $0x6  }
0x59c: {  	v5 =	vand.u32 $0xFFFFFFF8, v5  }
0x59d: {  	v5 =	vshll.u32 v1, v5  }
0x59e: {  	s17 =	sadd.s32 $0x10, s17;
	s19 =	sadd.s32 $0x10, s19;
	s18 =	sadd.s32 $0x10, s18;
	[tilespmem:v4+s13+$0x0] =	vst.idx.add.s32.msk $0xffff, v5  }
0x59f: {  	[hbm4b:s6+s2] =	stream.linear.scatter [tilespmem:s13], [sflag:$0x2], $0x8000, $0x38;
	[tilespmem:$0x12000] =	vst v63  }
0x5a0: {  	s16 =	sadd.s32 $0x1, s16  }
0x5a1: {  	_ =	swait.ge [sflag:s14], $0x8000;
	p0 =	sne.s32 s16, s7  }
.Ltmp4:
0x5a2: {  	[sflag:s14] =	ssyncset.done $0x0;
	(pc) =	sbr.rel @p0 .LBB2_1-.Ltmp4, $4  }
0x5a3: {  	[sflag:s14] =	ssyncadd.s32 $0xFFFF8000  }
0x5a4: {  	_ =	swait.ge [sflag:s15], $0x8000  }
0x5a5: {  	[sflag:s15] =	ssyncset.done $0x0  }
0x5a6: {  	[sflag:s15] =	ssyncadd.s32 $0xFFFF8000  }
0x5a7: {  	_ =	sfence.sel $0x180000  }
0x5a8: {  	[bflag:$0x0] =	sbarrier.arrive $0xFFFF  }
0x5a9: {  	p0 =	sne.s32 s0, $0x0;
	_ =	strace $0x90000047  }
0x5aa: {  	s0 =	sadd.s32 @!p0 $0x100000, s1;
	[bflag:$0x2] =	sbarrier.arrive $0xFFFF  }
0x5ab: {  	[sflag:s0] =	ssyncadd.tile.s32 @!p0 $0x1;
	_ =	shalt  }
.Lfunc_end2:
_tile_overlayer_lowered:
.L_overlay_start_2:
0x5ac: {  	(tag) =	ssettag $0x2  }
0x5ad: {  	s0 =	rddreg [dreg:$0x0];
	s2 =	stileid.u32  }
0x5ae: {  	s1 =	rddreg [dreg:$0x1];
	p0 =	sne.s32 s2, $0x0  }
0x5af: {  	s3 =	rddreg [dreg:$0x2];
	[bflag:$0x3] =	sbarrier.arrive $0xFFFF;
	s2 =	simm.s32 @!p0 $0x1C04  }
0x5b0: {  	[timem:s3], [sflag:s2] =	dma.local @!p0 [hbm:s0], s1  }
0x5b1: {  	s0 =	simm.s32 @!p0 $0x4  }
0x5b2: {  	_ =	swait.ge @!p0 [sflag:s0], s1  }
0x5b3: {  	s1 =	ssub.s32 @!p0 $0x0, s1;
	[sflag:s0] =	ssyncset.done @!p0 $0x0  }
0x5b4: {  	[sflag:s0] =	ssyncadd.s32 @!p0 s1  }
0x5b5: {  	[bflag:$0x3] =	sbarrier.arrive $0xFFFF  }
0x5b6: {  	_ =	shalt  }

</sc_bundles>
